<compile_context>
chip_gen: v7x
topology: tpu7x:2x2x1
jax: 0.10.2.dev20260603
libtpu: 0.0.44.dev20260713+nightly
codegen_flags: <defaults>
</compile_context>

<pallas_src>
import functools

import jax
import jax.numpy as jnp
from jax import lax
from jax.experimental import pallas as pl
from jax.experimental.pallas import tpu as pltpu
from jax.experimental.pallas import tpu_sc as plsc

N = 100000
E = 1600000
NC = 2
NS = 16
N_PAD = 100096
D = 16
EPT = E // (NC * NS)
CHUNK = 400
NCHUNK = EPT // CHUNK
HROWS = N_PAD // 2
RPT = HROWS // NS
RHLF = RPT // 4


@functools.lru_cache(maxsize=None)
def _make_seg_sum():
    mesh = plsc.VectorSubcoreMesh(
        core_axis_name="c", subcore_axis_name="s",
        num_cores=NC, num_subcores=NS)

    @functools.partial(
        pl.kernel,
        mesh=mesh,
        compiler_params=pltpu.CompilerParams(use_tc_tiling_on_sc=False),
        out_type=jax.ShapeDtypeStruct((NC, HROWS, D), jnp.float32),
        scratch_types=[
            pltpu.VMEM((CHUNK,), jnp.int32),
            pltpu.VMEM((CHUNK,), jnp.int32),
            pltpu.VMEM((CHUNK,), jnp.int32),
            pltpu.VMEM((CHUNK,), jnp.int32),
            pltpu.VMEM((CHUNK,), jnp.int32),
            pltpu.VMEM((CHUNK,), jnp.int32),
            pltpu.VMEM((CHUNK, D), jnp.float32),
            pltpu.VMEM((CHUNK, D), jnp.float32),
            pltpu.VMEM((RHLF, D), jnp.float32),
            pltpu.VMEM_SHARED((HROWS, D), jnp.float32),
            pltpu.SemaphoreType.DMA,
            pltpu.SemaphoreType.DMA,
            pltpu.SemaphoreType.DMA,
            pltpu.SemaphoreType.DMA,
            pltpu.SemaphoreType.DMA,
            pltpu.SemaphoreType.DMA,
            pltpu.SemaphoreType.DMA,
            pltpu.SemaphoreType.DMA,
        ],
    )
    def seg_sum(table, src, dst, zeros, out,
                src_v0, src_v1, dst_v0, dst_v1, dstm_v0, dstm_v1,
                rows_v0, rows_v1, stage_v, acc_sh,
                ssem0, ssem1, dsem0, dsem1, gsem0, gsem1, psem0, psem1):
        c = lax.axis_index("c")
        s = lax.axis_index("s")
        rbase = s * RPT
        SRC = (src_v0, src_v1)
        DST = (dst_v0, dst_v1)
        DSTM = (dstm_v0, dstm_v1)
        ROWS = (rows_v0, rows_v1)
        SSEM = (ssem0, ssem1)
        DSEM = (dsem0, dsem1)
        GSEM = (gsem0, gsem1)
        PSEM = (psem0, psem1)

        pltpu.sync_copy(zeros, stage_v)
        for j in range(4):
            pltpu.sync_copy(stage_v, acc_sh.at[pl.ds(rbase + j * RHLF, RHLF)])
        plsc.subcore_barrier()

        def issue_idx(i, b):
            eb = (c * NS + s) * EPT + jnp.minimum(i, NCHUNK - 1) * CHUNK
            pltpu.async_copy(src.at[pl.ds(eb, CHUNK)], SRC[b], SSEM[b])
            pltpu.async_copy(dst.at[pl.ds(eb, CHUNK)], DST[b], DSEM[b])

        def wait_idx(b):
            pltpu.make_async_copy(src.at[pl.ds(0, CHUNK)], SRC[b], SSEM[b]).wait()
            pltpu.make_async_copy(dst.at[pl.ds(0, CHUNK)], DST[b], DSEM[b]).wait()

        def remap(b):
            def body(k, _):
                off = k * 16
                s16 = SRC[b][pl.ds(off, 16)]
                d16 = DST[b][pl.ds(off, 16)]
                SRC[b][pl.ds(off, 16)] = 2 * s16 + (d16 & 1)
                DSTM[b][pl.ds(off, 16)] = d16 >> 1
                return 0
            lax.fori_loop(0, CHUNK // 16, body, 0)

        def gather_start(b):
            pltpu.async_copy(table.at[SRC[b]], ROWS[b], GSEM[b])

        def gather_wait(b):
            pltpu.make_async_copy(table.at[SRC[b]], ROWS[b], GSEM[b]).wait()

        def scatter_start(b):
            pltpu.async_copy(ROWS[b], acc_sh.at[DSTM[b]], PSEM[b], add=True)

        def scatter_wait(b):
            pltpu.make_async_copy(ROWS[b], acc_sh.at[DSTM[b]], PSEM[b]).wait()

        def run_chunk(i, b):
            wait_idx(b)
            remap(b)
            gather_start(b)
            gather_wait(b)
            scatter_start(b)
            issue_idx(i + 2, b)

        issue_idx(0, 0)
        issue_idx(1, 1)
        run_chunk(0, 0)
        run_chunk(1, 1)

        def pair_body(j, _):
            for b in range(2):
                scatter_wait(b)
                run_chunk(2 * j + b, b)
            return 0

        lax.fori_loop(1, NCHUNK // 2, pair_body, 0)
        scatter_wait(0)
        run_chunk(NCHUNK - 1, 0)
        for b in range(2):
            scatter_wait(b)
            wait_idx(b)
        plsc.subcore_barrier()
        for j in range(4):
            pltpu.sync_copy(acc_sh.at[pl.ds(rbase + j * RHLF, RHLF)], stage_v)
            pltpu.sync_copy(stage_v, out.at[c, pl.ds(rbase + j * RHLF, RHLF)])

    return seg_sum


def _seg_sum(table2, src, dst):
    zeros = jnp.zeros((RHLF, D), jnp.float32)
    acc = _make_seg_sum()(table2, src, dst, zeros)
    accsum = acc[0] + acc[1]
    return accsum[:, :8].reshape(N_PAD, 4)


_BLK = 2048


def _phase2_body(acc_ref, x_ref, w1l_ref, b1_ref, w1r_ref, w2l_ref,
                 w2r_ref, p_ref, q_ref, invc_ref):
    s = acc_ref[...]
    cnt = jnp.maximum(s[:, 2:3], 1.0)
    invc = 1.0 / cnt
    m = s[:, 0:2] * invc
    xb = x_ref[...]
    h = (jnp.dot(m, w1l_ref[...].T, preferred_element_type=jnp.float32)
         + jnp.dot(xb, w1r_ref[...].T, preferred_element_type=jnp.float32)
         + b1_ref[...])
    h = jnp.maximum(h, 0.0)
    p_ref[...] = jnp.dot(h, w2l_ref[...].T, preferred_element_type=jnp.float32)
    q_ref[...] = jnp.dot(h, w2r_ref[...].T, preferred_element_type=jnp.float32)
    invc_ref[...] = invc


def _phase2(acc1, x, W1_l, b1, W1_r, W2_l, W2_r):
    grid = (pl.cdiv(N, _BLK),)
    return pl.pallas_call(
        _phase2_body,
        grid=grid,
        in_specs=[
            pl.BlockSpec((_BLK, 4), lambda i: (i, 0)),
            pl.BlockSpec((_BLK, 2), lambda i: (i, 0)),
            pl.BlockSpec((32, 2), lambda i: (0, 0)),
            pl.BlockSpec((1, 32), lambda i: (0, 0)),
            pl.BlockSpec((32, 2), lambda i: (0, 0)),
            pl.BlockSpec((2, 32), lambda i: (0, 0)),
            pl.BlockSpec((2, 32), lambda i: (0, 0)),
        ],
        out_specs=[
            pl.BlockSpec((_BLK, 2), lambda i: (i, 0)),
            pl.BlockSpec((_BLK, 2), lambda i: (i, 0)),
            pl.BlockSpec((_BLK, 1), lambda i: (i, 0)),
        ],
        out_shape=[
            jax.ShapeDtypeStruct((N, 2), jnp.float32),
            jax.ShapeDtypeStruct((N, 2), jnp.float32),
            jax.ShapeDtypeStruct((N, 1), jnp.float32),
        ],
    )(acc1, x, W1_l, b1.reshape(1, 32), W1_r, W2_l, W2_r)


def _phase4_body(acc_ref, invc_ref, q_ref, b2_ref, out_ref):
    s = acc_ref[:, 0:2]
    o = s * invc_ref[...] + q_ref[...] + b2_ref[...]
    mx = jnp.max(o, axis=1, keepdims=True)
    lse = mx + jnp.log(jnp.sum(jnp.exp(o - mx), axis=1, keepdims=True))
    out_ref[...] = o - lse


def _phase4(acc2, invc, q, b2):
    grid = (pl.cdiv(N, _BLK),)
    return pl.pallas_call(
        _phase4_body,
        grid=grid,
        in_specs=[
            pl.BlockSpec((_BLK, 4), lambda i: (i, 0)),
            pl.BlockSpec((_BLK, 1), lambda i: (i, 0)),
            pl.BlockSpec((_BLK, 2), lambda i: (i, 0)),
            pl.BlockSpec((1, 2), lambda i: (0, 0)),
        ],
        out_specs=pl.BlockSpec((_BLK, 2), lambda i: (i, 0)),
        out_shape=jax.ShapeDtypeStruct((N, 2), jnp.float32),
    )(acc2, invc, q, b2.reshape(1, 2))


def _dual_table(payload3):
    r0 = jnp.concatenate([payload3, jnp.zeros((N, 13), jnp.float32)], axis=1)
    r1 = jnp.concatenate([jnp.zeros((N, 4), jnp.float32), payload3,
                          jnp.zeros((N, 9), jnp.float32)], axis=1)
    return jnp.stack([r0, r1], axis=1).reshape(2 * N, D)


def kernel(x, edge_index, W1_l, b1, W1_r, W2_l, b2, W2_r):
    src = edge_index[0]
    dst = edge_index[1]
    ones = jnp.ones((N, 1), jnp.float32)
    table1 = _dual_table(jnp.concatenate([x, ones], axis=1))
    acc1 = _seg_sum(table1, src, dst)
    p, q, invc = _phase2(acc1[:N], x, W1_l, b1, W1_r, W2_l, W2_r)
    table2 = _dual_table(jnp.concatenate([p, jnp.zeros((N, 1), jnp.float32)],
                                         axis=1))
    acc2 = _seg_sum(table2, src, dst)
    return _phase4(acc2[:N], invc, q, b2)

# --- scband reference (transcript-rebuilt; emitter-appended) ---
"""Pipeline reference for scband-fraud-gnn-22548578304372 (READ-ONLY COPY).

The authoritative reference and input builder live on the scoring server;
editing this copy changes nothing except your own understanding.
"""

import jax, jax.numpy as jnp
import numpy as np

N_NODES = 100000
N_EDGES = 1600000


def setup_inputs(seed: int = 0) -> dict:
    key = jax.random.key(seed)
    ks = jax.random.split(key, 9)
    x = jax.random.normal(ks[0], (N_NODES, 2), dtype=jnp.float32)
    edge_index = jax.random.randint(ks[1], (2, N_EDGES), 0, N_NODES, dtype=jnp.int32)
    # SAGEConv(2, 32): lin_l (neighbor agg path, with bias), lin_r (root path, no bias)
    W1_l = jax.random.normal(ks[2], (32, 2), dtype=jnp.float32) * 0.5
    b1 = jnp.zeros((32,), dtype=jnp.float32)
    W1_r = jax.random.normal(ks[3], (32, 2), dtype=jnp.float32) * 0.5
    # SAGEConv(32, 2)
    W2_l = jax.random.normal(ks[4], (2, 32), dtype=jnp.float32) * 0.15
    b2 = jnp.zeros((2,), dtype=jnp.float32)
    W2_r = jax.random.normal(ks[5], (2, 32), dtype=jnp.float32) * 0.15
    return {"x": x, "edge_index": edge_index, "W1_l": W1_l, "b1": b1, "W1_r": W1_r,
            "W2_l": W2_l, "b2": b2, "W2_r": W2_r}


def _sage_conv(x, edge_index, W_l, b, W_r):
    # PyG SAGEConv with mean aggregation:
    # out = lin_l(mean_{j in N(i)} x_j) + lin_r(x_i)
    src = edge_index[0]
    dst = edge_index[1]
    n = x.shape[0]
    msgs = jnp.take(x, src, axis=0)                      # gather source features
    summed = jax.ops.segment_sum(msgs, dst, num_segments=n)  # scatter-add at dst
    ones = jnp.ones((edge_index.shape[1],), dtype=x.dtype)
    cnt = jax.ops.segment_sum(ones, dst, num_segments=n)
    mean = summed / jnp.clip(cnt, 1.0, None)[:, None]
    return mean @ W_l.T + b + x @ W_r.T


def reference(x, edge_index, W1_l, b1, W1_r, W2_l, b2, W2_r):
    h = _sage_conv(x, edge_index, W1_l, b1, W1_r)
    h = jax.nn.relu(h)
    out = _sage_conv(h, edge_index, W2_l, b2, W2_r)
    return jax.nn.log_softmax(out, axis=1)

if __name__ == "__main__":
    import jax
    _d = setup_inputs()
    print(jax.jit(kernel)(*tuple(_d.values())))

</pallas_src>

<mosaic_0001>
#map = affine_map<(d0, d1) -> (0, 0)>
#map1 = affine_map<(d0, d1) -> (0)>
#map2 = affine_map<(d0, d1) -> (0, 0, 0)>
module attributes {stable_mosaic.version = 14 : i64} {
  func.func @seg_sum(%arg0: i32, %arg1: i32, %arg2: memref<200000x16xf32, #tpu.memory_space<hbm>>, %arg3: memref<1600000xi32, #tpu.memory_space<hbm>>, %arg4: memref<1600000xi32, #tpu.memory_space<hbm>>, %arg5: memref<782x16xf32, #tpu.memory_space<hbm>>, %arg6: memref<2x50048x16xf32, #tpu.memory_space<hbm>>, %arg7: memref<400xi32, #tpu.memory_space<vmem>>, %arg8: memref<400xi32, #tpu.memory_space<vmem>>, %arg9: memref<400xi32, #tpu.memory_space<vmem>>, %arg10: memref<400xi32, #tpu.memory_space<vmem>>, %arg11: memref<400xi32, #tpu.memory_space<vmem>>, %arg12: memref<400xi32, #tpu.memory_space<vmem>>, %arg13: memref<400x16xf32, #tpu.memory_space<vmem>>, %arg14: memref<400x16xf32, #tpu.memory_space<vmem>>, %arg15: memref<782x16xf32, #tpu.memory_space<vmem>>, %arg16: memref<50048x16xf32, #tpu.memory_space<vmem_shared>>, %arg17: memref<!tpu.dma_semaphore, #tpu.memory_space<semaphore_mem>>, %arg18: memref<!tpu.dma_semaphore, #tpu.memory_space<semaphore_mem>>, %arg19: memref<!tpu.dma_semaphore, #tpu.memory_space<semaphore_mem>>, %arg20: memref<!tpu.dma_semaphore, #tpu.memory_space<semaphore_mem>>, %arg21: memref<!tpu.dma_semaphore, #tpu.memory_space<semaphore_mem>>, %arg22: memref<!tpu.dma_semaphore, #tpu.memory_space<semaphore_mem>>, %arg23: memref<!tpu.dma_semaphore, #tpu.memory_space<semaphore_mem>>, %arg24: memref<!tpu.dma_semaphore, #tpu.memory_space<semaphore_mem>>) attributes {dimension_semantics = [#tpu.dimension_semantics<core_parallel>, #tpu.dimension_semantics<subcore_parallel>], iteration_bounds = array<i64: 2, 16>, scalar_prefetch = 0 : i64, scratch_operands = 18 : i64, tpu.core_type = #tpu.core_type<sc_vector_subcore>, window_params = [{transform_indices = #map}, {transform_indices = #map1}, {transform_indices = #map1}, {transform_indices = #map}, {transform_indices = #map2}]} {
    %mul3A = arith.constant 3128 : i32
    %mul3A_0 = arith.muli %arg1, %mul3A : i32
    "tpu.region"() ({
      %run_scoped3A = tpu.sem_alloc : memref<!tpu.dma_semaphore, #tpu.memory_space<semaphore_mem>>
      tpu.enqueue_dma source(%arg5 : memref<782x16xf32, #tpu.memory_space<hbm>>) target(%arg15 : memref<782x16xf32, #tpu.memory_space<vmem>>) target_semaphore(%run_scoped3A : memref<!tpu.dma_semaphore, #tpu.memory_space<semaphore_mem>>)
      tpu.wait_dma2 semaphore(%run_scoped3A : memref<!tpu.dma_semaphore, #tpu.memory_space<semaphore_mem>>) src(%arg5 : memref<782x16xf32, #tpu.memory_space<hbm>>) dst(%arg15 : memref<782x16xf32, #tpu.memory_space<vmem>>)
      tpu.yield
    }) : () -> ()
    %add3A = arith.constant 0 : i32
    %add3A_1 = arith.addi %mul3A_0, %add3A : i32
    "tpu.region"() ({
      %run_scoped3A = tpu.sem_alloc : memref<!tpu.dma_semaphore, #tpu.memory_space<semaphore_mem>>
      %dma_start3A_200 = arith.constant 0 : i32
      %dma_start3A_201 = tpu.memref_slice %arg16[%add3A_1, %dma_start3A_200] : memref<50048x16xf32, #tpu.memory_space<vmem_shared>> -> memref<782x16xf32, #tpu.memory_space<vmem_shared>>
      %dma_start3A_202 = arith.constant 0 : i32
      %dma_start3A_203 = tpu.memref_slice %arg16[%add3A_1, %dma_start3A_202] : memref<50048x16xf32, #tpu.memory_space<vmem_shared>> -> memref<782x16xf32, #tpu.memory_space<vmem_shared>>
      tpu.enqueue_dma source(%arg15 : memref<782x16xf32, #tpu.memory_space<vmem>>) target(%dma_start3A_203 : memref<782x16xf32, #tpu.memory_space<vmem_shared>>) target_semaphore(%run_scoped3A : memref<!tpu.dma_semaphore, #tpu.memory_space<semaphore_mem>>)
      %dma_wait3A_204 = arith.constant 0 : i32
      %dma_wait3A_205 = tpu.memref_slice %arg16[%add3A_1, %dma_wait3A_204] : memref<50048x16xf32, #tpu.memory_space<vmem_shared>> -> memref<782x16xf32, #tpu.memory_space<vmem_shared>>
      %dma_wait3A_206 = arith.constant 0 : i32
      %dma_wait3A_207 = tpu.memref_slice %arg16[%add3A_1, %dma_wait3A_206] : memref<50048x16xf32, #tpu.memory_space<vmem_shared>> -> memref<782x16xf32, #tpu.memory_space<vmem_shared>>
      tpu.wait_dma2 semaphore(%run_scoped3A : memref<!tpu.dma_semaphore, #tpu.memory_space<semaphore_mem>>) src(%arg15 : memref<782x16xf32, #tpu.memory_space<vmem>>) dst(%dma_wait3A_207 : memref<782x16xf32, #tpu.memory_space<vmem_shared>>)
      tpu.yield
    }) : () -> ()
    %add3A_2 = arith.constant 782 : i32
    %add3A_3 = arith.addi %mul3A_0, %add3A_2 : i32
    "tpu.region"() ({
      %run_scoped3A = tpu.sem_alloc : memref<!tpu.dma_semaphore, #tpu.memory_space<semaphore_mem>>
      %dma_start3A_200 = arith.constant 0 : i32
      %dma_start3A_201 = tpu.memref_slice %arg16[%add3A_3, %dma_start3A_200] : memref<50048x16xf32, #tpu.memory_space<vmem_shared>> -> memref<782x16xf32, #tpu.memory_space<vmem_shared>>
      %dma_start3A_202 = arith.constant 0 : i32
      %dma_start3A_203 = tpu.memref_slice %arg16[%add3A_3, %dma_start3A_202] : memref<50048x16xf32, #tpu.memory_space<vmem_shared>> -> memref<782x16xf32, #tpu.memory_space<vmem_shared>>
      tpu.enqueue_dma source(%arg15 : memref<782x16xf32, #tpu.memory_space<vmem>>) target(%dma_start3A_203 : memref<782x16xf32, #tpu.memory_space<vmem_shared>>) target_semaphore(%run_scoped3A : memref<!tpu.dma_semaphore, #tpu.memory_space<semaphore_mem>>)
      %dma_wait3A_204 = arith.constant 0 : i32
      %dma_wait3A_205 = tpu.memref_slice %arg16[%add3A_3, %dma_wait3A_204] : memref<50048x16xf32, #tpu.memory_space<vmem_shared>> -> memref<782x16xf32, #tpu.memory_space<vmem_shared>>
      %dma_wait3A_206 = arith.constant 0 : i32
      %dma_wait3A_207 = tpu.memref_slice %arg16[%add3A_3, %dma_wait3A_206] : memref<50048x16xf32, #tpu.memory_space<vmem_shared>> -> memref<782x16xf32, #tpu.memory_space<vmem_shared>>
      tpu.wait_dma2 semaphore(%run_scoped3A : memref<!tpu.dma_semaphore, #tpu.memory_space<semaphore_mem>>) src(%arg15 : memref<782x16xf32, #tpu.memory_space<vmem>>) dst(%dma_wait3A_207 : memref<782x16xf32, #tpu.memory_space<vmem_shared>>)
      tpu.yield
    }) : () -> ()
    %add3A_4 = arith.constant 1564 : i32
    %add3A_5 = arith.addi %mul3A_0, %add3A_4 : i32
    "tpu.region"() ({
      %run_scoped3A = tpu.sem_alloc : memref<!tpu.dma_semaphore, #tpu.memory_space<semaphore_mem>>
      %dma_start3A_200 = arith.constant 0 : i32
      %dma_start3A_201 = tpu.memref_slice %arg16[%add3A_5, %dma_start3A_200] : memref<50048x16xf32, #tpu.memory_space<vmem_shared>> -> memref<782x16xf32, #tpu.memory_space<vmem_shared>>
      %dma_start3A_202 = arith.constant 0 : i32
      %dma_start3A_203 = tpu.memref_slice %arg16[%add3A_5, %dma_start3A_202] : memref<50048x16xf32, #tpu.memory_space<vmem_shared>> -> memref<782x16xf32, #tpu.memory_space<vmem_shared>>
      tpu.enqueue_dma source(%arg15 : memref<782x16xf32, #tpu.memory_space<vmem>>) target(%dma_start3A_203 : memref<782x16xf32, #tpu.memory_space<vmem_shared>>) target_semaphore(%run_scoped3A : memref<!tpu.dma_semaphore, #tpu.memory_space<semaphore_mem>>)
      %dma_wait3A_204 = arith.constant 0 : i32
      %dma_wait3A_205 = tpu.memref_slice %arg16[%add3A_5, %dma_wait3A_204] : memref<50048x16xf32, #tpu.memory_space<vmem_shared>> -> memref<782x16xf32, #tpu.memory_space<vmem_shared>>
      %dma_wait3A_206 = arith.constant 0 : i32
      %dma_wait3A_207 = tpu.memref_slice %arg16[%add3A_5, %dma_wait3A_206] : memref<50048x16xf32, #tpu.memory_space<vmem_shared>> -> memref<782x16xf32, #tpu.memory_space<vmem_shared>>
      tpu.wait_dma2 semaphore(%run_scoped3A : memref<!tpu.dma_semaphore, #tpu.memory_space<semaphore_mem>>) src(%arg15 : memref<782x16xf32, #tpu.memory_space<vmem>>) dst(%dma_wait3A_207 : memref<782x16xf32, #tpu.memory_space<vmem_shared>>)
      tpu.yield
    }) : () -> ()
    %add3A_6 = arith.constant 2346 : i32
    %add3A_7 = arith.addi %mul3A_0, %add3A_6 : i32
    "tpu.region"() ({
      %run_scoped3A = tpu.sem_alloc : memref<!tpu.dma_semaphore, #tpu.memory_space<semaphore_mem>>
      %dma_start3A_200 = arith.constant 0 : i32
      %dma_start3A_201 = tpu.memref_slice %arg16[%add3A_7, %dma_start3A_200] : memref<50048x16xf32, #tpu.memory_space<vmem_shared>> -> memref<782x16xf32, #tpu.memory_space<vmem_shared>>
      %dma_start3A_202 = arith.constant 0 : i32
      %dma_start3A_203 = tpu.memref_slice %arg16[%add3A_7, %dma_start3A_202] : memref<50048x16xf32, #tpu.memory_space<vmem_shared>> -> memref<782x16xf32, #tpu.memory_space<vmem_shared>>
      tpu.enqueue_dma source(%arg15 : memref<782x16xf32, #tpu.memory_space<vmem>>) target(%dma_start3A_203 : memref<782x16xf32, #tpu.memory_space<vmem_shared>>) target_semaphore(%run_scoped3A : memref<!tpu.dma_semaphore, #tpu.memory_space<semaphore_mem>>)
      %dma_wait3A_204 = arith.constant 0 : i32
      %dma_wait3A_205 = tpu.memref_slice %arg16[%add3A_7, %dma_wait3A_204] : memref<50048x16xf32, #tpu.memory_space<vmem_shared>> -> memref<782x16xf32, #tpu.memory_space<vmem_shared>>
      %dma_wait3A_206 = arith.constant 0 : i32
      %dma_wait3A_207 = tpu.memref_slice %arg16[%add3A_7, %dma_wait3A_206] : memref<50048x16xf32, #tpu.memory_space<vmem_shared>> -> memref<782x16xf32, #tpu.memory_space<vmem_shared>>
      tpu.wait_dma2 semaphore(%run_scoped3A : memref<!tpu.dma_semaphore, #tpu.memory_space<semaphore_mem>>) src(%arg15 : memref<782x16xf32, #tpu.memory_space<vmem>>) dst(%dma_wait3A_207 : memref<782x16xf32, #tpu.memory_space<vmem_shared>>)
      tpu.yield
    }) : () -> ()
    %barrier3A = arith.constant 0 : index
    tpu.barrier barrier_id(%barrier3A)
    %mul3A_8 = arith.constant 16 : i32
    %mul3A_9 = arith.muli %arg0, %mul3A_8 : i32
    %add3A_10 = arith.addi %mul3A_9, %arg1 : i32
    %mul3A_11 = arith.constant 50000 : i32
    %mul3A_12 = arith.muli %add3A_10, %mul3A_11 : i32
    %min3A = arith.constant 0 : i32
    %min3A_13 = arith.constant 124 : i32
    %min3A_14 = arith.minsi %min3A, %min3A_13 : i32
    %mul3A_15 = arith.constant 400 : i32
    %mul3A_16 = arith.muli %min3A_14, %mul3A_15 : i32
    %add3A_17 = arith.addi %mul3A_12, %mul3A_16 : i32
    %dma_start3A = tpu.memref_slice %arg3[%add3A_17] : memref<1600000xi32, #tpu.memory_space<hbm>> -> memref<400xi32, #tpu.memory_space<hbm>>
    %dma_start3A_18 = tpu.memref_slice %arg3[%add3A_17] : memref<1600000xi32, #tpu.memory_space<hbm>> -> memref<400xi32, #tpu.memory_space<hbm>>
    tpu.enqueue_dma source(%dma_start3A_18 : memref<400xi32, #tpu.memory_space<hbm>>) target(%arg7 : memref<400xi32, #tpu.memory_space<vmem>>) target_semaphore(%arg17 : memref<!tpu.dma_semaphore, #tpu.memory_space<semaphore_mem>>)
    %dma_start3A_19 = tpu.memref_slice %arg4[%add3A_17] : memref<1600000xi32, #tpu.memory_space<hbm>> -> memref<400xi32, #tpu.memory_space<hbm>>
    %dma_start3A_20 = tpu.memref_slice %arg4[%add3A_17] : memref<1600000xi32, #tpu.memory_space<hbm>> -> memref<400xi32, #tpu.memory_space<hbm>>
    tpu.enqueue_dma source(%dma_start3A_20 : memref<400xi32, #tpu.memory_space<hbm>>) target(%arg9 : memref<400xi32, #tpu.memory_space<vmem>>) target_semaphore(%arg19 : memref<!tpu.dma_semaphore, #tpu.memory_space<semaphore_mem>>)
    %mul3A_21 = arith.constant 16 : i32
    %mul3A_22 = arith.muli %arg0, %mul3A_21 : i32
    %add3A_23 = arith.addi %mul3A_22, %arg1 : i32
    %mul3A_24 = arith.constant 50000 : i32
    %mul3A_25 = arith.muli %add3A_23, %mul3A_24 : i32
    %min3A_26 = arith.constant 1 : i32
    %min3A_27 = arith.constant 124 : i32
    %min3A_28 = arith.minsi %min3A_26, %min3A_27 : i32
    %mul3A_29 = arith.constant 400 : i32
    %mul3A_30 = arith.muli %min3A_28, %mul3A_29 : i32
    %add3A_31 = arith.addi %mul3A_25, %mul3A_30 : i32
    %dma_start3A_32 = tpu.memref_slice %arg3[%add3A_31] : memref<1600000xi32, #tpu.memory_space<hbm>> -> memref<400xi32, #tpu.memory_space<hbm>>
    %dma_start3A_33 = tpu.memref_slice %arg3[%add3A_31] : memref<1600000xi32, #tpu.memory_space<hbm>> -> memref<400xi32, #tpu.memory_space<hbm>>
    tpu.enqueue_dma source(%dma_start3A_33 : memref<400xi32, #tpu.memory_space<hbm>>) target(%arg8 : memref<400xi32, #tpu.memory_space<vmem>>) target_semaphore(%arg18 : memref<!tpu.dma_semaphore, #tpu.memory_space<semaphore_mem>>)
    %dma_start3A_34 = tpu.memref_slice %arg4[%add3A_31] : memref<1600000xi32, #tpu.memory_space<hbm>> -> memref<400xi32, #tpu.memory_space<hbm>>
    %dma_start3A_35 = tpu.memref_slice %arg4[%add3A_31] : memref<1600000xi32, #tpu.memory_space<hbm>> -> memref<400xi32, #tpu.memory_space<hbm>>
    tpu.enqueue_dma source(%dma_start3A_35 : memref<400xi32, #tpu.memory_space<hbm>>) target(%arg10 : memref<400xi32, #tpu.memory_space<vmem>>) target_semaphore(%arg20 : memref<!tpu.dma_semaphore, #tpu.memory_space<semaphore_mem>>)
    %dma_wait3A = arith.constant 0 : i32
    %dma_wait3A_36 = tpu.memref_slice %arg3[%dma_wait3A] : memref<1600000xi32, #tpu.memory_space<hbm>> -> memref<400xi32, #tpu.memory_space<hbm>>
    %dma_wait3A_37 = arith.constant 0 : i32
    %dma_wait3A_38 = tpu.memref_slice %arg3[%dma_wait3A_37] : memref<1600000xi32, #tpu.memory_space<hbm>> -> memref<400xi32, #tpu.memory_space<hbm>>
    tpu.wait_dma2 semaphore(%arg17 : memref<!tpu.dma_semaphore, #tpu.memory_space<semaphore_mem>>) src(%dma_wait3A_38 : memref<400xi32, #tpu.memory_space<hbm>>) dst(%arg7 : memref<400xi32, #tpu.memory_space<vmem>>)
    %dma_wait3A_39 = arith.constant 0 : i32
    %dma_wait3A_40 = tpu.memref_slice %arg4[%dma_wait3A_39] : memref<1600000xi32, #tpu.memory_space<hbm>> -> memref<400xi32, #tpu.memory_space<hbm>>
    %dma_wait3A_41 = arith.constant 0 : i32
    %dma_wait3A_42 = tpu.memref_slice %arg4[%dma_wait3A_41] : memref<1600000xi32, #tpu.memory_space<hbm>> -> memref<400xi32, #tpu.memory_space<hbm>>
    tpu.wait_dma2 semaphore(%arg19 : memref<!tpu.dma_semaphore, #tpu.memory_space<semaphore_mem>>) src(%dma_wait3A_42 : memref<400xi32, #tpu.memory_space<hbm>>) dst(%arg9 : memref<400xi32, #tpu.memory_space<vmem>>)
    %scan3A = arith.constant 0 : i32
    %scan3A_43 = arith.constant 0 : i32
    %scan3A_44 = arith.constant 25 : i32
    %scan3A_45 = arith.addi %scan3A_43, %scan3A_44 : i32
    %scan3A_46 = arith.constant 1 : i32
    %scan3A_47 = scf.for %scan3A_200 = %scan3A_43 to %scan3A_45 step %scan3A_46 iter_args(%scan3A_201 = %scan3A) -> (i32)  : i32 {
      %mul3A_202 = arith.constant 16 : i32
      %mul3A_203 = arith.muli %scan3A_200, %mul3A_202 : i32
      %get3A = arith.index_cast %mul3A_203 : i32 to index
      %get3A_204 = tpu.vector_load %arg7[%get3A] {strides = array<i32>} : memref<400xi32, #tpu.memory_space<vmem>>, vector<16xi32>,
      %get3A_205 = vector.shape_cast %get3A_204 : vector<16xi32> to vector<16xi32>
      %get3A_206 = arith.index_cast %mul3A_203 : i32 to index
      %get3A_207 = tpu.vector_load %arg9[%get3A_206] {strides = array<i32>} : memref<400xi32, #tpu.memory_space<vmem>>, vector<16xi32>,
      %get3A_208 = vector.shape_cast %get3A_207 : vector<16xi32> to vector<16xi32>
      %mul3A_209 = arith.constant 2 : i32
      %mul3A_210 = vector.broadcast %mul3A_209 : i32 to vector<16xi32>
      %mul3A_211 = arith.muli %mul3A_210, %get3A_205 : vector<16xi32>
      %and3A = arith.constant 1 : i32
      %and3A_212 = vector.broadcast %and3A : i32 to vector<16xi32>
      %and3A_213 = arith.andi %get3A_208, %and3A_212 : vector<16xi32>
      %add3A_214 = arith.addi %mul3A_211, %and3A_213 : vector<16xi32>
      %swap3A = arith.index_cast %mul3A_203 : i32 to index
      %swap3A_215 = tpu.vector_load %arg7[%swap3A] {strides = array<i32>} : memref<400xi32, #tpu.memory_space<vmem>>, vector<16xi32>,
      %swap3A_216 = vector.shape_cast %swap3A_215 : vector<16xi32> to vector<16xi32>
      %swap3A_217 = vector.shape_cast %add3A_214 : vector<16xi32> to vector<16xi32>
      tpu.vector_store %arg7[%swap3A], %swap3A_217 {strides = array<i32>} : memref<400xi32, #tpu.memory_space<vmem>>, vector<16xi32>,
      %shift_right_arithmetic3A = arith.constant 1 : i32
      %shift_right_arithmetic3A_218 = vector.broadcast %shift_right_arithmetic3A : i32 to vector<16xi32>
      %shift_right_arithmetic3A_219 = arith.shrsi %get3A_208, %shift_right_arithmetic3A_218 : vector<16xi32>
      %swap3A_220 = arith.index_cast %mul3A_203 : i32 to index
      %swap3A_221 = tpu.vector_load %arg11[%swap3A_220] {strides = array<i32>} : memref<400xi32, #tpu.memory_space<vmem>>, vector<16xi32>,
      %swap3A_222 = vector.shape_cast %swap3A_221 : vector<16xi32> to vector<16xi32>
      %swap3A_223 = vector.shape_cast %shift_right_arithmetic3A_219 : vector<16xi32> to vector<16xi32>
      tpu.vector_store %arg11[%swap3A_220], %swap3A_223 {strides = array<i32>} : memref<400xi32, #tpu.memory_space<vmem>>, vector<16xi32>,
      %scan3A_224 = arith.constant 0 : i32
      scf.yield %scan3A_224 : i32
    }
    %scan3A_48 = arith.constant 25 : i32
    %dma_start3A_49 = arith.constant 0 : i32
    %dma_start3A_50 = arith.constant 0 : i32
    %dma_start3A_51 = tpu.memref_slice %arg2[%dma_start3A_49, %dma_start3A_50] : memref<200000x16xf32, #tpu.memory_space<hbm>> -> memref<200000x16xf32, #tpu.memory_space<hbm>>
    tpu.enqueue_indirect_dma source(%dma_start3A_51 : memref<200000x16xf32, #tpu.memory_space<hbm>>) target(%arg13 : memref<400x16xf32, #tpu.memory_space<vmem>>) offsets(%arg7 : memref<400xi32, #tpu.memory_space<vmem>>) semaphore(%arg21 : memref<!tpu.dma_semaphore, #tpu.memory_space<semaphore_mem>>)
    %dma_wait3A_52 = arith.constant 0 : i32
    %dma_wait3A_53 = arith.constant 0 : i32
    %dma_wait3A_54 = tpu.memref_slice %arg2[%dma_wait3A_52, %dma_wait3A_53] : memref<200000x16xf32, #tpu.memory_space<hbm>> -> memref<200000x16xf32, #tpu.memory_space<hbm>>
    tpu.wait_indirect_dma semaphore(%arg21 : memref<!tpu.dma_semaphore, #tpu.memory_space<semaphore_mem>>) src(%dma_wait3A_54 : memref<200000x16xf32, #tpu.memory_space<hbm>>) dst(%arg13 : memref<400x16xf32, #tpu.memory_space<vmem>>)
    %dma_start3A_55 = arith.constant 0 : i32
    %dma_start3A_56 = arith.constant 0 : i32
    %dma_start3A_57 = tpu.memref_slice %arg16[%dma_start3A_55, %dma_start3A_56] : memref<50048x16xf32, #tpu.memory_space<vmem_shared>> -> memref<50048x16xf32, #tpu.memory_space<vmem_shared>>
    tpu.enqueue_indirect_dma source(%arg13 : memref<400x16xf32, #tpu.memory_space<vmem>>) target(%dma_start3A_57 : memref<50048x16xf32, #tpu.memory_space<vmem_shared>>) offsets(%arg11 : memref<400xi32, #tpu.memory_space<vmem>>) semaphore(%arg23 : memref<!tpu.dma_semaphore, #tpu.memory_space<semaphore_mem>>) {add = true}
    %mul3A_58 = arith.constant 16 : i32
    %mul3A_59 = arith.muli %arg0, %mul3A_58 : i32
    %add3A_60 = arith.addi %mul3A_59, %arg1 : i32
    %mul3A_61 = arith.constant 50000 : i32
    %mul3A_62 = arith.muli %add3A_60, %mul3A_61 : i32
    %min3A_63 = arith.constant 2 : i32
    %min3A_64 = arith.constant 124 : i32
    %min3A_65 = arith.minsi %min3A_63, %min3A_64 : i32
    %mul3A_66 = arith.constant 400 : i32
    %mul3A_67 = arith.muli %min3A_65, %mul3A_66 : i32
    %add3A_68 = arith.addi %mul3A_62, %mul3A_67 : i32
    %dma_start3A_69 = tpu.memref_slice %arg3[%add3A_68] : memref<1600000xi32, #tpu.memory_space<hbm>> -> memref<400xi32, #tpu.memory_space<hbm>>
    %dma_start3A_70 = tpu.memref_slice %arg3[%add3A_68] : memref<1600000xi32, #tpu.memory_space<hbm>> -> memref<400xi32, #tpu.memory_space<hbm>>
    tpu.enqueue_dma source(%dma_start3A_70 : memref<400xi32, #tpu.memory_space<hbm>>) target(%arg7 : memref<400xi32, #tpu.memory_space<vmem>>) target_semaphore(%arg17 : memref<!tpu.dma_semaphore, #tpu.memory_space<semaphore_mem>>)
    %dma_start3A_71 = tpu.memref_slice %arg4[%add3A_68] : memref<1600000xi32, #tpu.memory_space<hbm>> -> memref<400xi32, #tpu.memory_space<hbm>>
    %dma_start3A_72 = tpu.memref_slice %arg4[%add3A_68] : memref<1600000xi32, #tpu.memory_space<hbm>> -> memref<400xi32, #tpu.memory_space<hbm>>
    tpu.enqueue_dma source(%dma_start3A_72 : memref<400xi32, #tpu.memory_space<hbm>>) target(%arg9 : memref<400xi32, #tpu.memory_space<vmem>>) target_semaphore(%arg19 : memref<!tpu.dma_semaphore, #tpu.memory_space<semaphore_mem>>)
    %dma_wait3A_73 = arith.constant 0 : i32
    %dma_wait3A_74 = tpu.memref_slice %arg3[%dma_wait3A_73] : memref<1600000xi32, #tpu.memory_space<hbm>> -> memref<400xi32, #tpu.memory_space<hbm>>
    %dma_wait3A_75 = arith.constant 0 : i32
    %dma_wait3A_76 = tpu.memref_slice %arg3[%dma_wait3A_75] : memref<1600000xi32, #tpu.memory_space<hbm>> -> memref<400xi32, #tpu.memory_space<hbm>>
    tpu.wait_dma2 semaphore(%arg18 : memref<!tpu.dma_semaphore, #tpu.memory_space<semaphore_mem>>) src(%dma_wait3A_76 : memref<400xi32, #tpu.memory_space<hbm>>) dst(%arg8 : memref<400xi32, #tpu.memory_space<vmem>>)
    %dma_wait3A_77 = arith.constant 0 : i32
    %dma_wait3A_78 = tpu.memref_slice %arg4[%dma_wait3A_77] : memref<1600000xi32, #tpu.memory_space<hbm>> -> memref<400xi32, #tpu.memory_space<hbm>>
    %dma_wait3A_79 = arith.constant 0 : i32
    %dma_wait3A_80 = tpu.memref_slice %arg4[%dma_wait3A_79] : memref<1600000xi32, #tpu.memory_space<hbm>> -> memref<400xi32, #tpu.memory_space<hbm>>
    tpu.wait_dma2 semaphore(%arg20 : memref<!tpu.dma_semaphore, #tpu.memory_space<semaphore_mem>>) src(%dma_wait3A_80 : memref<400xi32, #tpu.memory_space<hbm>>) dst(%arg10 : memref<400xi32, #tpu.memory_space<vmem>>)
    %scan3A_81 = arith.constant 0 : i32
    %scan3A_82 = arith.constant 0 : i32
    %scan3A_83 = arith.constant 25 : i32
    %scan3A_84 = arith.addi %scan3A_82, %scan3A_83 : i32
    %scan3A_85 = arith.constant 1 : i32
    %scan3A_86 = scf.for %scan3A_200 = %scan3A_82 to %scan3A_84 step %scan3A_85 iter_args(%scan3A_201 = %scan3A_81) -> (i32)  : i32 {
      %mul3A_202 = arith.constant 16 : i32
      %mul3A_203 = arith.muli %scan3A_200, %mul3A_202 : i32
      %get3A = arith.index_cast %mul3A_203 : i32 to index
      %get3A_204 = tpu.vector_load %arg8[%get3A] {strides = array<i32>} : memref<400xi32, #tpu.memory_space<vmem>>, vector<16xi32>,
      %get3A_205 = vector.shape_cast %get3A_204 : vector<16xi32> to vector<16xi32>
      %get3A_206 = arith.index_cast %mul3A_203 : i32 to index
      %get3A_207 = tpu.vector_load %arg10[%get3A_206] {strides = array<i32>} : memref<400xi32, #tpu.memory_space<vmem>>, vector<16xi32>,
      %get3A_208 = vector.shape_cast %get3A_207 : vector<16xi32> to vector<16xi32>
      %mul3A_209 = arith.constant 2 : i32
      %mul3A_210 = vector.broadcast %mul3A_209 : i32 to vector<16xi32>
      %mul3A_211 = arith.muli %mul3A_210, %get3A_205 : vector<16xi32>
      %and3A = arith.constant 1 : i32
      %and3A_212 = vector.broadcast %and3A : i32 to vector<16xi32>
      %and3A_213 = arith.andi %get3A_208, %and3A_212 : vector<16xi32>
      %add3A_214 = arith.addi %mul3A_211, %and3A_213 : vector<16xi32>
      %swap3A = arith.index_cast %mul3A_203 : i32 to index
      %swap3A_215 = tpu.vector_load %arg8[%swap3A] {strides = array<i32>} : memref<400xi32, #tpu.memory_space<vmem>>, vector<16xi32>,
      %swap3A_216 = vector.shape_cast %swap3A_215 : vector<16xi32> to vector<16xi32>
      %swap3A_217 = vector.shape_cast %add3A_214 : vector<16xi32> to vector<16xi32>
      tpu.vector_store %arg8[%swap3A], %swap3A_217 {strides = array<i32>} : memref<400xi32, #tpu.memory_space<vmem>>, vector<16xi32>,
      %shift_right_arithmetic3A = arith.constant 1 : i32
      %shift_right_arithmetic3A_218 = vector.broadcast %shift_right_arithmetic3A : i32 to vector<16xi32>
      %shift_right_arithmetic3A_219 = arith.shrsi %get3A_208, %shift_right_arithmetic3A_218 : vector<16xi32>
      %swap3A_220 = arith.index_cast %mul3A_203 : i32 to index
      %swap3A_221 = tpu.vector_load %arg12[%swap3A_220] {strides = array<i32>} : memref<400xi32, #tpu.memory_space<vmem>>, vector<16xi32>,
      %swap3A_222 = vector.shape_cast %swap3A_221 : vector<16xi32> to vector<16xi32>
      %swap3A_223 = vector.shape_cast %shift_right_arithmetic3A_219 : vector<16xi32> to vector<16xi32>
      tpu.vector_store %arg12[%swap3A_220], %swap3A_223 {strides = array<i32>} : memref<400xi32, #tpu.memory_space<vmem>>, vector<16xi32>,
      %scan3A_224 = arith.constant 0 : i32
      scf.yield %scan3A_224 : i32
    }
    %scan3A_87 = arith.constant 25 : i32
    %dma_start3A_88 = arith.constant 0 : i32
    %dma_start3A_89 = arith.constant 0 : i32
    %dma_start3A_90 = tpu.memref_slice %arg2[%dma_start3A_88, %dma_start3A_89] : memref<200000x16xf32, #tpu.memory_space<hbm>> -> memref<200000x16xf32, #tpu.memory_space<hbm>>
    tpu.enqueue_indirect_dma source(%dma_start3A_90 : memref<200000x16xf32, #tpu.memory_space<hbm>>) target(%arg14 : memref<400x16xf32, #tpu.memory_space<vmem>>) offsets(%arg8 : memref<400xi32, #tpu.memory_space<vmem>>) semaphore(%arg22 : memref<!tpu.dma_semaphore, #tpu.memory_space<semaphore_mem>>)
    %dma_wait3A_91 = arith.constant 0 : i32
    %dma_wait3A_92 = arith.constant 0 : i32
    %dma_wait3A_93 = tpu.memref_slice %arg2[%dma_wait3A_91, %dma_wait3A_92] : memref<200000x16xf32, #tpu.memory_space<hbm>> -> memref<200000x16xf32, #tpu.memory_space<hbm>>
    tpu.wait_indirect_dma semaphore(%arg22 : memref<!tpu.dma_semaphore, #tpu.memory_space<semaphore_mem>>) src(%dma_wait3A_93 : memref<200000x16xf32, #tpu.memory_space<hbm>>) dst(%arg14 : memref<400x16xf32, #tpu.memory_space<vmem>>)
    %dma_start3A_94 = arith.constant 0 : i32
    %dma_start3A_95 = arith.constant 0 : i32
    %dma_start3A_96 = tpu.memref_slice %arg16[%dma_start3A_94, %dma_start3A_95] : memref<50048x16xf32, #tpu.memory_space<vmem_shared>> -> memref<50048x16xf32, #tpu.memory_space<vmem_shared>>
    tpu.enqueue_indirect_dma source(%arg14 : memref<400x16xf32, #tpu.memory_space<vmem>>) target(%dma_start3A_96 : memref<50048x16xf32, #tpu.memory_space<vmem_shared>>) offsets(%arg12 : memref<400xi32, #tpu.memory_space<vmem>>) semaphore(%arg24 : memref<!tpu.dma_semaphore, #tpu.memory_space<semaphore_mem>>) {add = true}
    %mul3A_97 = arith.constant 16 : i32
    %mul3A_98 = arith.muli %arg0, %mul3A_97 : i32
    %add3A_99 = arith.addi %mul3A_98, %arg1 : i32
    %mul3A_100 = arith.constant 50000 : i32
    %mul3A_101 = arith.muli %add3A_99, %mul3A_100 : i32
    %min3A_102 = arith.constant 3 : i32
    %min3A_103 = arith.constant 124 : i32
    %min3A_104 = arith.minsi %min3A_102, %min3A_103 : i32
    %mul3A_105 = arith.constant 400 : i32
    %mul3A_106 = arith.muli %min3A_104, %mul3A_105 : i32
    %add3A_107 = arith.addi %mul3A_101, %mul3A_106 : i32
    %dma_start3A_108 = tpu.memref_slice %arg3[%add3A_107] : memref<1600000xi32, #tpu.memory_space<hbm>> -> memref<400xi32, #tpu.memory_space<hbm>>
    %dma_start3A_109 = tpu.memref_slice %arg3[%add3A_107] : memref<1600000xi32, #tpu.memory_space<hbm>> -> memref<400xi32, #tpu.memory_space<hbm>>
    tpu.enqueue_dma source(%dma_start3A_109 : memref<400xi32, #tpu.memory_space<hbm>>) target(%arg8 : memref<400xi32, #tpu.memory_space<vmem>>) target_semaphore(%arg18 : memref<!tpu.dma_semaphore, #tpu.memory_space<semaphore_mem>>)
    %dma_start3A_110 = tpu.memref_slice %arg4[%add3A_107] : memref<1600000xi32, #tpu.memory_space<hbm>> -> memref<400xi32, #tpu.memory_space<hbm>>
    %dma_start3A_111 = tpu.memref_slice %arg4[%add3A_107] : memref<1600000xi32, #tpu.memory_space<hbm>> -> memref<400xi32, #tpu.memory_space<hbm>>
    tpu.enqueue_dma source(%dma_start3A_111 : memref<400xi32, #tpu.memory_space<hbm>>) target(%arg10 : memref<400xi32, #tpu.memory_space<vmem>>) target_semaphore(%arg20 : memref<!tpu.dma_semaphore, #tpu.memory_space<semaphore_mem>>)
    %scan3A_112 = arith.constant 0 : i32
    %scan3A_113 = arith.constant 1 : i32
    %scan3A_114 = arith.constant 61 : i32
    %scan3A_115 = arith.addi %scan3A_113, %scan3A_114 : i32
    %scan3A_116 = arith.constant 1 : i32
    %scan3A_117 = scf.for %scan3A_200 = %scan3A_113 to %scan3A_115 step %scan3A_116 iter_args(%scan3A_201 = %scan3A_112) -> (i32)  : i32 {
      %dma_wait3A_202 = arith.constant 0 : i32
      %dma_wait3A_203 = arith.constant 0 : i32
      %dma_wait3A_204 = tpu.memref_slice %arg16[%dma_wait3A_202, %dma_wait3A_203] : memref<50048x16xf32, #tpu.memory_space<vmem_shared>> -> memref<50048x16xf32, #tpu.memory_space<vmem_shared>>
      tpu.wait_indirect_dma semaphore(%arg23 : memref<!tpu.dma_semaphore, #tpu.memory_space<semaphore_mem>>) src(%arg13 : memref<400x16xf32, #tpu.memory_space<vmem>>) dst(%dma_wait3A_204 : memref<50048x16xf32, #tpu.memory_space<vmem_shared>>)
      %mul3A_205 = arith.constant 2 : i32
      %mul3A_206 = arith.muli %mul3A_205, %scan3A_200 : i32
      %add3A_207 = arith.constant 0 : i32
      %add3A_208 = arith.addi %mul3A_206, %add3A_207 : i32
      %dma_wait3A_209 = arith.constant 0 : i32
      %dma_wait3A_210 = tpu.memref_slice %arg3[%dma_wait3A_209] : memref<1600000xi32, #tpu.memory_space<hbm>> -> memref<400xi32, #tpu.memory_space<hbm>>
      %dma_wait3A_211 = arith.constant 0 : i32
      %dma_wait3A_212 = tpu.memref_slice %arg3[%dma_wait3A_211] : memref<1600000xi32, #tpu.memory_space<hbm>> -> memref<400xi32, #tpu.memory_space<hbm>>
      tpu.wait_dma2 semaphore(%arg17 : memref<!tpu.dma_semaphore, #tpu.memory_space<semaphore_mem>>) src(%dma_wait3A_212 : memref<400xi32, #tpu.memory_space<hbm>>) dst(%arg7 : memref<400xi32, #tpu.memory_space<vmem>>)
      %dma_wait3A_213 = arith.constant 0 : i32
      %dma_wait3A_214 = tpu.memref_slice %arg4[%dma_wait3A_213] : memref<1600000xi32, #tpu.memory_space<hbm>> -> memref<400xi32, #tpu.memory_space<hbm>>
      %dma_wait3A_215 = arith.constant 0 : i32
      %dma_wait3A_216 = tpu.memref_slice %arg4[%dma_wait3A_215] : memref<1600000xi32, #tpu.memory_space<hbm>> -> memref<400xi32, #tpu.memory_space<hbm>>
      tpu.wait_dma2 semaphore(%arg19 : memref<!tpu.dma_semaphore, #tpu.memory_space<semaphore_mem>>) src(%dma_wait3A_216 : memref<400xi32, #tpu.memory_space<hbm>>) dst(%arg9 : memref<400xi32, #tpu.memory_space<vmem>>)
      %scan3A_217 = arith.constant 0 : i32
      %scan3A_218 = arith.constant 0 : i32
      %scan3A_219 = arith.constant 25 : i32
      %scan3A_220 = arith.addi %scan3A_218, %scan3A_219 : i32
      %scan3A_221 = arith.constant 1 : i32
      %scan3A_222 = scf.for %scan3A_297 = %scan3A_218 to %scan3A_220 step %scan3A_221 iter_args(%scan3A_298 = %scan3A_217) -> (i32)  : i32 {
        %mul3A_299 = arith.constant 16 : i32
        %mul3A_300 = arith.muli %scan3A_297, %mul3A_299 : i32
        %get3A = arith.index_cast %mul3A_300 : i32 to index
        %get3A_301 = tpu.vector_load %arg7[%get3A] {strides = array<i32>} : memref<400xi32, #tpu.memory_space<vmem>>, vector<16xi32>,
        %get3A_302 = vector.shape_cast %get3A_301 : vector<16xi32> to vector<16xi32>
        %get3A_303 = arith.index_cast %mul3A_300 : i32 to index
        %get3A_304 = tpu.vector_load %arg9[%get3A_303] {strides = array<i32>} : memref<400xi32, #tpu.memory_space<vmem>>, vector<16xi32>,
        %get3A_305 = vector.shape_cast %get3A_304 : vector<16xi32> to vector<16xi32>
        %mul3A_306 = arith.constant 2 : i32
        %mul3A_307 = vector.broadcast %mul3A_306 : i32 to vector<16xi32>
        %mul3A_308 = arith.muli %mul3A_307, %get3A_302 : vector<16xi32>
        %and3A = arith.constant 1 : i32
        %and3A_309 = vector.broadcast %and3A : i32 to vector<16xi32>
        %and3A_310 = arith.andi %get3A_305, %and3A_309 : vector<16xi32>
        %add3A_311 = arith.addi %mul3A_308, %and3A_310 : vector<16xi32>
        %swap3A = arith.index_cast %mul3A_300 : i32 to index
        %swap3A_312 = tpu.vector_load %arg7[%swap3A] {strides = array<i32>} : memref<400xi32, #tpu.memory_space<vmem>>, vector<16xi32>,
        %swap3A_313 = vector.shape_cast %swap3A_312 : vector<16xi32> to vector<16xi32>
        %swap3A_314 = vector.shape_cast %add3A_311 : vector<16xi32> to vector<16xi32>
        tpu.vector_store %arg7[%swap3A], %swap3A_314 {strides = array<i32>} : memref<400xi32, #tpu.memory_space<vmem>>, vector<16xi32>,
        %shift_right_arithmetic3A = arith.constant 1 : i32
        %shift_right_arithmetic3A_315 = vector.broadcast %shift_right_arithmetic3A : i32 to vector<16xi32>
        %shift_right_arithmetic3A_316 = arith.shrsi %get3A_305, %shift_right_arithmetic3A_315 : vector<16xi32>
        %swap3A_317 = arith.index_cast %mul3A_300 : i32 to index
        %swap3A_318 = tpu.vector_load %arg11[%swap3A_317] {strides = array<i32>} : memref<400xi32, #tpu.memory_space<vmem>>, vector<16xi32>,
        %swap3A_319 = vector.shape_cast %swap3A_318 : vector<16xi32> to vector<16xi32>
        %swap3A_320 = vector.shape_cast %shift_right_arithmetic3A_316 : vector<16xi32> to vector<16xi32>
        tpu.vector_store %arg11[%swap3A_317], %swap3A_320 {strides = array<i32>} : memref<400xi32, #tpu.memory_space<vmem>>, vector<16xi32>,
        %scan3A_321 = arith.constant 0 : i32
        scf.yield %scan3A_321 : i32
      }
      %scan3A_223 = arith.constant 25 : i32
      %dma_start3A_224 = arith.constant 0 : i32
      %dma_start3A_225 = arith.constant 0 : i32
      %dma_start3A_226 = tpu.memref_slice %arg2[%dma_start3A_224, %dma_start3A_225] : memref<200000x16xf32, #tpu.memory_space<hbm>> -> memref<200000x16xf32, #tpu.memory_space<hbm>>
      tpu.enqueue_indirect_dma source(%dma_start3A_226 : memref<200000x16xf32, #tpu.memory_space<hbm>>) target(%arg13 : memref<400x16xf32, #tpu.memory_space<vmem>>) offsets(%arg7 : memref<400xi32, #tpu.memory_space<vmem>>) semaphore(%arg21 : memref<!tpu.dma_semaphore, #tpu.memory_space<semaphore_mem>>)
      %dma_wait3A_227 = arith.constant 0 : i32
      %dma_wait3A_228 = arith.constant 0 : i32
      %dma_wait3A_229 = tpu.memref_slice %arg2[%dma_wait3A_227, %dma_wait3A_228] : memref<200000x16xf32, #tpu.memory_space<hbm>> -> memref<200000x16xf32, #tpu.memory_space<hbm>>
      tpu.wait_indirect_dma semaphore(%arg21 : memref<!tpu.dma_semaphore, #tpu.memory_space<semaphore_mem>>) src(%dma_wait3A_229 : memref<200000x16xf32, #tpu.memory_space<hbm>>) dst(%arg13 : memref<400x16xf32, #tpu.memory_space<vmem>>)
      %dma_start3A_230 = arith.constant 0 : i32
      %dma_start3A_231 = arith.constant 0 : i32
      %dma_start3A_232 = tpu.memref_slice %arg16[%dma_start3A_230, %dma_start3A_231] : memref<50048x16xf32, #tpu.memory_space<vmem_shared>> -> memref<50048x16xf32, #tpu.memory_space<vmem_shared>>
      tpu.enqueue_indirect_dma source(%arg13 : memref<400x16xf32, #tpu.memory_space<vmem>>) target(%dma_start3A_232 : memref<50048x16xf32, #tpu.memory_space<vmem_shared>>) offsets(%arg11 : memref<400xi32, #tpu.memory_space<vmem>>) semaphore(%arg23 : memref<!tpu.dma_semaphore, #tpu.memory_space<semaphore_mem>>) {add = true}
      %add3A_233 = arith.constant 2 : i32
      %add3A_234 = arith.addi %add3A_208, %add3A_233 : i32
      %mul3A_235 = arith.constant 16 : i32
      %mul3A_236 = arith.muli %arg0, %mul3A_235 : i32
      %add3A_237 = arith.addi %mul3A_236, %arg1 : i32
      %mul3A_238 = arith.constant 50000 : i32
      %mul3A_239 = arith.muli %add3A_237, %mul3A_238 : i32
      %min3A_240 = arith.constant 124 : i32
      %min3A_241 = arith.minsi %add3A_234, %min3A_240 : i32
      %mul3A_242 = arith.constant 400 : i32
      %mul3A_243 = arith.muli %min3A_241, %mul3A_242 : i32
      %add3A_244 = arith.addi %mul3A_239, %mul3A_243 : i32
      %dma_start3A_245 = tpu.memref_slice %arg3[%add3A_244] : memref<1600000xi32, #tpu.memory_space<hbm>> -> memref<400xi32, #tpu.memory_space<hbm>>
      %dma_start3A_246 = tpu.memref_slice %arg3[%add3A_244] : memref<1600000xi32, #tpu.memory_space<hbm>> -> memref<400xi32, #tpu.memory_space<hbm>>
      tpu.enqueue_dma source(%dma_start3A_246 : memref<400xi32, #tpu.memory_space<hbm>>) target(%arg7 : memref<400xi32, #tpu.memory_space<vmem>>) target_semaphore(%arg17 : memref<!tpu.dma_semaphore, #tpu.memory_space<semaphore_mem>>)
      %dma_start3A_247 = tpu.memref_slice %arg4[%add3A_244] : memref<1600000xi32, #tpu.memory_space<hbm>> -> memref<400xi32, #tpu.memory_space<hbm>>
      %dma_start3A_248 = tpu.memref_slice %arg4[%add3A_244] : memref<1600000xi32, #tpu.memory_space<hbm>> -> memref<400xi32, #tpu.memory_space<hbm>>
      tpu.enqueue_dma source(%dma_start3A_248 : memref<400xi32, #tpu.memory_space<hbm>>) target(%arg9 : memref<400xi32, #tpu.memory_space<vmem>>) target_semaphore(%arg19 : memref<!tpu.dma_semaphore, #tpu.memory_space<semaphore_mem>>)
      %dma_wait3A_249 = arith.constant 0 : i32
      %dma_wait3A_250 = arith.constant 0 : i32
      %dma_wait3A_251 = tpu.memref_slice %arg16[%dma_wait3A_249, %dma_wait3A_250] : memref<50048x16xf32, #tpu.memory_space<vmem_shared>> -> memref<50048x16xf32, #tpu.memory_space<vmem_shared>>
      tpu.wait_indirect_dma semaphore(%arg24 : memref<!tpu.dma_semaphore, #tpu.memory_space<semaphore_mem>>) src(%arg14 : memref<400x16xf32, #tpu.memory_space<vmem>>) dst(%dma_wait3A_251 : memref<50048x16xf32, #tpu.memory_space<vmem_shared>>)
      %mul3A_252 = arith.constant 2 : i32
      %mul3A_253 = arith.muli %mul3A_252, %scan3A_200 : i32
      %add3A_254 = arith.constant 1 : i32
      %add3A_255 = arith.addi %mul3A_253, %add3A_254 : i32
      %dma_wait3A_256 = arith.constant 0 : i32
      %dma_wait3A_257 = tpu.memref_slice %arg3[%dma_wait3A_256] : memref<1600000xi32, #tpu.memory_space<hbm>> -> memref<400xi32, #tpu.memory_space<hbm>>
      %dma_wait3A_258 = arith.constant 0 : i32
      %dma_wait3A_259 = tpu.memref_slice %arg3[%dma_wait3A_258] : memref<1600000xi32, #tpu.memory_space<hbm>> -> memref<400xi32, #tpu.memory_space<hbm>>
      tpu.wait_dma2 semaphore(%arg18 : memref<!tpu.dma_semaphore, #tpu.memory_space<semaphore_mem>>) src(%dma_wait3A_259 : memref<400xi32, #tpu.memory_space<hbm>>) dst(%arg8 : memref<400xi32, #tpu.memory_space<vmem>>)
      %dma_wait3A_260 = arith.constant 0 : i32
      %dma_wait3A_261 = tpu.memref_slice %arg4[%dma_wait3A_260] : memref<1600000xi32, #tpu.memory_space<hbm>> -> memref<400xi32, #tpu.memory_space<hbm>>
      %dma_wait3A_262 = arith.constant 0 : i32
      %dma_wait3A_263 = tpu.memref_slice %arg4[%dma_wait3A_262] : memref<1600000xi32, #tpu.memory_space<hbm>> -> memref<400xi32, #tpu.memory_space<hbm>>
      tpu.wait_dma2 semaphore(%arg20 : memref<!tpu.dma_semaphore, #tpu.memory_space<semaphore_mem>>) src(%dma_wait3A_263 : memref<400xi32, #tpu.memory_space<hbm>>) dst(%arg10 : memref<400xi32, #tpu.memory_space<vmem>>)
      %scan3A_264 = arith.constant 0 : i32
      %scan3A_265 = arith.constant 0 : i32
      %scan3A_266 = arith.constant 25 : i32
      %scan3A_267 = arith.addi %scan3A_265, %scan3A_266 : i32
      %scan3A_268 = arith.constant 1 : i32
      %scan3A_269 = scf.for %scan3A_297 = %scan3A_265 to %scan3A_267 step %scan3A_268 iter_args(%scan3A_298 = %scan3A_264) -> (i32)  : i32 {
        %mul3A_299 = arith.constant 16 : i32
        %mul3A_300 = arith.muli %scan3A_297, %mul3A_299 : i32
        %get3A = arith.index_cast %mul3A_300 : i32 to index
        %get3A_301 = tpu.vector_load %arg8[%get3A] {strides = array<i32>} : memref<400xi32, #tpu.memory_space<vmem>>, vector<16xi32>,
        %get3A_302 = vector.shape_cast %get3A_301 : vector<16xi32> to vector<16xi32>
        %get3A_303 = arith.index_cast %mul3A_300 : i32 to index
        %get3A_304 = tpu.vector_load %arg10[%get3A_303] {strides = array<i32>} : memref<400xi32, #tpu.memory_space<vmem>>, vector<16xi32>,
        %get3A_305 = vector.shape_cast %get3A_304 : vector<16xi32> to vector<16xi32>
        %mul3A_306 = arith.constant 2 : i32
        %mul3A_307 = vector.broadcast %mul3A_306 : i32 to vector<16xi32>
        %mul3A_308 = arith.muli %mul3A_307, %get3A_302 : vector<16xi32>
        %and3A = arith.constant 1 : i32
        %and3A_309 = vector.broadcast %and3A : i32 to vector<16xi32>
        %and3A_310 = arith.andi %get3A_305, %and3A_309 : vector<16xi32>
        %add3A_311 = arith.addi %mul3A_308, %and3A_310 : vector<16xi32>
        %swap3A = arith.index_cast %mul3A_300 : i32 to index
        %swap3A_312 = tpu.vector_load %arg8[%swap3A] {strides = array<i32>} : memref<400xi32, #tpu.memory_space<vmem>>, vector<16xi32>,
        %swap3A_313 = vector.shape_cast %swap3A_312 : vector<16xi32> to vector<16xi32>
        %swap3A_314 = vector.shape_cast %add3A_311 : vector<16xi32> to vector<16xi32>
        tpu.vector_store %arg8[%swap3A], %swap3A_314 {strides = array<i32>} : memref<400xi32, #tpu.memory_space<vmem>>, vector<16xi32>,
        %shift_right_arithmetic3A = arith.constant 1 : i32
        %shift_right_arithmetic3A_315 = vector.broadcast %shift_right_arithmetic3A : i32 to vector<16xi32>
        %shift_right_arithmetic3A_316 = arith.shrsi %get3A_305, %shift_right_arithmetic3A_315 : vector<16xi32>
        %swap3A_317 = arith.index_cast %mul3A_300 : i32 to index
        %swap3A_318 = tpu.vector_load %arg12[%swap3A_317] {strides = array<i32>} : memref<400xi32, #tpu.memory_space<vmem>>, vector<16xi32>,
        %swap3A_319 = vector.shape_cast %swap3A_318 : vector<16xi32> to vector<16xi32>
        %swap3A_320 = vector.shape_cast %shift_right_arithmetic3A_316 : vector<16xi32> to vector<16xi32>
        tpu.vector_store %arg12[%swap3A_317], %swap3A_320 {strides = array<i32>} : memref<400xi32, #tpu.memory_space<vmem>>, vector<16xi32>,
        %scan3A_321 = arith.constant 0 : i32
        scf.yield %scan3A_321 : i32
      }
      %scan3A_270 = arith.constant 25 : i32
      %dma_start3A_271 = arith.constant 0 : i32
      %dma_start3A_272 = arith.constant 0 : i32
      %dma_start3A_273 = tpu.memref_slice %arg2[%dma_start3A_271, %dma_start3A_272] : memref<200000x16xf32, #tpu.memory_space<hbm>> -> memref<200000x16xf32, #tpu.memory_space<hbm>>
      tpu.enqueue_indirect_dma source(%dma_start3A_273 : memref<200000x16xf32, #tpu.memory_space<hbm>>) target(%arg14 : memref<400x16xf32, #tpu.memory_space<vmem>>) offsets(%arg8 : memref<400xi32, #tpu.memory_space<vmem>>) semaphore(%arg22 : memref<!tpu.dma_semaphore, #tpu.memory_space<semaphore_mem>>)
      %dma_wait3A_274 = arith.constant 0 : i32
      %dma_wait3A_275 = arith.constant 0 : i32
      %dma_wait3A_276 = tpu.memref_slice %arg2[%dma_wait3A_274, %dma_wait3A_275] : memref<200000x16xf32, #tpu.memory_space<hbm>> -> memref<200000x16xf32, #tpu.memory_space<hbm>>
      tpu.wait_indirect_dma semaphore(%arg22 : memref<!tpu.dma_semaphore, #tpu.memory_space<semaphore_mem>>) src(%dma_wait3A_276 : memref<200000x16xf32, #tpu.memory_space<hbm>>) dst(%arg14 : memref<400x16xf32, #tpu.memory_space<vmem>>)
      %dma_start3A_277 = arith.constant 0 : i32
      %dma_start3A_278 = arith.constant 0 : i32
      %dma_start3A_279 = tpu.memref_slice %arg16[%dma_start3A_277, %dma_start3A_278] : memref<50048x16xf32, #tpu.memory_space<vmem_shared>> -> memref<50048x16xf32, #tpu.memory_space<vmem_shared>>
      tpu.enqueue_indirect_dma source(%arg14 : memref<400x16xf32, #tpu.memory_space<vmem>>) target(%dma_start3A_279 : memref<50048x16xf32, #tpu.memory_space<vmem_shared>>) offsets(%arg12 : memref<400xi32, #tpu.memory_space<vmem>>) semaphore(%arg24 : memref<!tpu.dma_semaphore, #tpu.memory_space<semaphore_mem>>) {add = true}
      %add3A_280 = arith.constant 2 : i32
      %add3A_281 = arith.addi %add3A_255, %add3A_280 : i32
      %mul3A_282 = arith.constant 16 : i32
      %mul3A_283 = arith.muli %arg0, %mul3A_282 : i32
      %add3A_284 = arith.addi %mul3A_283, %arg1 : i32
      %mul3A_285 = arith.constant 50000 : i32
      %mul3A_286 = arith.muli %add3A_284, %mul3A_285 : i32
      %min3A_287 = arith.constant 124 : i32
      %min3A_288 = arith.minsi %add3A_281, %min3A_287 : i32
      %mul3A_289 = arith.constant 400 : i32
      %mul3A_290 = arith.muli %min3A_288, %mul3A_289 : i32
      %add3A_291 = arith.addi %mul3A_286, %mul3A_290 : i32
      %dma_start3A_292 = tpu.memref_slice %arg3[%add3A_291] : memref<1600000xi32, #tpu.memory_space<hbm>> -> memref<400xi32, #tpu.memory_space<hbm>>
      %dma_start3A_293 = tpu.memref_slice %arg3[%add3A_291] : memref<1600000xi32, #tpu.memory_space<hbm>> -> memref<400xi32, #tpu.memory_space<hbm>>
      tpu.enqueue_dma source(%dma_start3A_293 : memref<400xi32, #tpu.memory_space<hbm>>) target(%arg8 : memref<400xi32, #tpu.memory_space<vmem>>) target_semaphore(%arg18 : memref<!tpu.dma_semaphore, #tpu.memory_space<semaphore_mem>>)
      %dma_start3A_294 = tpu.memref_slice %arg4[%add3A_291] : memref<1600000xi32, #tpu.memory_space<hbm>> -> memref<400xi32, #tpu.memory_space<hbm>>
      %dma_start3A_295 = tpu.memref_slice %arg4[%add3A_291] : memref<1600000xi32, #tpu.memory_space<hbm>> -> memref<400xi32, #tpu.memory_space<hbm>>
      tpu.enqueue_dma source(%dma_start3A_295 : memref<400xi32, #tpu.memory_space<hbm>>) target(%arg10 : memref<400xi32, #tpu.memory_space<vmem>>) target_semaphore(%arg20 : memref<!tpu.dma_semaphore, #tpu.memory_space<semaphore_mem>>)
      %scan3A_296 = arith.constant 0 : i32
      scf.yield %scan3A_296 : i32
    }
    %scan3A_118 = arith.constant 61 : i32
    %dma_wait3A_119 = arith.constant 0 : i32
    %dma_wait3A_120 = arith.constant 0 : i32
    %dma_wait3A_121 = tpu.memref_slice %arg16[%dma_wait3A_119, %dma_wait3A_120] : memref<50048x16xf32, #tpu.memory_space<vmem_shared>> -> memref<50048x16xf32, #tpu.memory_space<vmem_shared>>
    tpu.wait_indirect_dma semaphore(%arg23 : memref<!tpu.dma_semaphore, #tpu.memory_space<semaphore_mem>>) src(%arg13 : memref<400x16xf32, #tpu.memory_space<vmem>>) dst(%dma_wait3A_121 : memref<50048x16xf32, #tpu.memory_space<vmem_shared>>)
    %dma_wait3A_122 = arith.constant 0 : i32
    %dma_wait3A_123 = tpu.memref_slice %arg3[%dma_wait3A_122] : memref<1600000xi32, #tpu.memory_space<hbm>> -> memref<400xi32, #tpu.memory_space<hbm>>
    %dma_wait3A_124 = arith.constant 0 : i32
    %dma_wait3A_125 = tpu.memref_slice %arg3[%dma_wait3A_124] : memref<1600000xi32, #tpu.memory_space<hbm>> -> memref<400xi32, #tpu.memory_space<hbm>>
    tpu.wait_dma2 semaphore(%arg17 : memref<!tpu.dma_semaphore, #tpu.memory_space<semaphore_mem>>) src(%dma_wait3A_125 : memref<400xi32, #tpu.memory_space<hbm>>) dst(%arg7 : memref<400xi32, #tpu.memory_space<vmem>>)
    %dma_wait3A_126 = arith.constant 0 : i32
    %dma_wait3A_127 = tpu.memref_slice %arg4[%dma_wait3A_126] : memref<1600000xi32, #tpu.memory_space<hbm>> -> memref<400xi32, #tpu.memory_space<hbm>>
    %dma_wait3A_128 = arith.constant 0 : i32
    %dma_wait3A_129 = tpu.memref_slice %arg4[%dma_wait3A_128] : memref<1600000xi32, #tpu.memory_space<hbm>> -> memref<400xi32, #tpu.memory_space<hbm>>
    tpu.wait_dma2 semaphore(%arg19 : memref<!tpu.dma_semaphore, #tpu.memory_space<semaphore_mem>>) src(%dma_wait3A_129 : memref<400xi32, #tpu.memory_space<hbm>>) dst(%arg9 : memref<400xi32, #tpu.memory_space<vmem>>)
    %scan3A_130 = arith.constant 0 : i32
    %scan3A_131 = arith.constant 0 : i32
    %scan3A_132 = arith.constant 25 : i32
    %scan3A_133 = arith.addi %scan3A_131, %scan3A_132 : i32
    %scan3A_134 = arith.constant 1 : i32
    %scan3A_135 = scf.for %scan3A_200 = %scan3A_131 to %scan3A_133 step %scan3A_134 iter_args(%scan3A_201 = %scan3A_130) -> (i32)  : i32 {
      %mul3A_202 = arith.constant 16 : i32
      %mul3A_203 = arith.muli %scan3A_200, %mul3A_202 : i32
      %get3A = arith.index_cast %mul3A_203 : i32 to index
      %get3A_204 = tpu.vector_load %arg7[%get3A] {strides = array<i32>} : memref<400xi32, #tpu.memory_space<vmem>>, vector<16xi32>,
      %get3A_205 = vector.shape_cast %get3A_204 : vector<16xi32> to vector<16xi32>
      %get3A_206 = arith.index_cast %mul3A_203 : i32 to index
      %get3A_207 = tpu.vector_load %arg9[%get3A_206] {strides = array<i32>} : memref<400xi32, #tpu.memory_space<vmem>>, vector<16xi32>,
      %get3A_208 = vector.shape_cast %get3A_207 : vector<16xi32> to vector<16xi32>
      %mul3A_209 = arith.constant 2 : i32
      %mul3A_210 = vector.broadcast %mul3A_209 : i32 to vector<16xi32>
      %mul3A_211 = arith.muli %mul3A_210, %get3A_205 : vector<16xi32>
      %and3A = arith.constant 1 : i32
      %and3A_212 = vector.broadcast %and3A : i32 to vector<16xi32>
      %and3A_213 = arith.andi %get3A_208, %and3A_212 : vector<16xi32>
      %add3A_214 = arith.addi %mul3A_211, %and3A_213 : vector<16xi32>
      %swap3A = arith.index_cast %mul3A_203 : i32 to index
      %swap3A_215 = tpu.vector_load %arg7[%swap3A] {strides = array<i32>} : memref<400xi32, #tpu.memory_space<vmem>>, vector<16xi32>,
      %swap3A_216 = vector.shape_cast %swap3A_215 : vector<16xi32> to vector<16xi32>
      %swap3A_217 = vector.shape_cast %add3A_214 : vector<16xi32> to vector<16xi32>
      tpu.vector_store %arg7[%swap3A], %swap3A_217 {strides = array<i32>} : memref<400xi32, #tpu.memory_space<vmem>>, vector<16xi32>,
      %shift_right_arithmetic3A = arith.constant 1 : i32
      %shift_right_arithmetic3A_218 = vector.broadcast %shift_right_arithmetic3A : i32 to vector<16xi32>
      %shift_right_arithmetic3A_219 = arith.shrsi %get3A_208, %shift_right_arithmetic3A_218 : vector<16xi32>
      %swap3A_220 = arith.index_cast %mul3A_203 : i32 to index
      %swap3A_221 = tpu.vector_load %arg11[%swap3A_220] {strides = array<i32>} : memref<400xi32, #tpu.memory_space<vmem>>, vector<16xi32>,
      %swap3A_222 = vector.shape_cast %swap3A_221 : vector<16xi32> to vector<16xi32>
      %swap3A_223 = vector.shape_cast %shift_right_arithmetic3A_219 : vector<16xi32> to vector<16xi32>
      tpu.vector_store %arg11[%swap3A_220], %swap3A_223 {strides = array<i32>} : memref<400xi32, #tpu.memory_space<vmem>>, vector<16xi32>,
      %scan3A_224 = arith.constant 0 : i32
      scf.yield %scan3A_224 : i32
    }
    %scan3A_136 = arith.constant 25 : i32
    %dma_start3A_137 = arith.constant 0 : i32
    %dma_start3A_138 = arith.constant 0 : i32
    %dma_start3A_139 = tpu.memref_slice %arg2[%dma_start3A_137, %dma_start3A_138] : memref<200000x16xf32, #tpu.memory_space<hbm>> -> memref<200000x16xf32, #tpu.memory_space<hbm>>
    tpu.enqueue_indirect_dma source(%dma_start3A_139 : memref<200000x16xf32, #tpu.memory_space<hbm>>) target(%arg13 : memref<400x16xf32, #tpu.memory_space<vmem>>) offsets(%arg7 : memref<400xi32, #tpu.memory_space<vmem>>) semaphore(%arg21 : memref<!tpu.dma_semaphore, #tpu.memory_space<semaphore_mem>>)
    %dma_wait3A_140 = arith.constant 0 : i32
    %dma_wait3A_141 = arith.constant 0 : i32
    %dma_wait3A_142 = tpu.memref_slice %arg2[%dma_wait3A_140, %dma_wait3A_141] : memref<200000x16xf32, #tpu.memory_space<hbm>> -> memref<200000x16xf32, #tpu.memory_space<hbm>>
    tpu.wait_indirect_dma semaphore(%arg21 : memref<!tpu.dma_semaphore, #tpu.memory_space<semaphore_mem>>) src(%dma_wait3A_142 : memref<200000x16xf32, #tpu.memory_space<hbm>>) dst(%arg13 : memref<400x16xf32, #tpu.memory_space<vmem>>)
    %dma_start3A_143 = arith.constant 0 : i32
    %dma_start3A_144 = arith.constant 0 : i32
    %dma_start3A_145 = tpu.memref_slice %arg16[%dma_start3A_143, %dma_start3A_144] : memref<50048x16xf32, #tpu.memory_space<vmem_shared>> -> memref<50048x16xf32, #tpu.memory_space<vmem_shared>>
    tpu.enqueue_indirect_dma source(%arg13 : memref<400x16xf32, #tpu.memory_space<vmem>>) target(%dma_start3A_145 : memref<50048x16xf32, #tpu.memory_space<vmem_shared>>) offsets(%arg11 : memref<400xi32, #tpu.memory_space<vmem>>) semaphore(%arg23 : memref<!tpu.dma_semaphore, #tpu.memory_space<semaphore_mem>>) {add = true}
    %mul3A_146 = arith.constant 16 : i32
    %mul3A_147 = arith.muli %arg0, %mul3A_146 : i32
    %add3A_148 = arith.addi %mul3A_147, %arg1 : i32
    %mul3A_149 = arith.constant 50000 : i32
    %mul3A_150 = arith.muli %add3A_148, %mul3A_149 : i32
    %min3A_151 = arith.constant 126 : i32
    %min3A_152 = arith.constant 124 : i32
    %min3A_153 = arith.minsi %min3A_151, %min3A_152 : i32
    %mul3A_154 = arith.constant 400 : i32
    %mul3A_155 = arith.muli %min3A_153, %mul3A_154 : i32
    %add3A_156 = arith.addi %mul3A_150, %mul3A_155 : i32
    %dma_start3A_157 = tpu.memref_slice %arg3[%add3A_156] : memref<1600000xi32, #tpu.memory_space<hbm>> -> memref<400xi32, #tpu.memory_space<hbm>>
    %dma_start3A_158 = tpu.memref_slice %arg3[%add3A_156] : memref<1600000xi32, #tpu.memory_space<hbm>> -> memref<400xi32, #tpu.memory_space<hbm>>
    tpu.enqueue_dma source(%dma_start3A_158 : memref<400xi32, #tpu.memory_space<hbm>>) target(%arg7 : memref<400xi32, #tpu.memory_space<vmem>>) target_semaphore(%arg17 : memref<!tpu.dma_semaphore, #tpu.memory_space<semaphore_mem>>)
    %dma_start3A_159 = tpu.memref_slice %arg4[%add3A_156] : memref<1600000xi32, #tpu.memory_space<hbm>> -> memref<400xi32, #tpu.memory_space<hbm>>
    %dma_start3A_160 = tpu.memref_slice %arg4[%add3A_156] : memref<1600000xi32, #tpu.memory_space<hbm>> -> memref<400xi32, #tpu.memory_space<hbm>>
    tpu.enqueue_dma source(%dma_start3A_160 : memref<400xi32, #tpu.memory_space<hbm>>) target(%arg9 : memref<400xi32, #tpu.memory_space<vmem>>) target_semaphore(%arg19 : memref<!tpu.dma_semaphore, #tpu.memory_space<semaphore_mem>>)
    %dma_wait3A_161 = arith.constant 0 : i32
    %dma_wait3A_162 = arith.constant 0 : i32
    %dma_wait3A_163 = tpu.memref_slice %arg16[%dma_wait3A_161, %dma_wait3A_162] : memref<50048x16xf32, #tpu.memory_space<vmem_shared>> -> memref<50048x16xf32, #tpu.memory_space<vmem_shared>>
    tpu.wait_indirect_dma semaphore(%arg23 : memref<!tpu.dma_semaphore, #tpu.memory_space<semaphore_mem>>) src(%arg13 : memref<400x16xf32, #tpu.memory_space<vmem>>) dst(%dma_wait3A_163 : memref<50048x16xf32, #tpu.memory_space<vmem_shared>>)
    %dma_wait3A_164 = arith.constant 0 : i32
    %dma_wait3A_165 = tpu.memref_slice %arg3[%dma_wait3A_164] : memref<1600000xi32, #tpu.memory_space<hbm>> -> memref<400xi32, #tpu.memory_space<hbm>>
    %dma_wait3A_166 = arith.constant 0 : i32
    %dma_wait3A_167 = tpu.memref_slice %arg3[%dma_wait3A_166] : memref<1600000xi32, #tpu.memory_space<hbm>> -> memref<400xi32, #tpu.memory_space<hbm>>
    tpu.wait_dma2 semaphore(%arg17 : memref<!tpu.dma_semaphore, #tpu.memory_space<semaphore_mem>>) src(%dma_wait3A_167 : memref<400xi32, #tpu.memory_space<hbm>>) dst(%arg7 : memref<400xi32, #tpu.memory_space<vmem>>)
    %dma_wait3A_168 = arith.constant 0 : i32
    %dma_wait3A_169 = tpu.memref_slice %arg4[%dma_wait3A_168] : memref<1600000xi32, #tpu.memory_space<hbm>> -> memref<400xi32, #tpu.memory_space<hbm>>
    %dma_wait3A_170 = arith.constant 0 : i32
    %dma_wait3A_171 = tpu.memref_slice %arg4[%dma_wait3A_170] : memref<1600000xi32, #tpu.memory_space<hbm>> -> memref<400xi32, #tpu.memory_space<hbm>>
    tpu.wait_dma2 semaphore(%arg19 : memref<!tpu.dma_semaphore, #tpu.memory_space<semaphore_mem>>) src(%dma_wait3A_171 : memref<400xi32, #tpu.memory_space<hbm>>) dst(%arg9 : memref<400xi32, #tpu.memory_space<vmem>>)
    %dma_wait3A_172 = arith.constant 0 : i32
    %dma_wait3A_173 = arith.constant 0 : i32
    %dma_wait3A_174 = tpu.memref_slice %arg16[%dma_wait3A_172, %dma_wait3A_173] : memref<50048x16xf32, #tpu.memory_space<vmem_shared>> -> memref<50048x16xf32, #tpu.memory_space<vmem_shared>>
    tpu.wait_indirect_dma semaphore(%arg24 : memref<!tpu.dma_semaphore, #tpu.memory_space<semaphore_mem>>) src(%arg14 : memref<400x16xf32, #tpu.memory_space<vmem>>) dst(%dma_wait3A_174 : memref<50048x16xf32, #tpu.memory_space<vmem_shared>>)
    %dma_wait3A_175 = arith.constant 0 : i32
    %dma_wait3A_176 = tpu.memref_slice %arg3[%dma_wait3A_175] : memref<1600000xi32, #tpu.memory_space<hbm>> -> memref<400xi32, #tpu.memory_space<hbm>>
    %dma_wait3A_177 = arith.constant 0 : i32
    %dma_wait3A_178 = tpu.memref_slice %arg3[%dma_wait3A_177] : memref<1600000xi32, #tpu.memory_space<hbm>> -> memref<400xi32, #tpu.memory_space<hbm>>
    tpu.wait_dma2 semaphore(%arg18 : memref<!tpu.dma_semaphore, #tpu.memory_space<semaphore_mem>>) src(%dma_wait3A_178 : memref<400xi32, #tpu.memory_space<hbm>>) dst(%arg8 : memref<400xi32, #tpu.memory_space<vmem>>)
    %dma_wait3A_179 = arith.constant 0 : i32
    %dma_wait3A_180 = tpu.memref_slice %arg4[%dma_wait3A_179] : memref<1600000xi32, #tpu.memory_space<hbm>> -> memref<400xi32, #tpu.memory_space<hbm>>
    %dma_wait3A_181 = arith.constant 0 : i32
    %dma_wait3A_182 = tpu.memref_slice %arg4[%dma_wait3A_181] : memref<1600000xi32, #tpu.memory_space<hbm>> -> memref<400xi32, #tpu.memory_space<hbm>>
    tpu.wait_dma2 semaphore(%arg20 : memref<!tpu.dma_semaphore, #tpu.memory_space<semaphore_mem>>) src(%dma_wait3A_182 : memref<400xi32, #tpu.memory_space<hbm>>) dst(%arg10 : memref<400xi32, #tpu.memory_space<vmem>>)
    %barrier3A_183 = arith.constant 0 : index
    tpu.barrier barrier_id(%barrier3A_183)
    %add3A_184 = arith.constant 0 : i32
    %add3A_185 = arith.addi %mul3A_0, %add3A_184 : i32
    "tpu.region"() ({
      %run_scoped3A = tpu.sem_alloc : memref<!tpu.dma_semaphore, #tpu.memory_space<semaphore_mem>>
      %dma_start3A_200 = arith.constant 0 : i32
      %dma_start3A_201 = tpu.memref_slice %arg16[%add3A_185, %dma_start3A_200] : memref<50048x16xf32, #tpu.memory_space<vmem_shared>> -> memref<782x16xf32, #tpu.memory_space<vmem_shared>>
      %dma_start3A_202 = arith.constant 0 : i32
      %dma_start3A_203 = tpu.memref_slice %arg16[%add3A_185, %dma_start3A_202] : memref<50048x16xf32, #tpu.memory_space<vmem_shared>> -> memref<782x16xf32, #tpu.memory_space<vmem_shared>>
      tpu.enqueue_dma source(%dma_start3A_203 : memref<782x16xf32, #tpu.memory_space<vmem_shared>>) target(%arg15 : memref<782x16xf32, #tpu.memory_space<vmem>>) target_semaphore(%run_scoped3A : memref<!tpu.dma_semaphore, #tpu.memory_space<semaphore_mem>>)
      %dma_wait3A_204 = arith.constant 0 : i32
      %dma_wait3A_205 = tpu.memref_slice %arg16[%add3A_185, %dma_wait3A_204] : memref<50048x16xf32, #tpu.memory_space<vmem_shared>> -> memref<782x16xf32, #tpu.memory_space<vmem_shared>>
      %dma_wait3A_206 = arith.constant 0 : i32
      %dma_wait3A_207 = tpu.memref_slice %arg16[%add3A_185, %dma_wait3A_206] : memref<50048x16xf32, #tpu.memory_space<vmem_shared>> -> memref<782x16xf32, #tpu.memory_space<vmem_shared>>
      tpu.wait_dma2 semaphore(%run_scoped3A : memref<!tpu.dma_semaphore, #tpu.memory_space<semaphore_mem>>) src(%dma_wait3A_207 : memref<782x16xf32, #tpu.memory_space<vmem_shared>>) dst(%arg15 : memref<782x16xf32, #tpu.memory_space<vmem>>)
      tpu.yield
    }) : () -> ()
    %add3A_186 = arith.constant 0 : i32
    %add3A_187 = arith.addi %mul3A_0, %add3A_186 : i32
    "tpu.region"() ({
      %run_scoped3A = tpu.sem_alloc : memref<!tpu.dma_semaphore, #tpu.memory_space<semaphore_mem>>
      %dma_start3A_200 = arith.constant 0 : i32
      %dma_start3A_201 = tpu.memref_slice %arg6[%arg0, %add3A_187, %dma_start3A_200] : memref<2x50048x16xf32, #tpu.memory_space<hbm>> -> memref<1x782x16xf32, #tpu.memory_space<hbm>>
      %dma_start3A_202 = tpu.memref_squeeze %dma_start3A_201 : memref<1x782x16xf32, #tpu.memory_space<hbm>> -> memref<782x16xf32, #tpu.memory_space<hbm>>
      %dma_start3A_203 = arith.constant 0 : i32
      %dma_start3A_204 = tpu.memref_slice %arg6[%arg0, %add3A_187, %dma_start3A_203] : memref<2x50048x16xf32, #tpu.memory_space<hbm>> -> memref<1x782x16xf32, #tpu.memory_space<hbm>>
      %dma_start3A_205 = tpu.memref_squeeze %dma_start3A_204 : memref<1x782x16xf32, #tpu.memory_space<hbm>> -> memref<782x16xf32, #tpu.memory_space<hbm>>
      tpu.enqueue_dma source(%arg15 : memref<782x16xf32, #tpu.memory_space<vmem>>) target(%dma_start3A_205 : memref<782x16xf32, #tpu.memory_space<hbm>>) target_semaphore(%run_scoped3A : memref<!tpu.dma_semaphore, #tpu.memory_space<semaphore_mem>>)
      %dma_wait3A_206 = arith.constant 0 : i32
      %dma_wait3A_207 = tpu.memref_slice %arg6[%arg0, %add3A_187, %dma_wait3A_206] : memref<2x50048x16xf32, #tpu.memory_space<hbm>> -> memref<1x782x16xf32, #tpu.memory_space<hbm>>
      %dma_wait3A_208 = tpu.memref_squeeze %dma_wait3A_207 : memref<1x782x16xf32, #tpu.memory_space<hbm>> -> memref<782x16xf32, #tpu.memory_space<hbm>>
      %dma_wait3A_209 = arith.constant 0 : i32
      %dma_wait3A_210 = tpu.memref_slice %arg6[%arg0, %add3A_187, %dma_wait3A_209] : memref<2x50048x16xf32, #tpu.memory_space<hbm>> -> memref<1x782x16xf32, #tpu.memory_space<hbm>>
      %dma_wait3A_211 = tpu.memref_squeeze %dma_wait3A_210 : memref<1x782x16xf32, #tpu.memory_space<hbm>> -> memref<782x16xf32, #tpu.memory_space<hbm>>
      tpu.wait_dma2 semaphore(%run_scoped3A : memref<!tpu.dma_semaphore, #tpu.memory_space<semaphore_mem>>) src(%arg15 : memref<782x16xf32, #tpu.memory_space<vmem>>) dst(%dma_wait3A_211 : memref<782x16xf32, #tpu.memory_space<hbm>>)
      tpu.yield
    }) : () -> ()
    %add3A_188 = arith.constant 782 : i32
    %add3A_189 = arith.addi %mul3A_0, %add3A_188 : i32
    "tpu.region"() ({
      %run_scoped3A = tpu.sem_alloc : memref<!tpu.dma_semaphore, #tpu.memory_space<semaphore_mem>>
      %dma_start3A_200 = arith.constant 0 : i32
      %dma_start3A_201 = tpu.memref_slice %arg16[%add3A_189, %dma_start3A_200] : memref<50048x16xf32, #tpu.memory_space<vmem_shared>> -> memref<782x16xf32, #tpu.memory_space<vmem_shared>>
      %dma_start3A_202 = arith.constant 0 : i32
      %dma_start3A_203 = tpu.memref_slice %arg16[%add3A_189, %dma_start3A_202] : memref<50048x16xf32, #tpu.memory_space<vmem_shared>> -> memref<782x16xf32, #tpu.memory_space<vmem_shared>>
      tpu.enqueue_dma source(%dma_start3A_203 : memref<782x16xf32, #tpu.memory_space<vmem_shared>>) target(%arg15 : memref<782x16xf32, #tpu.memory_space<vmem>>) target_semaphore(%run_scoped3A : memref<!tpu.dma_semaphore, #tpu.memory_space<semaphore_mem>>)
      %dma_wait3A_204 = arith.constant 0 : i32
      %dma_wait3A_205 = tpu.memref_slice %arg16[%add3A_189, %dma_wait3A_204] : memref<50048x16xf32, #tpu.memory_space<vmem_shared>> -> memref<782x16xf32, #tpu.memory_space<vmem_shared>>
      %dma_wait3A_206 = arith.constant 0 : i32
      %dma_wait3A_207 = tpu.memref_slice %arg16[%add3A_189, %dma_wait3A_206] : memref<50048x16xf32, #tpu.memory_space<vmem_shared>> -> memref<782x16xf32, #tpu.memory_space<vmem_shared>>
      tpu.wait_dma2 semaphore(%run_scoped3A : memref<!tpu.dma_semaphore, #tpu.memory_space<semaphore_mem>>) src(%dma_wait3A_207 : memref<782x16xf32, #tpu.memory_space<vmem_shared>>) dst(%arg15 : memref<782x16xf32, #tpu.memory_space<vmem>>)
      tpu.yield
    }) : () -> ()
    %add3A_190 = arith.constant 782 : i32
    %add3A_191 = arith.addi %mul3A_0, %add3A_190 : i32
    "tpu.region"() ({
      %run_scoped3A = tpu.sem_alloc : memref<!tpu.dma_semaphore, #tpu.memory_space<semaphore_mem>>
      %dma_start3A_200 = arith.constant 0 : i32
      %dma_start3A_201 = tpu.memref_slice %arg6[%arg0, %add3A_191, %dma_start3A_200] : memref<2x50048x16xf32, #tpu.memory_space<hbm>> -> memref<1x782x16xf32, #tpu.memory_space<hbm>>
      %dma_start3A_202 = tpu.memref_squeeze %dma_start3A_201 : memref<1x782x16xf32, #tpu.memory_space<hbm>> -> memref<782x16xf32, #tpu.memory_space<hbm>>
      %dma_start3A_203 = arith.constant 0 : i32
      %dma_start3A_204 = tpu.memref_slice %arg6[%arg0, %add3A_191, %dma_start3A_203] : memref<2x50048x16xf32, #tpu.memory_space<hbm>> -> memref<1x782x16xf32, #tpu.memory_space<hbm>>
      %dma_start3A_205 = tpu.memref_squeeze %dma_start3A_204 : memref<1x782x16xf32, #tpu.memory_space<hbm>> -> memref<782x16xf32, #tpu.memory_space<hbm>>
      tpu.enqueue_dma source(%arg15 : memref<782x16xf32, #tpu.memory_space<vmem>>) target(%dma_start3A_205 : memref<782x16xf32, #tpu.memory_space<hbm>>) target_semaphore(%run_scoped3A : memref<!tpu.dma_semaphore, #tpu.memory_space<semaphore_mem>>)
      %dma_wait3A_206 = arith.constant 0 : i32
      %dma_wait3A_207 = tpu.memref_slice %arg6[%arg0, %add3A_191, %dma_wait3A_206] : memref<2x50048x16xf32, #tpu.memory_space<hbm>> -> memref<1x782x16xf32, #tpu.memory_space<hbm>>
      %dma_wait3A_208 = tpu.memref_squeeze %dma_wait3A_207 : memref<1x782x16xf32, #tpu.memory_space<hbm>> -> memref<782x16xf32, #tpu.memory_space<hbm>>
      %dma_wait3A_209 = arith.constant 0 : i32
      %dma_wait3A_210 = tpu.memref_slice %arg6[%arg0, %add3A_191, %dma_wait3A_209] : memref<2x50048x16xf32, #tpu.memory_space<hbm>> -> memref<1x782x16xf32, #tpu.memory_space<hbm>>
      %dma_wait3A_211 = tpu.memref_squeeze %dma_wait3A_210 : memref<1x782x16xf32, #tpu.memory_space<hbm>> -> memref<782x16xf32, #tpu.memory_space<hbm>>
      tpu.wait_dma2 semaphore(%run_scoped3A : memref<!tpu.dma_semaphore, #tpu.memory_space<semaphore_mem>>) src(%arg15 : memref<782x16xf32, #tpu.memory_space<vmem>>) dst(%dma_wait3A_211 : memref<782x16xf32, #tpu.memory_space<hbm>>)
      tpu.yield
    }) : () -> ()
    %add3A_192 = arith.constant 1564 : i32
    %add3A_193 = arith.addi %mul3A_0, %add3A_192 : i32
    "tpu.region"() ({
      %run_scoped3A = tpu.sem_alloc : memref<!tpu.dma_semaphore, #tpu.memory_space<semaphore_mem>>
      %dma_start3A_200 = arith.constant 0 : i32
      %dma_start3A_201 = tpu.memref_slice %arg16[%add3A_193, %dma_start3A_200] : memref<50048x16xf32, #tpu.memory_space<vmem_shared>> -> memref<782x16xf32, #tpu.memory_space<vmem_shared>>
      %dma_start3A_202 = arith.constant 0 : i32
      %dma_start3A_203 = tpu.memref_slice %arg16[%add3A_193, %dma_start3A_202] : memref<50048x16xf32, #tpu.memory_space<vmem_shared>> -> memref<782x16xf32, #tpu.memory_space<vmem_shared>>
      tpu.enqueue_dma source(%dma_start3A_203 : memref<782x16xf32, #tpu.memory_space<vmem_shared>>) target(%arg15 : memref<782x16xf32, #tpu.memory_space<vmem>>) target_semaphore(%run_scoped3A : memref<!tpu.dma_semaphore, #tpu.memory_space<semaphore_mem>>)
      %dma_wait3A_204 = arith.constant 0 : i32
      %dma_wait3A_205 = tpu.memref_slice %arg16[%add3A_193, %dma_wait3A_204] : memref<50048x16xf32, #tpu.memory_space<vmem_shared>> -> memref<782x16xf32, #tpu.memory_space<vmem_shared>>
      %dma_wait3A_206 = arith.constant 0 : i32
      %dma_wait3A_207 = tpu.memref_slice %arg16[%add3A_193, %dma_wait3A_206] : memref<50048x16xf32, #tpu.memory_space<vmem_shared>> -> memref<782x16xf32, #tpu.memory_space<vmem_shared>>
      tpu.wait_dma2 semaphore(%run_scoped3A : memref<!tpu.dma_semaphore, #tpu.memory_space<semaphore_mem>>) src(%dma_wait3A_207 : memref<782x16xf32, #tpu.memory_space<vmem_shared>>) dst(%arg15 : memref<782x16xf32, #tpu.memory_space<vmem>>)
      tpu.yield
    }) : () -> ()
    %add3A_194 = arith.constant 1564 : i32
    %add3A_195 = arith.addi %mul3A_0, %add3A_194 : i32
    "tpu.region"() ({
      %run_scoped3A = tpu.sem_alloc : memref<!tpu.dma_semaphore, #tpu.memory_space<semaphore_mem>>
      %dma_start3A_200 = arith.constant 0 : i32
      %dma_start3A_201 = tpu.memref_slice %arg6[%arg0, %add3A_195, %dma_start3A_200] : memref<2x50048x16xf32, #tpu.memory_space<hbm>> -> memref<1x782x16xf32, #tpu.memory_space<hbm>>
      %dma_start3A_202 = tpu.memref_squeeze %dma_start3A_201 : memref<1x782x16xf32, #tpu.memory_space<hbm>> -> memref<782x16xf32, #tpu.memory_space<hbm>>
      %dma_start3A_203 = arith.constant 0 : i32
      %dma_start3A_204 = tpu.memref_slice %arg6[%arg0, %add3A_195, %dma_start3A_203] : memref<2x50048x16xf32, #tpu.memory_space<hbm>> -> memref<1x782x16xf32, #tpu.memory_space<hbm>>
      %dma_start3A_205 = tpu.memref_squeeze %dma_start3A_204 : memref<1x782x16xf32, #tpu.memory_space<hbm>> -> memref<782x16xf32, #tpu.memory_space<hbm>>
      tpu.enqueue_dma source(%arg15 : memref<782x16xf32, #tpu.memory_space<vmem>>) target(%dma_start3A_205 : memref<782x16xf32, #tpu.memory_space<hbm>>) target_semaphore(%run_scoped3A : memref<!tpu.dma_semaphore, #tpu.memory_space<semaphore_mem>>)
      %dma_wait3A_206 = arith.constant 0 : i32
      %dma_wait3A_207 = tpu.memref_slice %arg6[%arg0, %add3A_195, %dma_wait3A_206] : memref<2x50048x16xf32, #tpu.memory_space<hbm>> -> memref<1x782x16xf32, #tpu.memory_space<hbm>>
      %dma_wait3A_208 = tpu.memref_squeeze %dma_wait3A_207 : memref<1x782x16xf32, #tpu.memory_space<hbm>> -> memref<782x16xf32, #tpu.memory_space<hbm>>
      %dma_wait3A_209 = arith.constant 0 : i32
      %dma_wait3A_210 = tpu.memref_slice %arg6[%arg0, %add3A_195, %dma_wait3A_209] : memref<2x50048x16xf32, #tpu.memory_space<hbm>> -> memref<1x782x16xf32, #tpu.memory_space<hbm>>
      %dma_wait3A_211 = tpu.memref_squeeze %dma_wait3A_210 : memref<1x782x16xf32, #tpu.memory_space<hbm>> -> memref<782x16xf32, #tpu.memory_space<hbm>>
      tpu.wait_dma2 semaphore(%run_scoped3A : memref<!tpu.dma_semaphore, #tpu.memory_space<semaphore_mem>>) src(%arg15 : memref<782x16xf32, #tpu.memory_space<vmem>>) dst(%dma_wait3A_211 : memref<782x16xf32, #tpu.memory_space<hbm>>)
      tpu.yield
    }) : () -> ()
    %add3A_196 = arith.constant 2346 : i32
    %add3A_197 = arith.addi %mul3A_0, %add3A_196 : i32
    "tpu.region"() ({
      %run_scoped3A = tpu.sem_alloc : memref<!tpu.dma_semaphore, #tpu.memory_space<semaphore_mem>>
      %dma_start3A_200 = arith.constant 0 : i32
      %dma_start3A_201 = tpu.memref_slice %arg16[%add3A_197, %dma_start3A_200] : memref<50048x16xf32, #tpu.memory_space<vmem_shared>> -> memref<782x16xf32, #tpu.memory_space<vmem_shared>>
      %dma_start3A_202 = arith.constant 0 : i32
      %dma_start3A_203 = tpu.memref_slice %arg16[%add3A_197, %dma_start3A_202] : memref<50048x16xf32, #tpu.memory_space<vmem_shared>> -> memref<782x16xf32, #tpu.memory_space<vmem_shared>>
      tpu.enqueue_dma source(%dma_start3A_203 : memref<782x16xf32, #tpu.memory_space<vmem_shared>>) target(%arg15 : memref<782x16xf32, #tpu.memory_space<vmem>>) target_semaphore(%run_scoped3A : memref<!tpu.dma_semaphore, #tpu.memory_space<semaphore_mem>>)
      %dma_wait3A_204 = arith.constant 0 : i32
      %dma_wait3A_205 = tpu.memref_slice %arg16[%add3A_197, %dma_wait3A_204] : memref<50048x16xf32, #tpu.memory_space<vmem_shared>> -> memref<782x16xf32, #tpu.memory_space<vmem_shared>>
      %dma_wait3A_206 = arith.constant 0 : i32
      %dma_wait3A_207 = tpu.memref_slice %arg16[%add3A_197, %dma_wait3A_206] : memref<50048x16xf32, #tpu.memory_space<vmem_shared>> -> memref<782x16xf32, #tpu.memory_space<vmem_shared>>
      tpu.wait_dma2 semaphore(%run_scoped3A : memref<!tpu.dma_semaphore, #tpu.memory_space<semaphore_mem>>) src(%dma_wait3A_207 : memref<782x16xf32, #tpu.memory_space<vmem_shared>>) dst(%arg15 : memref<782x16xf32, #tpu.memory_space<vmem>>)
      tpu.yield
    }) : () -> ()
    %add3A_198 = arith.constant 2346 : i32
    %add3A_199 = arith.addi %mul3A_0, %add3A_198 : i32
    "tpu.region"() ({
      %run_scoped3A = tpu.sem_alloc : memref<!tpu.dma_semaphore, #tpu.memory_space<semaphore_mem>>
      %dma_start3A_200 = arith.constant 0 : i32
      %dma_start3A_201 = tpu.memref_slice %arg6[%arg0, %add3A_199, %dma_start3A_200] : memref<2x50048x16xf32, #tpu.memory_space<hbm>> -> memref<1x782x16xf32, #tpu.memory_space<hbm>>
      %dma_start3A_202 = tpu.memref_squeeze %dma_start3A_201 : memref<1x782x16xf32, #tpu.memory_space<hbm>> -> memref<782x16xf32, #tpu.memory_space<hbm>>
      %dma_start3A_203 = arith.constant 0 : i32
      %dma_start3A_204 = tpu.memref_slice %arg6[%arg0, %add3A_199, %dma_start3A_203] : memref<2x50048x16xf32, #tpu.memory_space<hbm>> -> memref<1x782x16xf32, #tpu.memory_space<hbm>>
      %dma_start3A_205 = tpu.memref_squeeze %dma_start3A_204 : memref<1x782x16xf32, #tpu.memory_space<hbm>> -> memref<782x16xf32, #tpu.memory_space<hbm>>
      tpu.enqueue_dma source(%arg15 : memref<782x16xf32, #tpu.memory_space<vmem>>) target(%dma_start3A_205 : memref<782x16xf32, #tpu.memory_space<hbm>>) target_semaphore(%run_scoped3A : memref<!tpu.dma_semaphore, #tpu.memory_space<semaphore_mem>>)
      %dma_wait3A_206 = arith.constant 0 : i32
      %dma_wait3A_207 = tpu.memref_slice %arg6[%arg0, %add3A_199, %dma_wait3A_206] : memref<2x50048x16xf32, #tpu.memory_space<hbm>> -> memref<1x782x16xf32, #tpu.memory_space<hbm>>
      %dma_wait3A_208 = tpu.memref_squeeze %dma_wait3A_207 : memref<1x782x16xf32, #tpu.memory_space<hbm>> -> memref<782x16xf32, #tpu.memory_space<hbm>>
      %dma_wait3A_209 = arith.constant 0 : i32
      %dma_wait3A_210 = tpu.memref_slice %arg6[%arg0, %add3A_199, %dma_wait3A_209] : memref<2x50048x16xf32, #tpu.memory_space<hbm>> -> memref<1x782x16xf32, #tpu.memory_space<hbm>>
      %dma_wait3A_211 = tpu.memref_squeeze %dma_wait3A_210 : memref<1x782x16xf32, #tpu.memory_space<hbm>> -> memref<782x16xf32, #tpu.memory_space<hbm>>
      tpu.wait_dma2 semaphore(%run_scoped3A : memref<!tpu.dma_semaphore, #tpu.memory_space<semaphore_mem>>) src(%arg15 : memref<782x16xf32, #tpu.memory_space<vmem>>) dst(%dma_wait3A_211 : memref<782x16xf32, #tpu.memory_space<hbm>>)
      tpu.yield
    }) : () -> ()
    return
  }
}

#map = affine_map<(d0, d1) -> (0, 0)>
#map1 = affine_map<(d0, d1) -> (0)>
#map2 = affine_map<(d0, d1) -> (0, 0, 0)>
module attributes {stable_mosaic.version = 14 : i64} {
  func.func @seg_sum(%arg0: i32, %arg1: i32, %arg2: memref<200000x16xf32, #tpu.memory_space<hbm>>, %arg3: memref<1600000xi32, #tpu.memory_space<hbm>>, %arg4: memref<1600000xi32, #tpu.memory_space<hbm>>, %arg5: memref<782x16xf32, #tpu.memory_space<hbm>>, %arg6: memref<2x50048x16xf32, #tpu.memory_space<hbm>>, %arg7: memref<400xi32, #tpu.memory_space<vmem>>, %arg8: memref<400xi32, #tpu.memory_space<vmem>>, %arg9: memref<400xi32, #tpu.memory_space<vmem>>, %arg10: memref<400xi32, #tpu.memory_space<vmem>>, %arg11: memref<400xi32, #tpu.memory_space<vmem>>, %arg12: memref<400xi32, #tpu.memory_space<vmem>>, %arg13: memref<400x16xf32, #tpu.memory_space<vmem>>, %arg14: memref<400x16xf32, #tpu.memory_space<vmem>>, %arg15: memref<782x16xf32, #tpu.memory_space<vmem>>, %arg16: memref<50048x16xf32, #tpu.memory_space<vmem_shared>>, %arg17: memref<!tpu.dma_semaphore, #tpu.memory_space<semaphore_mem>>, %arg18: memref<!tpu.dma_semaphore, #tpu.memory_space<semaphore_mem>>, %arg19: memref<!tpu.dma_semaphore, #tpu.memory_space<semaphore_mem>>, %arg20: memref<!tpu.dma_semaphore, #tpu.memory_space<semaphore_mem>>, %arg21: memref<!tpu.dma_semaphore, #tpu.memory_space<semaphore_mem>>, %arg22: memref<!tpu.dma_semaphore, #tpu.memory_space<semaphore_mem>>, %arg23: memref<!tpu.dma_semaphore, #tpu.memory_space<semaphore_mem>>, %arg24: memref<!tpu.dma_semaphore, #tpu.memory_space<semaphore_mem>>) attributes {dimension_semantics = [#tpu.dimension_semantics<core_parallel>, #tpu.dimension_semantics<subcore_parallel>], iteration_bounds = array<i64: 2, 16>, scalar_prefetch = 0 : i64, scratch_operands = 18 : i64, tpu.core_type = #tpu.core_type<sc_vector_subcore>, window_params = [{transform_indices = #map}, {transform_indices = #map1}, {transform_indices = #map1}, {transform_indices = #map}, {transform_indices = #map2}]} {
    %mul3A = arith.constant 3128 : i32
    %mul3A_0 = arith.muli %arg1, %mul3A : i32
    "tpu.region"() ({
      %run_scoped3A = tpu.sem_alloc : memref<!tpu.dma_semaphore, #tpu.memory_space<semaphore_mem>>
      tpu.enqueue_dma source(%arg5 : memref<782x16xf32, #tpu.memory_space<hbm>>) target(%arg15 : memref<782x16xf32, #tpu.memory_space<vmem>>) target_semaphore(%run_scoped3A : memref<!tpu.dma_semaphore, #tpu.memory_space<semaphore_mem>>)
      tpu.wait_dma2 semaphore(%run_scoped3A : memref<!tpu.dma_semaphore, #tpu.memory_space<semaphore_mem>>) src(%arg5 : memref<782x16xf32, #tpu.memory_space<hbm>>) dst(%arg15 : memref<782x16xf32, #tpu.memory_space<vmem>>)
      tpu.yield
    }) : () -> ()
    %add3A = arith.constant 0 : i32
    %add3A_1 = arith.addi %mul3A_0, %add3A : i32
    "tpu.region"() ({
      %run_scoped3A = tpu.sem_alloc : memref<!tpu.dma_semaphore, #tpu.memory_space<semaphore_mem>>
      %dma_start3A_200 = arith.constant 0 : i32
      %dma_start3A_201 = tpu.memref_slice %arg16[%add3A_1, %dma_start3A_200] : memref<50048x16xf32, #tpu.memory_space<vmem_shared>> -> memref<782x16xf32, #tpu.memory_space<vmem_shared>>
      %dma_start3A_202 = arith.constant 0 : i32
      %dma_start3A_203 = tpu.memref_slice %arg16[%add3A_1, %dma_start3A_202] : memref<50048x16xf32, #tpu.memory_space<vmem_shared>> -> memref<782x16xf32, #tpu.memory_space<vmem_shared>>
      tpu.enqueue_dma source(%arg15 : memref<782x16xf32, #tpu.memory_space<vmem>>) target(%dma_start3A_203 : memref<782x16xf32, #tpu.memory_space<vmem_shared>>) target_semaphore(%run_scoped3A : memref<!tpu.dma_semaphore, #tpu.memory_space<semaphore_mem>>)
      %dma_wait3A_204 = arith.constant 0 : i32
      %dma_wait3A_205 = tpu.memref_slice %arg16[%add3A_1, %dma_wait3A_204] : memref<50048x16xf32, #tpu.memory_space<vmem_shared>> -> memref<782x16xf32, #tpu.memory_space<vmem_shared>>
      %dma_wait3A_206 = arith.constant 0 : i32
      %dma_wait3A_207 = tpu.memref_slice %arg16[%add3A_1, %dma_wait3A_206] : memref<50048x16xf32, #tpu.memory_space<vmem_shared>> -> memref<782x16xf32, #tpu.memory_space<vmem_shared>>
      tpu.wait_dma2 semaphore(%run_scoped3A : memref<!tpu.dma_semaphore, #tpu.memory_space<semaphore_mem>>) src(%arg15 : memref<782x16xf32, #tpu.memory_space<vmem>>) dst(%dma_wait3A_207 : memref<782x16xf32, #tpu.memory_space<vmem_shared>>)
      tpu.yield
    }) : () -> ()
    %add3A_2 = arith.constant 782 : i32
    %add3A_3 = arith.addi %mul3A_0, %add3A_2 : i32
    "tpu.region"() ({
      %run_scoped3A = tpu.sem_alloc : memref<!tpu.dma_semaphore, #tpu.memory_space<semaphore_mem>>
      %dma_start3A_200 = arith.constant 0 : i32
      %dma_start3A_201 = tpu.memref_slice %arg16[%add3A_3, %dma_start3A_200] : memref<50048x16xf32, #tpu.memory_space<vmem_shared>> -> memref<782x16xf32, #tpu.memory_space<vmem_shared>>
      %dma_start3A_202 = arith.constant 0 : i32
      %dma_start3A_203 = tpu.memref_slice %arg16[%add3A_3, %dma_start3A_202] : memref<50048x16xf32, #tpu.memory_space<vmem_shared>> -> memref<782x16xf32, #tpu.memory_space<vmem_shared>>
      tpu.enqueue_dma source(%arg15 : memref<782x16xf32, #tpu.memory_space<vmem>>) target(%dma_start3A_203 : memref<782x16xf32, #tpu.memory_space<vmem_shared>>) target_semaphore(%run_scoped3A : memref<!tpu.dma_semaphore, #tpu.memory_space<semaphore_mem>>)
      %dma_wait3A_204 = arith.constant 0 : i32
      %dma_wait3A_205 = tpu.memref_slice %arg16[%add3A_3, %dma_wait3A_204] : memref<50048x16xf32, #tpu.memory_space<vmem_shared>> -> memref<782x16xf32, #tpu.memory_space<vmem_shared>>
      %dma_wait3A_206 = arith.constant 0 : i32
      %dma_wait3A_207 = tpu.memref_slice %arg16[%add3A_3, %dma_wait3A_206] : memref<50048x16xf32, #tpu.memory_space<vmem_shared>> -> memref<782x16xf32, #tpu.memory_space<vmem_shared>>
      tpu.wait_dma2 semaphore(%run_scoped3A : memref<!tpu.dma_semaphore, #tpu.memory_space<semaphore_mem>>) src(%arg15 : memref<782x16xf32, #tpu.memory_space<vmem>>) dst(%dma_wait3A_207 : memref<782x16xf32, #tpu.memory_space<vmem_shared>>)
      tpu.yield
    }) : () -> ()
    %add3A_4 = arith.constant 1564 : i32
    %add3A_5 = arith.addi %mul3A_0, %add3A_4 : i32
    "tpu.region"() ({
      %run_scoped3A = tpu.sem_alloc : memref<!tpu.dma_semaphore, #tpu.memory_space<semaphore_mem>>
      %dma_start3A_200 = arith.constant 0 : i32
      %dma_start3A_201 = tpu.memref_slice %arg16[%add3A_5, %dma_start3A_200] : memref<50048x16xf32, #tpu.memory_space<vmem_shared>> -> memref<782x16xf32, #tpu.memory_space<vmem_shared>>
      %dma_start3A_202 = arith.constant 0 : i32
      %dma_start3A_203 = tpu.memref_slice %arg16[%add3A_5, %dma_start3A_202] : memref<50048x16xf32, #tpu.memory_space<vmem_shared>> -> memref<782x16xf32, #tpu.memory_space<vmem_shared>>
      tpu.enqueue_dma source(%arg15 : memref<782x16xf32, #tpu.memory_space<vmem>>) target(%dma_start3A_203 : memref<782x16xf32, #tpu.memory_space<vmem_shared>>) target_semaphore(%run_scoped3A : memref<!tpu.dma_semaphore, #tpu.memory_space<semaphore_mem>>)
      %dma_wait3A_204 = arith.constant 0 : i32
      %dma_wait3A_205 = tpu.memref_slice %arg16[%add3A_5, %dma_wait3A_204] : memref<50048x16xf32, #tpu.memory_space<vmem_shared>> -> memref<782x16xf32, #tpu.memory_space<vmem_shared>>
      %dma_wait3A_206 = arith.constant 0 : i32
      %dma_wait3A_207 = tpu.memref_slice %arg16[%add3A_5, %dma_wait3A_206] : memref<50048x16xf32, #tpu.memory_space<vmem_shared>> -> memref<782x16xf32, #tpu.memory_space<vmem_shared>>
      tpu.wait_dma2 semaphore(%run_scoped3A : memref<!tpu.dma_semaphore, #tpu.memory_space<semaphore_mem>>) src(%arg15 : memref<782x16xf32, #tpu.memory_space<vmem>>) dst(%dma_wait3A_207 : memref<782x16xf32, #tpu.memory_space<vmem_shared>>)
      tpu.yield
    }) : () -> ()
    %add3A_6 = arith.constant 2346 : i32
    %add3A_7 = arith.addi %mul3A_0, %add3A_6 : i32
    "tpu.region"() ({
      %run_scoped3A = tpu.sem_alloc : memref<!tpu.dma_semaphore, #tpu.memory_space<semaphore_mem>>
      %dma_start3A_200 = arith.constant 0 : i32
      %dma_start3A_201 = tpu.memref_slice %arg16[%add3A_7, %dma_start3A_200] : memref<50048x16xf32, #tpu.memory_space<vmem_shared>> -> memref<782x16xf32, #tpu.memory_space<vmem_shared>>
      %dma_start3A_202 = arith.constant 0 : i32
      %dma_start3A_203 = tpu.memref_slice %arg16[%add3A_7, %dma_start3A_202] : memref<50048x16xf32, #tpu.memory_space<vmem_shared>> -> memref<782x16xf32, #tpu.memory_space<vmem_shared>>
      tpu.enqueue_dma source(%arg15 : memref<782x16xf32, #tpu.memory_space<vmem>>) target(%dma_start3A_203 : memref<782x16xf32, #tpu.memory_space<vmem_shared>>) target_semaphore(%run_scoped3A : memref<!tpu.dma_semaphore, #tpu.memory_space<semaphore_mem>>)
      %dma_wait3A_204 = arith.constant 0 : i32
      %dma_wait3A_205 = tpu.memref_slice %arg16[%add3A_7, %dma_wait3A_204] : memref<50048x16xf32, #tpu.memory_space<vmem_shared>> -> memref<782x16xf32, #tpu.memory_space<vmem_shared>>
      %dma_wait3A_206 = arith.constant 0 : i32
      %dma_wait3A_207 = tpu.memref_slice %arg16[%add3A_7, %dma_wait3A_206] : memref<50048x16xf32, #tpu.memory_space<vmem_shared>> -> memref<782x16xf32, #tpu.memory_space<vmem_shared>>
      tpu.wait_dma2 semaphore(%run_scoped3A : memref<!tpu.dma_semaphore, #tpu.memory_space<semaphore_mem>>) src(%arg15 : memref<782x16xf32, #tpu.memory_space<vmem>>) dst(%dma_wait3A_207 : memref<782x16xf32, #tpu.memory_space<vmem_shared>>)
      tpu.yield
    }) : () -> ()
    %barrier3A = arith.constant 0 : index
    tpu.barrier barrier_id(%barrier3A)
    %mul3A_8 = arith.constant 16 : i32
    %mul3A_9 = arith.muli %arg0, %mul3A_8 : i32
    %add3A_10 = arith.addi %mul3A_9, %arg1 : i32
    %mul3A_11 = arith.constant 50000 : i32
    %mul3A_12 = arith.muli %add3A_10, %mul3A_11 : i32
    %min3A = arith.constant 0 : i32
    %min3A_13 = arith.constant 124 : i32
    %min3A_14 = arith.minsi %min3A, %min3A_13 : i32
    %mul3A_15 = arith.constant 400 : i32
    %mul3A_16 = arith.muli %min3A_14, %mul3A_15 : i32
    %add3A_17 = arith.addi %mul3A_12, %mul3A_16 : i32
    %dma_start3A = tpu.memref_slice %arg3[%add3A_17] : memref<1600000xi32, #tpu.memory_space<hbm>> -> memref<400xi32, #tpu.memory_space<hbm>>
    %dma_start3A_18 = tpu.memref_slice %arg3[%add3A_17] : memref<1600000xi32, #tpu.memory_space<hbm>> -> memref<400xi32, #tpu.memory_space<hbm>>
    tpu.enqueue_dma source(%dma_start3A_18 : memref<400xi32, #tpu.memory_space<hbm>>) target(%arg7 : memref<400xi32, #tpu.memory_space<vmem>>) target_semaphore(%arg17 : memref<!tpu.dma_semaphore, #tpu.memory_space<semaphore_mem>>)
    %dma_start3A_19 = tpu.memref_slice %arg4[%add3A_17] : memref<1600000xi32, #tpu.memory_space<hbm>> -> memref<400xi32, #tpu.memory_space<hbm>>
    %dma_start3A_20 = tpu.memref_slice %arg4[%add3A_17] : memref<1600000xi32, #tpu.memory_space<hbm>> -> memref<400xi32, #tpu.memory_space<hbm>>
    tpu.enqueue_dma source(%dma_start3A_20 : memref<400xi32, #tpu.memory_space<hbm>>) target(%arg9 : memref<400xi32, #tpu.memory_space<vmem>>) target_semaphore(%arg19 : memref<!tpu.dma_semaphore, #tpu.memory_space<semaphore_mem>>)
    %mul3A_21 = arith.constant 16 : i32
    %mul3A_22 = arith.muli %arg0, %mul3A_21 : i32
    %add3A_23 = arith.addi %mul3A_22, %arg1 : i32
    %mul3A_24 = arith.constant 50000 : i32
    %mul3A_25 = arith.muli %add3A_23, %mul3A_24 : i32
    %min3A_26 = arith.constant 1 : i32
    %min3A_27 = arith.constant 124 : i32
    %min3A_28 = arith.minsi %min3A_26, %min3A_27 : i32
    %mul3A_29 = arith.constant 400 : i32
    %mul3A_30 = arith.muli %min3A_28, %mul3A_29 : i32
    %add3A_31 = arith.addi %mul3A_25, %mul3A_30 : i32
    %dma_start3A_32 = tpu.memref_slice %arg3[%add3A_31] : memref<1600000xi32, #tpu.memory_space<hbm>> -> memref<400xi32, #tpu.memory_space<hbm>>
    %dma_start3A_33 = tpu.memref_slice %arg3[%add3A_31] : memref<1600000xi32, #tpu.memory_space<hbm>> -> memref<400xi32, #tpu.memory_space<hbm>>
    tpu.enqueue_dma source(%dma_start3A_33 : memref<400xi32, #tpu.memory_space<hbm>>) target(%arg8 : memref<400xi32, #tpu.memory_space<vmem>>) target_semaphore(%arg18 : memref<!tpu.dma_semaphore, #tpu.memory_space<semaphore_mem>>)
    %dma_start3A_34 = tpu.memref_slice %arg4[%add3A_31] : memref<1600000xi32, #tpu.memory_space<hbm>> -> memref<400xi32, #tpu.memory_space<hbm>>
    %dma_start3A_35 = tpu.memref_slice %arg4[%add3A_31] : memref<1600000xi32, #tpu.memory_space<hbm>> -> memref<400xi32, #tpu.memory_space<hbm>>
    tpu.enqueue_dma source(%dma_start3A_35 : memref<400xi32, #tpu.memory_space<hbm>>) target(%arg10 : memref<400xi32, #tpu.memory_space<vmem>>) target_semaphore(%arg20 : memref<!tpu.dma_semaphore, #tpu.memory_space<semaphore_mem>>)
    %dma_wait3A = arith.constant 0 : i32
    %dma_wait3A_36 = tpu.memref_slice %arg3[%dma_wait3A] : memref<1600000xi32, #tpu.memory_space<hbm>> -> memref<400xi32, #tpu.memory_space<hbm>>
    %dma_wait3A_37 = arith.constant 0 : i32
    %dma_wait3A_38 = tpu.memref_slice %arg3[%dma_wait3A_37] : memref<1600000xi32, #tpu.memory_space<hbm>> -> memref<400xi32, #tpu.memory_space<hbm>>
    tpu.wait_dma2 semaphore(%arg17 : memref<!tpu.dma_semaphore, #tpu.memory_space<semaphore_mem>>) src(%dma_wait3A_38 : memref<400xi32, #tpu.memory_space<hbm>>) dst(%arg7 : memref<400xi32, #tpu.memory_space<vmem>>)
    %dma_wait3A_39 = arith.constant 0 : i32
    %dma_wait3A_40 = tpu.memref_slice %arg4[%dma_wait3A_39] : memref<1600000xi32, #tpu.memory_space<hbm>> -> memref<400xi32, #tpu.memory_space<hbm>>
    %dma_wait3A_41 = arith.constant 0 : i32
    %dma_wait3A_42 = tpu.memref_slice %arg4[%dma_wait3A_41] : memref<1600000xi32, #tpu.memory_space<hbm>> -> memref<400xi32, #tpu.memory_space<hbm>>
    tpu.wait_dma2 semaphore(%arg19 : memref<!tpu.dma_semaphore, #tpu.memory_space<semaphore_mem>>) src(%dma_wait3A_42 : memref<400xi32, #tpu.memory_space<hbm>>) dst(%arg9 : memref<400xi32, #tpu.memory_space<vmem>>)
    %scan3A = arith.constant 0 : i32
    %scan3A_43 = arith.constant 0 : i32
    %scan3A_44 = arith.constant 25 : i32
    %scan3A_45 = arith.addi %scan3A_43, %scan3A_44 : i32
    %scan3A_46 = arith.constant 1 : i32
    %scan3A_47 = scf.for %scan3A_200 = %scan3A_43 to %scan3A_45 step %scan3A_46 iter_args(%scan3A_201 = %scan3A) -> (i32)  : i32 {
      %mul3A_202 = arith.constant 16 : i32
      %mul3A_203 = arith.muli %scan3A_200, %mul3A_202 : i32
      %get3A = arith.index_cast %mul3A_203 : i32 to index
      %get3A_204 = tpu.vector_load %arg7[%get3A] {strides = array<i32>} : memref<400xi32, #tpu.memory_space<vmem>>, vector<16xi32>,
      %get3A_205 = vector.shape_cast %get3A_204 : vector<16xi32> to vector<16xi32>
      %get3A_206 = arith.index_cast %mul3A_203 : i32 to index
      %get3A_207 = tpu.vector_load %arg9[%get3A_206] {strides = array<i32>} : memref<400xi32, #tpu.memory_space<vmem>>, vector<16xi32>,
      %get3A_208 = vector.shape_cast %get3A_207 : vector<16xi32> to vector<16xi32>
      %mul3A_209 = arith.constant 2 : i32
      %mul3A_210 = vector.broadcast %mul3A_209 : i32 to vector<16xi32>
      %mul3A_211 = arith.muli %mul3A_210, %get3A_205 : vector<16xi32>
      %and3A = arith.constant 1 : i32
      %and3A_212 = vector.broadcast %and3A : i32 to vector<16xi32>
      %and3A_213 = arith.andi %get3A_208, %and3A_212 : vector<16xi32>
      %add3A_214 = arith.addi %mul3A_211, %and3A_213 : vector<16xi32>
      %swap3A = arith.index_cast %mul3A_203 : i32 to index
      %swap3A_215 = tpu.vector_load %arg7[%swap3A] {strides = array<i32>} : memref<400xi32, #tpu.memory_space<vmem>>, vector<16xi32>,
      %swap3A_216 = vector.shape_cast %swap3A_215 : vector<16xi32> to vector<16xi32>
      %swap3A_217 = vector.shape_cast %add3A_214 : vector<16xi32> to vector<16xi32>
      tpu.vector_store %arg7[%swap3A], %swap3A_217 {strides = array<i32>} : memref<400xi32, #tpu.memory_space<vmem>>, vector<16xi32>,
      %shift_right_arithmetic3A = arith.constant 1 : i32
      %shift_right_arithmetic3A_218 = vector.broadcast %shift_right_arithmetic3A : i32 to vector<16xi32>
      %shift_right_arithmetic3A_219 = arith.shrsi %get3A_208, %shift_right_arithmetic3A_218 : vector<16xi32>
      %swap3A_220 = arith.index_cast %mul3A_203 : i32 to index
      %swap3A_221 = tpu.vector_load %arg11[%swap3A_220] {strides = array<i32>} : memref<400xi32, #tpu.memory_space<vmem>>, vector<16xi32>,
      %swap3A_222 = vector.shape_cast %swap3A_221 : vector<16xi32> to vector<16xi32>
      %swap3A_223 = vector.shape_cast %shift_right_arithmetic3A_219 : vector<16xi32> to vector<16xi32>
      tpu.vector_store %arg11[%swap3A_220], %swap3A_223 {strides = array<i32>} : memref<400xi32, #tpu.memory_space<vmem>>, vector<16xi32>,
      %scan3A_224 = arith.constant 0 : i32
      scf.yield %scan3A_224 : i32
    }
    %scan3A_48 = arith.constant 25 : i32
    %dma_start3A_49 = arith.constant 0 : i32
    %dma_start3A_50 = arith.constant 0 : i32
    %dma_start3A_51 = tpu.memref_slice %arg2[%dma_start3A_49, %dma_start3A_50] : memref<200000x16xf32, #tpu.memory_space<hbm>> -> memref<200000x16xf32, #tpu.memory_space<hbm>>
    tpu.enqueue_indirect_dma source(%dma_start3A_51 : memref<200000x16xf32, #tpu.memory_space<hbm>>) target(%arg13 : memref<400x16xf32, #tpu.memory_space<vmem>>) offsets(%arg7 : memref<400xi32, #tpu.memory_space<vmem>>) semaphore(%arg21 : memref<!tpu.dma_semaphore, #tpu.memory_space<semaphore_mem>>)
    %dma_wait3A_52 = arith.constant 0 : i32
    %dma_wait3A_53 = arith.constant 0 : i32
    %dma_wait3A_54 = tpu.memref_slice %arg2[%dma_wait3A_52, %dma_wait3A_53] : memref<200000x16xf32, #tpu.memory_space<hbm>> -> memref<200000x16xf32, #tpu.memory_space<hbm>>
    tpu.wait_indirect_dma semaphore(%arg21 : memref<!tpu.dma_semaphore, #tpu.memory_space<semaphore_mem>>) src(%dma_wait3A_54 : memref<200000x16xf32, #tpu.memory_space<hbm>>) dst(%arg13 : memref<400x16xf32, #tpu.memory_space<vmem>>)
    %dma_start3A_55 = arith.constant 0 : i32
    %dma_start3A_56 = arith.constant 0 : i32
    %dma_start3A_57 = tpu.memref_slice %arg16[%dma_start3A_55, %dma_start3A_56] : memref<50048x16xf32, #tpu.memory_space<vmem_shared>> -> memref<50048x16xf32, #tpu.memory_space<vmem_shared>>
    tpu.enqueue_indirect_dma source(%arg13 : memref<400x16xf32, #tpu.memory_space<vmem>>) target(%dma_start3A_57 : memref<50048x16xf32, #tpu.memory_space<vmem_shared>>) offsets(%arg11 : memref<400xi32, #tpu.memory_space<vmem>>) semaphore(%arg23 : memref<!tpu.dma_semaphore, #tpu.memory_space<semaphore_mem>>) {add = true}
    %mul3A_58 = arith.constant 16 : i32
    %mul3A_59 = arith.muli %arg0, %mul3A_58 : i32
    %add3A_60 = arith.addi %mul3A_59, %arg1 : i32
    %mul3A_61 = arith.constant 50000 : i32
    %mul3A_62 = arith.muli %add3A_60, %mul3A_61 : i32
    %min3A_63 = arith.constant 2 : i32
    %min3A_64 = arith.constant 124 : i32
    %min3A_65 = arith.minsi %min3A_63, %min3A_64 : i32
    %mul3A_66 = arith.constant 400 : i32
    %mul3A_67 = arith.muli %min3A_65, %mul3A_66 : i32
    %add3A_68 = arith.addi %mul3A_62, %mul3A_67 : i32
    %dma_start3A_69 = tpu.memref_slice %arg3[%add3A_68] : memref<1600000xi32, #tpu.memory_space<hbm>> -> memref<400xi32, #tpu.memory_space<hbm>>
    %dma_start3A_70 = tpu.memref_slice %arg3[%add3A_68] : memref<1600000xi32, #tpu.memory_space<hbm>> -> memref<400xi32, #tpu.memory_space<hbm>>
    tpu.enqueue_dma source(%dma_start3A_70 : memref<400xi32, #tpu.memory_space<hbm>>) target(%arg7 : memref<400xi32, #tpu.memory_space<vmem>>) target_semaphore(%arg17 : memref<!tpu.dma_semaphore, #tpu.memory_space<semaphore_mem>>)
    %dma_start3A_71 = tpu.memref_slice %arg4[%add3A_68] : memref<1600000xi32, #tpu.memory_space<hbm>> -> memref<400xi32, #tpu.memory_space<hbm>>
    %dma_start3A_72 = tpu.memref_slice %arg4[%add3A_68] : memref<1600000xi32, #tpu.memory_space<hbm>> -> memref<400xi32, #tpu.memory_space<hbm>>
    tpu.enqueue_dma source(%dma_start3A_72 : memref<400xi32, #tpu.memory_space<hbm>>) target(%arg9 : memref<400xi32, #tpu.memory_space<vmem>>) target_semaphore(%arg19 : memref<!tpu.dma_semaphore, #tpu.memory_space<semaphore_mem>>)
    %dma_wait3A_73 = arith.constant 0 : i32
    %dma_wait3A_74 = tpu.memref_slice %arg3[%dma_wait3A_73] : memref<1600000xi32, #tpu.memory_space<hbm>> -> memref<400xi32, #tpu.memory_space<hbm>>
    %dma_wait3A_75 = arith.constant 0 : i32
    %dma_wait3A_76 = tpu.memref_slice %arg3[%dma_wait3A_75] : memref<1600000xi32, #tpu.memory_space<hbm>> -> memref<400xi32, #tpu.memory_space<hbm>>
    tpu.wait_dma2 semaphore(%arg18 : memref<!tpu.dma_semaphore, #tpu.memory_space<semaphore_mem>>) src(%dma_wait3A_76 : memref<400xi32, #tpu.memory_space<hbm>>) dst(%arg8 : memref<400xi32, #tpu.memory_space<vmem>>)
    %dma_wait3A_77 = arith.constant 0 : i32
    %dma_wait3A_78 = tpu.memref_slice %arg4[%dma_wait3A_77] : memref<1600000xi32, #tpu.memory_space<hbm>> -> memref<400xi32, #tpu.memory_space<hbm>>
    %dma_wait3A_79 = arith.constant 0 : i32
    %dma_wait3A_80 = tpu.memref_slice %arg4[%dma_wait3A_79] : memref<1600000xi32, #tpu.memory_space<hbm>> -> memref<400xi32, #tpu.memory_space<hbm>>
    tpu.wait_dma2 semaphore(%arg20 : memref<!tpu.dma_semaphore, #tpu.memory_space<semaphore_mem>>) src(%dma_wait3A_80 : memref<400xi32, #tpu.memory_space<hbm>>) dst(%arg10 : memref<400xi32, #tpu.memory_space<vmem>>)
    %scan3A_81 = arith.constant 0 : i32
    %scan3A_82 = arith.constant 0 : i32
    %scan3A_83 = arith.constant 25 : i32
    %scan3A_84 = arith.addi %scan3A_82, %scan3A_83 : i32
    %scan3A_85 = arith.constant 1 : i32
    %scan3A_86 = scf.for %scan3A_200 = %scan3A_82 to %scan3A_84 step %scan3A_85 iter_args(%scan3A_201 = %scan3A_81) -> (i32)  : i32 {
      %mul3A_202 = arith.constant 16 : i32
      %mul3A_203 = arith.muli %scan3A_200, %mul3A_202 : i32
      %get3A = arith.index_cast %mul3A_203 : i32 to index
      %get3A_204 = tpu.vector_load %arg8[%get3A] {strides = array<i32>} : memref<400xi32, #tpu.memory_space<vmem>>, vector<16xi32>,
      %get3A_205 = vector.shape_cast %get3A_204 : vector<16xi32> to vector<16xi32>
      %get3A_206 = arith.index_cast %mul3A_203 : i32 to index
      %get3A_207 = tpu.vector_load %arg10[%get3A_206] {strides = array<i32>} : memref<400xi32, #tpu.memory_space<vmem>>, vector<16xi32>,
      %get3A_208 = vector.shape_cast %get3A_207 : vector<16xi32> to vector<16xi32>
      %mul3A_209 = arith.constant 2 : i32
      %mul3A_210 = vector.broadcast %mul3A_209 : i32 to vector<16xi32>
      %mul3A_211 = arith.muli %mul3A_210, %get3A_205 : vector<16xi32>
      %and3A = arith.constant 1 : i32
      %and3A_212 = vector.broadcast %and3A : i32 to vector<16xi32>
      %and3A_213 = arith.andi %get3A_208, %and3A_212 : vector<16xi32>
      %add3A_214 = arith.addi %mul3A_211, %and3A_213 : vector<16xi32>
      %swap3A = arith.index_cast %mul3A_203 : i32 to index
      %swap3A_215 = tpu.vector_load %arg8[%swap3A] {strides = array<i32>} : memref<400xi32, #tpu.memory_space<vmem>>, vector<16xi32>,
      %swap3A_216 = vector.shape_cast %swap3A_215 : vector<16xi32> to vector<16xi32>
      %swap3A_217 = vector.shape_cast %add3A_214 : vector<16xi32> to vector<16xi32>
      tpu.vector_store %arg8[%swap3A], %swap3A_217 {strides = array<i32>} : memref<400xi32, #tpu.memory_space<vmem>>, vector<16xi32>,
      %shift_right_arithmetic3A = arith.constant 1 : i32
      %shift_right_arithmetic3A_218 = vector.broadcast %shift_right_arithmetic3A : i32 to vector<16xi32>
      %shift_right_arithmetic3A_219 = arith.shrsi %get3A_208, %shift_right_arithmetic3A_218 : vector<16xi32>
      %swap3A_220 = arith.index_cast %mul3A_203 : i32 to index
      %swap3A_221 = tpu.vector_load %arg12[%swap3A_220] {strides = array<i32>} : memref<400xi32, #tpu.memory_space<vmem>>, vector<16xi32>,
      %swap3A_222 = vector.shape_cast %swap3A_221 : vector<16xi32> to vector<16xi32>
      %swap3A_223 = vector.shape_cast %shift_right_arithmetic3A_219 : vector<16xi32> to vector<16xi32>
      tpu.vector_store %arg12[%swap3A_220], %swap3A_223 {strides = array<i32>} : memref<400xi32, #tpu.memory_space<vmem>>, vector<16xi32>,
      %scan3A_224 = arith.constant 0 : i32
      scf.yield %scan3A_224 : i32
    }
    %scan3A_87 = arith.constant 25 : i32
    %dma_start3A_88 = arith.constant 0 : i32
    %dma_start3A_89 = arith.constant 0 : i32
    %dma_start3A_90 = tpu.memref_slice %arg2[%dma_start3A_88, %dma_start3A_89] : memref<200000x16xf32, #tpu.memory_space<hbm>> -> memref<200000x16xf32, #tpu.memory_space<hbm>>
    tpu.enqueue_indirect_dma source(%dma_start3A_90 : memref<200000x16xf32, #tpu.memory_space<hbm>>) target(%arg14 : memref<400x16xf32, #tpu.memory_space<vmem>>) offsets(%arg8 : memref<400xi32, #tpu.memory_space<vmem>>) semaphore(%arg22 : memref<!tpu.dma_semaphore, #tpu.memory_space<semaphore_mem>>)
    %dma_wait3A_91 = arith.constant 0 : i32
    %dma_wait3A_92 = arith.constant 0 : i32
    %dma_wait3A_93 = tpu.memref_slice %arg2[%dma_wait3A_91, %dma_wait3A_92] : memref<200000x16xf32, #tpu.memory_space<hbm>> -> memref<200000x16xf32, #tpu.memory_space<hbm>>
    tpu.wait_indirect_dma semaphore(%arg22 : memref<!tpu.dma_semaphore, #tpu.memory_space<semaphore_mem>>) src(%dma_wait3A_93 : memref<200000x16xf32, #tpu.memory_space<hbm>>) dst(%arg14 : memref<400x16xf32, #tpu.memory_space<vmem>>)
    %dma_start3A_94 = arith.constant 0 : i32
    %dma_start3A_95 = arith.constant 0 : i32
    %dma_start3A_96 = tpu.memref_slice %arg16[%dma_start3A_94, %dma_start3A_95] : memref<50048x16xf32, #tpu.memory_space<vmem_shared>> -> memref<50048x16xf32, #tpu.memory_space<vmem_shared>>
    tpu.enqueue_indirect_dma source(%arg14 : memref<400x16xf32, #tpu.memory_space<vmem>>) target(%dma_start3A_96 : memref<50048x16xf32, #tpu.memory_space<vmem_shared>>) offsets(%arg12 : memref<400xi32, #tpu.memory_space<vmem>>) semaphore(%arg24 : memref<!tpu.dma_semaphore, #tpu.memory_space<semaphore_mem>>) {add = true}
    %mul3A_97 = arith.constant 16 : i32
    %mul3A_98 = arith.muli %arg0, %mul3A_97 : i32
    %add3A_99 = arith.addi %mul3A_98, %arg1 : i32
    %mul3A_100 = arith.constant 50000 : i32
    %mul3A_101 = arith.muli %add3A_99, %mul3A_100 : i32
    %min3A_102 = arith.constant 3 : i32
    %min3A_103 = arith.constant 124 : i32
    %min3A_104 = arith.minsi %min3A_102, %min3A_103 : i32
    %mul3A_105 = arith.constant 400 : i32
    %mul3A_106 = arith.muli %min3A_104, %mul3A_105 : i32
    %add3A_107 = arith.addi %mul3A_101, %mul3A_106 : i32
    %dma_start3A_108 = tpu.memref_slice %arg3[%add3A_107] : memref<1600000xi32, #tpu.memory_space<hbm>> -> memref<400xi32, #tpu.memory_space<hbm>>
    %dma_start3A_109 = tpu.memref_slice %arg3[%add3A_107] : memref<1600000xi32, #tpu.memory_space<hbm>> -> memref<400xi32, #tpu.memory_space<hbm>>
    tpu.enqueue_dma source(%dma_start3A_109 : memref<400xi32, #tpu.memory_space<hbm>>) target(%arg8 : memref<400xi32, #tpu.memory_space<vmem>>) target_semaphore(%arg18 : memref<!tpu.dma_semaphore, #tpu.memory_space<semaphore_mem>>)
    %dma_start3A_110 = tpu.memref_slice %arg4[%add3A_107] : memref<1600000xi32, #tpu.memory_space<hbm>> -> memref<400xi32, #tpu.memory_space<hbm>>
    %dma_start3A_111 = tpu.memref_slice %arg4[%add3A_107] : memref<1600000xi32, #tpu.memory_space<hbm>> -> memref<400xi32, #tpu.memory_space<hbm>>
    tpu.enqueue_dma source(%dma_start3A_111 : memref<400xi32, #tpu.memory_space<hbm>>) target(%arg10 : memref<400xi32, #tpu.memory_space<vmem>>) target_semaphore(%arg20 : memref<!tpu.dma_semaphore, #tpu.memory_space<semaphore_mem>>)
    %scan3A_112 = arith.constant 0 : i32
    %scan3A_113 = arith.constant 1 : i32
    %scan3A_114 = arith.constant 61 : i32
    %scan3A_115 = arith.addi %scan3A_113, %scan3A_114 : i32
    %scan3A_116 = arith.constant 1 : i32
    %scan3A_117 = scf.for %scan3A_200 = %scan3A_113 to %scan3A_115 step %scan3A_116 iter_args(%scan3A_201 = %scan3A_112) -> (i32)  : i32 {
      %dma_wait3A_202 = arith.constant 0 : i32
      %dma_wait3A_203 = arith.constant 0 : i32
      %dma_wait3A_204 = tpu.memref_slice %arg16[%dma_wait3A_202, %dma_wait3A_203] : memref<50048x16xf32, #tpu.memory_space<vmem_shared>> -> memref<50048x16xf32, #tpu.memory_space<vmem_shared>>
      tpu.wait_indirect_dma semaphore(%arg23 : memref<!tpu.dma_semaphore, #tpu.memory_space<semaphore_mem>>) src(%arg13 : memref<400x16xf32, #tpu.memory_space<vmem>>) dst(%dma_wait3A_204 : memref<50048x16xf32, #tpu.memory_space<vmem_shared>>)
      %mul3A_205 = arith.constant 2 : i32
      %mul3A_206 = arith.muli %mul3A_205, %scan3A_200 : i32
      %add3A_207 = arith.constant 0 : i32
      %add3A_208 = arith.addi %mul3A_206, %add3A_207 : i32
      %dma_wait3A_209 = arith.constant 0 : i32
      %dma_wait3A_210 = tpu.memref_slice %arg3[%dma_wait3A_209] : memref<1600000xi32, #tpu.memory_space<hbm>> -> memref<400xi32, #tpu.memory_space<hbm>>
      %dma_wait3A_211 = arith.constant 0 : i32
      %dma_wait3A_212 = tpu.memref_slice %arg3[%dma_wait3A_211] : memref<1600000xi32, #tpu.memory_space<hbm>> -> memref<400xi32, #tpu.memory_space<hbm>>
      tpu.wait_dma2 semaphore(%arg17 : memref<!tpu.dma_semaphore, #tpu.memory_space<semaphore_mem>>) src(%dma_wait3A_212 : memref<400xi32, #tpu.memory_space<hbm>>) dst(%arg7 : memref<400xi32, #tpu.memory_space<vmem>>)
      %dma_wait3A_213 = arith.constant 0 : i32
      %dma_wait3A_214 = tpu.memref_slice %arg4[%dma_wait3A_213] : memref<1600000xi32, #tpu.memory_space<hbm>> -> memref<400xi32, #tpu.memory_space<hbm>>
      %dma_wait3A_215 = arith.constant 0 : i32
      %dma_wait3A_216 = tpu.memref_slice %arg4[%dma_wait3A_215] : memref<1600000xi32, #tpu.memory_space<hbm>> -> memref<400xi32, #tpu.memory_space<hbm>>
      tpu.wait_dma2 semaphore(%arg19 : memref<!tpu.dma_semaphore, #tpu.memory_space<semaphore_mem>>) src(%dma_wait3A_216 : memref<400xi32, #tpu.memory_space<hbm>>) dst(%arg9 : memref<400xi32, #tpu.memory_space<vmem>>)
      %scan3A_217 = arith.constant 0 : i32
      %scan3A_218 = arith.constant 0 : i32
      %scan3A_219 = arith.constant 25 : i32
      %scan3A_220 = arith.addi %scan3A_218, %scan3A_219 : i32
      %scan3A_221 = arith.constant 1 : i32
      %scan3A_222 = scf.for %scan3A_297 = %scan3A_218 to %scan3A_220 step %scan3A_221 iter_args(%scan3A_298 = %scan3A_217) -> (i32)  : i32 {
        %mul3A_299 = arith.constant 16 : i32
        %mul3A_300 = arith.muli %scan3A_297, %mul3A_299 : i32
        %get3A = arith.index_cast %mul3A_300 : i32 to index
        %get3A_301 = tpu.vector_load %arg7[%get3A] {strides = array<i32>} : memref<400xi32, #tpu.memory_space<vmem>>, vector<16xi32>,
        %get3A_302 = vector.shape_cast %get3A_301 : vector<16xi32> to vector<16xi32>
        %get3A_303 = arith.index_cast %mul3A_300 : i32 to index
        %get3A_304 = tpu.vector_load %arg9[%get3A_303] {strides = array<i32>} : memref<400xi32, #tpu.memory_space<vmem>>, vector<16xi32>,
        %get3A_305 = vector.shape_cast %get3A_304 : vector<16xi32> to vector<16xi32>
        %mul3A_306 = arith.constant 2 : i32
        %mul3A_307 = vector.broadcast %mul3A_306 : i32 to vector<16xi32>
        %mul3A_308 = arith.muli %mul3A_307, %get3A_302 : vector<16xi32>
        %and3A = arith.constant 1 : i32
        %and3A_309 = vector.broadcast %and3A : i32 to vector<16xi32>
        %and3A_310 = arith.andi %get3A_305, %and3A_309 : vector<16xi32>
        %add3A_311 = arith.addi %mul3A_308, %and3A_310 : vector<16xi32>
        %swap3A = arith.index_cast %mul3A_300 : i32 to index
        %swap3A_312 = tpu.vector_load %arg7[%swap3A] {strides = array<i32>} : memref<400xi32, #tpu.memory_space<vmem>>, vector<16xi32>,
        %swap3A_313 = vector.shape_cast %swap3A_312 : vector<16xi32> to vector<16xi32>
        %swap3A_314 = vector.shape_cast %add3A_311 : vector<16xi32> to vector<16xi32>
        tpu.vector_store %arg7[%swap3A], %swap3A_314 {strides = array<i32>} : memref<400xi32, #tpu.memory_space<vmem>>, vector<16xi32>,
        %shift_right_arithmetic3A = arith.constant 1 : i32
        %shift_right_arithmetic3A_315 = vector.broadcast %shift_right_arithmetic3A : i32 to vector<16xi32>
        %shift_right_arithmetic3A_316 = arith.shrsi %get3A_305, %shift_right_arithmetic3A_315 : vector<16xi32>
        %swap3A_317 = arith.index_cast %mul3A_300 : i32 to index
        %swap3A_318 = tpu.vector_load %arg11[%swap3A_317] {strides = array<i32>} : memref<400xi32, #tpu.memory_space<vmem>>, vector<16xi32>,
        %swap3A_319 = vector.shape_cast %swap3A_318 : vector<16xi32> to vector<16xi32>
        %swap3A_320 = vector.shape_cast %shift_right_arithmetic3A_316 : vector<16xi32> to vector<16xi32>
        tpu.vector_store %arg11[%swap3A_317], %swap3A_320 {strides = array<i32>} : memref<400xi32, #tpu.memory_space<vmem>>, vector<16xi32>,
        %scan3A_321 = arith.constant 0 : i32
        scf.yield %scan3A_321 : i32
      }
      %scan3A_223 = arith.constant 25 : i32
      %dma_start3A_224 = arith.constant 0 : i32
      %dma_start3A_225 = arith.constant 0 : i32
      %dma_start3A_226 = tpu.memref_slice %arg2[%dma_start3A_224, %dma_start3A_225] : memref<200000x16xf32, #tpu.memory_space<hbm>> -> memref<200000x16xf32, #tpu.memory_space<hbm>>
      tpu.enqueue_indirect_dma source(%dma_start3A_226 : memref<200000x16xf32, #tpu.memory_space<hbm>>) target(%arg13 : memref<400x16xf32, #tpu.memory_space<vmem>>) offsets(%arg7 : memref<400xi32, #tpu.memory_space<vmem>>) semaphore(%arg21 : memref<!tpu.dma_semaphore, #tpu.memory_space<semaphore_mem>>)
      %dma_wait3A_227 = arith.constant 0 : i32
      %dma_wait3A_228 = arith.constant 0 : i32
      %dma_wait3A_229 = tpu.memref_slice %arg2[%dma_wait3A_227, %dma_wait3A_228] : memref<200000x16xf32, #tpu.memory_space<hbm>> -> memref<200000x16xf32, #tpu.memory_space<hbm>>
      tpu.wait_indirect_dma semaphore(%arg21 : memref<!tpu.dma_semaphore, #tpu.memory_space<semaphore_mem>>) src(%dma_wait3A_229 : memref<200000x16xf32, #tpu.memory_space<hbm>>) dst(%arg13 : memref<400x16xf32, #tpu.memory_space<vmem>>)
      %dma_start3A_230 = arith.constant 0 : i32
      %dma_start3A_231 = arith.constant 0 : i32
      %dma_start3A_232 = tpu.memref_slice %arg16[%dma_start3A_230, %dma_start3A_231] : memref<50048x16xf32, #tpu.memory_space<vmem_shared>> -> memref<50048x16xf32, #tpu.memory_space<vmem_shared>>
      tpu.enqueue_indirect_dma source(%arg13 : memref<400x16xf32, #tpu.memory_space<vmem>>) target(%dma_start3A_232 : memref<50048x16xf32, #tpu.memory_space<vmem_shared>>) offsets(%arg11 : memref<400xi32, #tpu.memory_space<vmem>>) semaphore(%arg23 : memref<!tpu.dma_semaphore, #tpu.memory_space<semaphore_mem>>) {add = true}
      %add3A_233 = arith.constant 2 : i32
      %add3A_234 = arith.addi %add3A_208, %add3A_233 : i32
      %mul3A_235 = arith.constant 16 : i32
      %mul3A_236 = arith.muli %arg0, %mul3A_235 : i32
      %add3A_237 = arith.addi %mul3A_236, %arg1 : i32
      %mul3A_238 = arith.constant 50000 : i32
      %mul3A_239 = arith.muli %add3A_237, %mul3A_238 : i32
      %min3A_240 = arith.constant 124 : i32
      %min3A_241 = arith.minsi %add3A_234, %min3A_240 : i32
      %mul3A_242 = arith.constant 400 : i32
      %mul3A_243 = arith.muli %min3A_241, %mul3A_242 : i32
      %add3A_244 = arith.addi %mul3A_239, %mul3A_243 : i32
      %dma_start3A_245 = tpu.memref_slice %arg3[%add3A_244] : memref<1600000xi32, #tpu.memory_space<hbm>> -> memref<400xi32, #tpu.memory_space<hbm>>
      %dma_start3A_246 = tpu.memref_slice %arg3[%add3A_244] : memref<1600000xi32, #tpu.memory_space<hbm>> -> memref<400xi32, #tpu.memory_space<hbm>>
      tpu.enqueue_dma source(%dma_start3A_246 : memref<400xi32, #tpu.memory_space<hbm>>) target(%arg7 : memref<400xi32, #tpu.memory_space<vmem>>) target_semaphore(%arg17 : memref<!tpu.dma_semaphore, #tpu.memory_space<semaphore_mem>>)
      %dma_start3A_247 = tpu.memref_slice %arg4[%add3A_244] : memref<1600000xi32, #tpu.memory_space<hbm>> -> memref<400xi32, #tpu.memory_space<hbm>>
      %dma_start3A_248 = tpu.memref_slice %arg4[%add3A_244] : memref<1600000xi32, #tpu.memory_space<hbm>> -> memref<400xi32, #tpu.memory_space<hbm>>
      tpu.enqueue_dma source(%dma_start3A_248 : memref<400xi32, #tpu.memory_space<hbm>>) target(%arg9 : memref<400xi32, #tpu.memory_space<vmem>>) target_semaphore(%arg19 : memref<!tpu.dma_semaphore, #tpu.memory_space<semaphore_mem>>)
      %dma_wait3A_249 = arith.constant 0 : i32
      %dma_wait3A_250 = arith.constant 0 : i32
      %dma_wait3A_251 = tpu.memref_slice %arg16[%dma_wait3A_249, %dma_wait3A_250] : memref<50048x16xf32, #tpu.memory_space<vmem_shared>> -> memref<50048x16xf32, #tpu.memory_space<vmem_shared>>
      tpu.wait_indirect_dma semaphore(%arg24 : memref<!tpu.dma_semaphore, #tpu.memory_space<semaphore_mem>>) src(%arg14 : memref<400x16xf32, #tpu.memory_space<vmem>>) dst(%dma_wait3A_251 : memref<50048x16xf32, #tpu.memory_space<vmem_shared>>)
      %mul3A_252 = arith.constant 2 : i32
      %mul3A_253 = arith.muli %mul3A_252, %scan3A_200 : i32
      %add3A_254 = arith.constant 1 : i32
      %add3A_255 = arith.addi %mul3A_253, %add3A_254 : i32
      %dma_wait3A_256 = arith.constant 0 : i32
      %dma_wait3A_257 = tpu.memref_slice %arg3[%dma_wait3A_256] : memref<1600000xi32, #tpu.memory_space<hbm>> -> memref<400xi32, #tpu.memory_space<hbm>>
      %dma_wait3A_258 = arith.constant 0 : i32
      %dma_wait3A_259 = tpu.memref_slice %arg3[%dma_wait3A_258] : memref<1600000xi32, #tpu.memory_space<hbm>> -> memref<400xi32, #tpu.memory_space<hbm>>
      tpu.wait_dma2 semaphore(%arg18 : memref<!tpu.dma_semaphore, #tpu.memory_space<semaphore_mem>>) src(%dma_wait3A_259 : memref<400xi32, #tpu.memory_space<hbm>>) dst(%arg8 : memref<400xi32, #tpu.memory_space<vmem>>)
      %dma_wait3A_260 = arith.constant 0 : i32
      %dma_wait3A_261 = tpu.memref_slice %arg4[%dma_wait3A_260] : memref<1600000xi32, #tpu.memory_space<hbm>> -> memref<400xi32, #tpu.memory_space<hbm>>
      %dma_wait3A_262 = arith.constant 0 : i32
      %dma_wait3A_263 = tpu.memref_slice %arg4[%dma_wait3A_262] : memref<1600000xi32, #tpu.memory_space<hbm>> -> memref<400xi32, #tpu.memory_space<hbm>>
      tpu.wait_dma2 semaphore(%arg20 : memref<!tpu.dma_semaphore, #tpu.memory_space<semaphore_mem>>) src(%dma_wait3A_263 : memref<400xi32, #tpu.memory_space<hbm>>) dst(%arg10 : memref<400xi32, #tpu.memory_space<vmem>>)
      %scan3A_264 = arith.constant 0 : i32
      %scan3A_265 = arith.constant 0 : i32
      %scan3A_266 = arith.constant 25 : i32
      %scan3A_267 = arith.addi %scan3A_265, %scan3A_266 : i32
      %scan3A_268 = arith.constant 1 : i32
      %scan3A_269 = scf.for %scan3A_297 = %scan3A_265 to %scan3A_267 step %scan3A_268 iter_args(%scan3A_298 = %scan3A_264) -> (i32)  : i32 {
        %mul3A_299 = arith.constant 16 : i32
        %mul3A_300 = arith.muli %scan3A_297, %mul3A_299 : i32
        %get3A = arith.index_cast %mul3A_300 : i32 to index
        %get3A_301 = tpu.vector_load %arg8[%get3A] {strides = array<i32>} : memref<400xi32, #tpu.memory_space<vmem>>, vector<16xi32>,
        %get3A_302 = vector.shape_cast %get3A_301 : vector<16xi32> to vector<16xi32>
        %get3A_303 = arith.index_cast %mul3A_300 : i32 to index
        %get3A_304 = tpu.vector_load %arg10[%get3A_303] {strides = array<i32>} : memref<400xi32, #tpu.memory_space<vmem>>, vector<16xi32>,
        %get3A_305 = vector.shape_cast %get3A_304 : vector<16xi32> to vector<16xi32>
        %mul3A_306 = arith.constant 2 : i32
        %mul3A_307 = vector.broadcast %mul3A_306 : i32 to vector<16xi32>
        %mul3A_308 = arith.muli %mul3A_307, %get3A_302 : vector<16xi32>
        %and3A = arith.constant 1 : i32
        %and3A_309 = vector.broadcast %and3A : i32 to vector<16xi32>
        %and3A_310 = arith.andi %get3A_305, %and3A_309 : vector<16xi32>
        %add3A_311 = arith.addi %mul3A_308, %and3A_310 : vector<16xi32>
        %swap3A = arith.index_cast %mul3A_300 : i32 to index
        %swap3A_312 = tpu.vector_load %arg8[%swap3A] {strides = array<i32>} : memref<400xi32, #tpu.memory_space<vmem>>, vector<16xi32>,
        %swap3A_313 = vector.shape_cast %swap3A_312 : vector<16xi32> to vector<16xi32>
        %swap3A_314 = vector.shape_cast %add3A_311 : vector<16xi32> to vector<16xi32>
        tpu.vector_store %arg8[%swap3A], %swap3A_314 {strides = array<i32>} : memref<400xi32, #tpu.memory_space<vmem>>, vector<16xi32>,
        %shift_right_arithmetic3A = arith.constant 1 : i32
        %shift_right_arithmetic3A_315 = vector.broadcast %shift_right_arithmetic3A : i32 to vector<16xi32>
        %shift_right_arithmetic3A_316 = arith.shrsi %get3A_305, %shift_right_arithmetic3A_315 : vector<16xi32>
        %swap3A_317 = arith.index_cast %mul3A_300 : i32 to index
        %swap3A_318 = tpu.vector_load %arg12[%swap3A_317] {strides = array<i32>} : memref<400xi32, #tpu.memory_space<vmem>>, vector<16xi32>,
        %swap3A_319 = vector.shape_cast %swap3A_318 : vector<16xi32> to vector<16xi32>
        %swap3A_320 = vector.shape_cast %shift_right_arithmetic3A_316 : vector<16xi32> to vector<16xi32>
        tpu.vector_store %arg12[%swap3A_317], %swap3A_320 {strides = array<i32>} : memref<400xi32, #tpu.memory_space<vmem>>, vector<16xi32>,
        %scan3A_321 = arith.constant 0 : i32
        scf.yield %scan3A_321 : i32
      }
      %scan3A_270 = arith.constant 25 : i32
      %dma_start3A_271 = arith.constant 0 : i32
      %dma_start3A_272 = arith.constant 0 : i32
      %dma_start3A_273 = tpu.memref_slice %arg2[%dma_start3A_271, %dma_start3A_272] : memref<200000x16xf32, #tpu.memory_space<hbm>> -> memref<200000x16xf32, #tpu.memory_space<hbm>>
      tpu.enqueue_indirect_dma source(%dma_start3A_273 : memref<200000x16xf32, #tpu.memory_space<hbm>>) target(%arg14 : memref<400x16xf32, #tpu.memory_space<vmem>>) offsets(%arg8 : memref<400xi32, #tpu.memory_space<vmem>>) semaphore(%arg22 : memref<!tpu.dma_semaphore, #tpu.memory_space<semaphore_mem>>)
      %dma_wait3A_274 = arith.constant 0 : i32
      %dma_wait3A_275 = arith.constant 0 : i32
      %dma_wait3A_276 = tpu.memref_slice %arg2[%dma_wait3A_274, %dma_wait3A_275] : memref<200000x16xf32, #tpu.memory_space<hbm>> -> memref<200000x16xf32, #tpu.memory_space<hbm>>
      tpu.wait_indirect_dma semaphore(%arg22 : memref<!tpu.dma_semaphore, #tpu.memory_space<semaphore_mem>>) src(%dma_wait3A_276 : memref<200000x16xf32, #tpu.memory_space<hbm>>) dst(%arg14 : memref<400x16xf32, #tpu.memory_space<vmem>>)
      %dma_start3A_277 = arith.constant 0 : i32
      %dma_start3A_278 = arith.constant 0 : i32
      %dma_start3A_279 = tpu.memref_slice %arg16[%dma_start3A_277, %dma_start3A_278] : memref<50048x16xf32, #tpu.memory_space<vmem_shared>> -> memref<50048x16xf32, #tpu.memory_space<vmem_shared>>
      tpu.enqueue_indirect_dma source(%arg14 : memref<400x16xf32, #tpu.memory_space<vmem>>) target(%dma_start3A_279 : memref<50048x16xf32, #tpu.memory_space<vmem_shared>>) offsets(%arg12 : memref<400xi32, #tpu.memory_space<vmem>>) semaphore(%arg24 : memref<!tpu.dma_semaphore, #tpu.memory_space<semaphore_mem>>) {add = true}
      %add3A_280 = arith.constant 2 : i32
      %add3A_281 = arith.addi %add3A_255, %add3A_280 : i32
      %mul3A_282 = arith.constant 16 : i32
      %mul3A_283 = arith.muli %arg0, %mul3A_282 : i32
      %add3A_284 = arith.addi %mul3A_283, %arg1 : i32
      %mul3A_285 = arith.constant 50000 : i32
      %mul3A_286 = arith.muli %add3A_284, %mul3A_285 : i32
      %min3A_287 = arith.constant 124 : i32
      %min3A_288 = arith.minsi %add3A_281, %min3A_287 : i32
      %mul3A_289 = arith.constant 400 : i32
      %mul3A_290 = arith.muli %min3A_288, %mul3A_289 : i32
      %add3A_291 = arith.addi %mul3A_286, %mul3A_290 : i32
      %dma_start3A_292 = tpu.memref_slice %arg3[%add3A_291] : memref<1600000xi32, #tpu.memory_space<hbm>> -> memref<400xi32, #tpu.memory_space<hbm>>
      %dma_start3A_293 = tpu.memref_slice %arg3[%add3A_291] : memref<1600000xi32, #tpu.memory_space<hbm>> -> memref<400xi32, #tpu.memory_space<hbm>>
      tpu.enqueue_dma source(%dma_start3A_293 : memref<400xi32, #tpu.memory_space<hbm>>) target(%arg8 : memref<400xi32, #tpu.memory_space<vmem>>) target_semaphore(%arg18 : memref<!tpu.dma_semaphore, #tpu.memory_space<semaphore_mem>>)
      %dma_start3A_294 = tpu.memref_slice %arg4[%add3A_291] : memref<1600000xi32, #tpu.memory_space<hbm>> -> memref<400xi32, #tpu.memory_space<hbm>>
      %dma_start3A_295 = tpu.memref_slice %arg4[%add3A_291] : memref<1600000xi32, #tpu.memory_space<hbm>> -> memref<400xi32, #tpu.memory_space<hbm>>
      tpu.enqueue_dma source(%dma_start3A_295 : memref<400xi32, #tpu.memory_space<hbm>>) target(%arg10 : memref<400xi32, #tpu.memory_space<vmem>>) target_semaphore(%arg20 : memref<!tpu.dma_semaphore, #tpu.memory_space<semaphore_mem>>)
      %scan3A_296 = arith.constant 0 : i32
      scf.yield %scan3A_296 : i32
    }
    %scan3A_118 = arith.constant 61 : i32
    %dma_wait3A_119 = arith.constant 0 : i32
    %dma_wait3A_120 = arith.constant 0 : i32
    %dma_wait3A_121 = tpu.memref_slice %arg16[%dma_wait3A_119, %dma_wait3A_120] : memref<50048x16xf32, #tpu.memory_space<vmem_shared>> -> memref<50048x16xf32, #tpu.memory_space<vmem_shared>>
    tpu.wait_indirect_dma semaphore(%arg23 : memref<!tpu.dma_semaphore, #tpu.memory_space<semaphore_mem>>) src(%arg13 : memref<400x16xf32, #tpu.memory_space<vmem>>) dst(%dma_wait3A_121 : memref<50048x16xf32, #tpu.memory_space<vmem_shared>>)
    %dma_wait3A_122 = arith.constant 0 : i32
    %dma_wait3A_123 = tpu.memref_slice %arg3[%dma_wait3A_122] : memref<1600000xi32, #tpu.memory_space<hbm>> -> memref<400xi32, #tpu.memory_space<hbm>>
    %dma_wait3A_124 = arith.constant 0 : i32
    %dma_wait3A_125 = tpu.memref_slice %arg3[%dma_wait3A_124] : memref<1600000xi32, #tpu.memory_space<hbm>> -> memref<400xi32, #tpu.memory_space<hbm>>
    tpu.wait_dma2 semaphore(%arg17 : memref<!tpu.dma_semaphore, #tpu.memory_space<semaphore_mem>>) src(%dma_wait3A_125 : memref<400xi32, #tpu.memory_space<hbm>>) dst(%arg7 : memref<400xi32, #tpu.memory_space<vmem>>)
    %dma_wait3A_126 = arith.constant 0 : i32
    %dma_wait3A_127 = tpu.memref_slice %arg4[%dma_wait3A_126] : memref<1600000xi32, #tpu.memory_space<hbm>> -> memref<400xi32, #tpu.memory_space<hbm>>
    %dma_wait3A_128 = arith.constant 0 : i32
    %dma_wait3A_129 = tpu.memref_slice %arg4[%dma_wait3A_128] : memref<1600000xi32, #tpu.memory_space<hbm>> -> memref<400xi32, #tpu.memory_space<hbm>>
    tpu.wait_dma2 semaphore(%arg19 : memref<!tpu.dma_semaphore, #tpu.memory_space<semaphore_mem>>) src(%dma_wait3A_129 : memref<400xi32, #tpu.memory_space<hbm>>) dst(%arg9 : memref<400xi32, #tpu.memory_space<vmem>>)
    %scan3A_130 = arith.constant 0 : i32
    %scan3A_131 = arith.constant 0 : i32
    %scan3A_132 = arith.constant 25 : i32
    %scan3A_133 = arith.addi %scan3A_131, %scan3A_132 : i32
    %scan3A_134 = arith.constant 1 : i32
    %scan3A_135 = scf.for %scan3A_200 = %scan3A_131 to %scan3A_133 step %scan3A_134 iter_args(%scan3A_201 = %scan3A_130) -> (i32)  : i32 {
      %mul3A_202 = arith.constant 16 : i32
      %mul3A_203 = arith.muli %scan3A_200, %mul3A_202 : i32
      %get3A = arith.index_cast %mul3A_203 : i32 to index
      %get3A_204 = tpu.vector_load %arg7[%get3A] {strides = array<i32>} : memref<400xi32, #tpu.memory_space<vmem>>, vector<16xi32>,
      %get3A_205 = vector.shape_cast %get3A_204 : vector<16xi32> to vector<16xi32>
      %get3A_206 = arith.index_cast %mul3A_203 : i32 to index
      %get3A_207 = tpu.vector_load %arg9[%get3A_206] {strides = array<i32>} : memref<400xi32, #tpu.memory_space<vmem>>, vector<16xi32>,
      %get3A_208 = vector.shape_cast %get3A_207 : vector<16xi32> to vector<16xi32>
      %mul3A_209 = arith.constant 2 : i32
      %mul3A_210 = vector.broadcast %mul3A_209 : i32 to vector<16xi32>
      %mul3A_211 = arith.muli %mul3A_210, %get3A_205 : vector<16xi32>
      %and3A = arith.constant 1 : i32
      %and3A_212 = vector.broadcast %and3A : i32 to vector<16xi32>
      %and3A_213 = arith.andi %get3A_208, %and3A_212 : vector<16xi32>
      %add3A_214 = arith.addi %mul3A_211, %and3A_213 : vector<16xi32>
      %swap3A = arith.index_cast %mul3A_203 : i32 to index
      %swap3A_215 = tpu.vector_load %arg7[%swap3A] {strides = array<i32>} : memref<400xi32, #tpu.memory_space<vmem>>, vector<16xi32>,
      %swap3A_216 = vector.shape_cast %swap3A_215 : vector<16xi32> to vector<16xi32>
      %swap3A_217 = vector.shape_cast %add3A_214 : vector<16xi32> to vector<16xi32>
      tpu.vector_store %arg7[%swap3A], %swap3A_217 {strides = array<i32>} : memref<400xi32, #tpu.memory_space<vmem>>, vector<16xi32>,
      %shift_right_arithmetic3A = arith.constant 1 : i32
      %shift_right_arithmetic3A_218 = vector.broadcast %shift_right_arithmetic3A : i32 to vector<16xi32>
      %shift_right_arithmetic3A_219 = arith.shrsi %get3A_208, %shift_right_arithmetic3A_218 : vector<16xi32>
      %swap3A_220 = arith.index_cast %mul3A_203 : i32 to index
      %swap3A_221 = tpu.vector_load %arg11[%swap3A_220] {strides = array<i32>} : memref<400xi32, #tpu.memory_space<vmem>>, vector<16xi32>,
      %swap3A_222 = vector.shape_cast %swap3A_221 : vector<16xi32> to vector<16xi32>
      %swap3A_223 = vector.shape_cast %shift_right_arithmetic3A_219 : vector<16xi32> to vector<16xi32>
      tpu.vector_store %arg11[%swap3A_220], %swap3A_223 {strides = array<i32>} : memref<400xi32, #tpu.memory_space<vmem>>, vector<16xi32>,
      %scan3A_224 = arith.constant 0 : i32
      scf.yield %scan3A_224 : i32
    }
    %scan3A_136 = arith.constant 25 : i32
    %dma_start3A_137 = arith.constant 0 : i32
    %dma_start3A_138 = arith.constant 0 : i32
    %dma_start3A_139 = tpu.memref_slice %arg2[%dma_start3A_137, %dma_start3A_138] : memref<200000x16xf32, #tpu.memory_space<hbm>> -> memref<200000x16xf32, #tpu.memory_space<hbm>>
    tpu.enqueue_indirect_dma source(%dma_start3A_139 : memref<200000x16xf32, #tpu.memory_space<hbm>>) target(%arg13 : memref<400x16xf32, #tpu.memory_space<vmem>>) offsets(%arg7 : memref<400xi32, #tpu.memory_space<vmem>>) semaphore(%arg21 : memref<!tpu.dma_semaphore, #tpu.memory_space<semaphore_mem>>)
    %dma_wait3A_140 = arith.constant 0 : i32
    %dma_wait3A_141 = arith.constant 0 : i32
    %dma_wait3A_142 = tpu.memref_slice %arg2[%dma_wait3A_140, %dma_wait3A_141] : memref<200000x16xf32, #tpu.memory_space<hbm>> -> memref<200000x16xf32, #tpu.memory_space<hbm>>
    tpu.wait_indirect_dma semaphore(%arg21 : memref<!tpu.dma_semaphore, #tpu.memory_space<semaphore_mem>>) src(%dma_wait3A_142 : memref<200000x16xf32, #tpu.memory_space<hbm>>) dst(%arg13 : memref<400x16xf32, #tpu.memory_space<vmem>>)
    %dma_start3A_143 = arith.constant 0 : i32
    %dma_start3A_144 = arith.constant 0 : i32
    %dma_start3A_145 = tpu.memref_slice %arg16[%dma_start3A_143, %dma_start3A_144] : memref<50048x16xf32, #tpu.memory_space<vmem_shared>> -> memref<50048x16xf32, #tpu.memory_space<vmem_shared>>
    tpu.enqueue_indirect_dma source(%arg13 : memref<400x16xf32, #tpu.memory_space<vmem>>) target(%dma_start3A_145 : memref<50048x16xf32, #tpu.memory_space<vmem_shared>>) offsets(%arg11 : memref<400xi32, #tpu.memory_space<vmem>>) semaphore(%arg23 : memref<!tpu.dma_semaphore, #tpu.memory_space<semaphore_mem>>) {add = true}
    %mul3A_146 = arith.constant 16 : i32
    %mul3A_147 = arith.muli %arg0, %mul3A_146 : i32
    %add3A_148 = arith.addi %mul3A_147, %arg1 : i32
    %mul3A_149 = arith.constant 50000 : i32
    %mul3A_150 = arith.muli %add3A_148, %mul3A_149 : i32
    %min3A_151 = arith.constant 126 : i32
    %min3A_152 = arith.constant 124 : i32
    %min3A_153 = arith.minsi %min3A_151, %min3A_152 : i32
    %mul3A_154 = arith.constant 400 : i32
    %mul3A_155 = arith.muli %min3A_153, %mul3A_154 : i32
    %add3A_156 = arith.addi %mul3A_150, %mul3A_155 : i32
    %dma_start3A_157 = tpu.memref_slice %arg3[%add3A_156] : memref<1600000xi32, #tpu.memory_space<hbm>> -> memref<400xi32, #tpu.memory_space<hbm>>
    %dma_start3A_158 = tpu.memref_slice %arg3[%add3A_156] : memref<1600000xi32, #tpu.memory_space<hbm>> -> memref<400xi32, #tpu.memory_space<hbm>>
    tpu.enqueue_dma source(%dma_start3A_158 : memref<400xi32, #tpu.memory_space<hbm>>) target(%arg7 : memref<400xi32, #tpu.memory_space<vmem>>) target_semaphore(%arg17 : memref<!tpu.dma_semaphore, #tpu.memory_space<semaphore_mem>>)
    %dma_start3A_159 = tpu.memref_slice %arg4[%add3A_156] : memref<1600000xi32, #tpu.memory_space<hbm>> -> memref<400xi32, #tpu.memory_space<hbm>>
    %dma_start3A_160 = tpu.memref_slice %arg4[%add3A_156] : memref<1600000xi32, #tpu.memory_space<hbm>> -> memref<400xi32, #tpu.memory_space<hbm>>
    tpu.enqueue_dma source(%dma_start3A_160 : memref<400xi32, #tpu.memory_space<hbm>>) target(%arg9 : memref<400xi32, #tpu.memory_space<vmem>>) target_semaphore(%arg19 : memref<!tpu.dma_semaphore, #tpu.memory_space<semaphore_mem>>)
    %dma_wait3A_161 = arith.constant 0 : i32
    %dma_wait3A_162 = arith.constant 0 : i32
    %dma_wait3A_163 = tpu.memref_slice %arg16[%dma_wait3A_161, %dma_wait3A_162] : memref<50048x16xf32, #tpu.memory_space<vmem_shared>> -> memref<50048x16xf32, #tpu.memory_space<vmem_shared>>
    tpu.wait_indirect_dma semaphore(%arg23 : memref<!tpu.dma_semaphore, #tpu.memory_space<semaphore_mem>>) src(%arg13 : memref<400x16xf32, #tpu.memory_space<vmem>>) dst(%dma_wait3A_163 : memref<50048x16xf32, #tpu.memory_space<vmem_shared>>)
    %dma_wait3A_164 = arith.constant 0 : i32
    %dma_wait3A_165 = tpu.memref_slice %arg3[%dma_wait3A_164] : memref<1600000xi32, #tpu.memory_space<hbm>> -> memref<400xi32, #tpu.memory_space<hbm>>
    %dma_wait3A_166 = arith.constant 0 : i32
    %dma_wait3A_167 = tpu.memref_slice %arg3[%dma_wait3A_166] : memref<1600000xi32, #tpu.memory_space<hbm>> -> memref<400xi32, #tpu.memory_space<hbm>>
    tpu.wait_dma2 semaphore(%arg17 : memref<!tpu.dma_semaphore, #tpu.memory_space<semaphore_mem>>) src(%dma_wait3A_167 : memref<400xi32, #tpu.memory_space<hbm>>) dst(%arg7 : memref<400xi32, #tpu.memory_space<vmem>>)
    %dma_wait3A_168 = arith.constant 0 : i32
    %dma_wait3A_169 = tpu.memref_slice %arg4[%dma_wait3A_168] : memref<1600000xi32, #tpu.memory_space<hbm>> -> memref<400xi32, #tpu.memory_space<hbm>>
    %dma_wait3A_170 = arith.constant 0 : i32
    %dma_wait3A_171 = tpu.memref_slice %arg4[%dma_wait3A_170] : memref<1600000xi32, #tpu.memory_space<hbm>> -> memref<400xi32, #tpu.memory_space<hbm>>
    tpu.wait_dma2 semaphore(%arg19 : memref<!tpu.dma_semaphore, #tpu.memory_space<semaphore_mem>>) src(%dma_wait3A_171 : memref<400xi32, #tpu.memory_space<hbm>>) dst(%arg9 : memref<400xi32, #tpu.memory_space<vmem>>)
    %dma_wait3A_172 = arith.constant 0 : i32
    %dma_wait3A_173 = arith.constant 0 : i32
    %dma_wait3A_174 = tpu.memref_slice %arg16[%dma_wait3A_172, %dma_wait3A_173] : memref<50048x16xf32, #tpu.memory_space<vmem_shared>> -> memref<50048x16xf32, #tpu.memory_space<vmem_shared>>
    tpu.wait_indirect_dma semaphore(%arg24 : memref<!tpu.dma_semaphore, #tpu.memory_space<semaphore_mem>>) src(%arg14 : memref<400x16xf32, #tpu.memory_space<vmem>>) dst(%dma_wait3A_174 : memref<50048x16xf32, #tpu.memory_space<vmem_shared>>)
    %dma_wait3A_175 = arith.constant 0 : i32
    %dma_wait3A_176 = tpu.memref_slice %arg3[%dma_wait3A_175] : memref<1600000xi32, #tpu.memory_space<hbm>> -> memref<400xi32, #tpu.memory_space<hbm>>
    %dma_wait3A_177 = arith.constant 0 : i32
    %dma_wait3A_178 = tpu.memref_slice %arg3[%dma_wait3A_177] : memref<1600000xi32, #tpu.memory_space<hbm>> -> memref<400xi32, #tpu.memory_space<hbm>>
    tpu.wait_dma2 semaphore(%arg18 : memref<!tpu.dma_semaphore, #tpu.memory_space<semaphore_mem>>) src(%dma_wait3A_178 : memref<400xi32, #tpu.memory_space<hbm>>) dst(%arg8 : memref<400xi32, #tpu.memory_space<vmem>>)
    %dma_wait3A_179 = arith.constant 0 : i32
    %dma_wait3A_180 = tpu.memref_slice %arg4[%dma_wait3A_179] : memref<1600000xi32, #tpu.memory_space<hbm>> -> memref<400xi32, #tpu.memory_space<hbm>>
    %dma_wait3A_181 = arith.constant 0 : i32
    %dma_wait3A_182 = tpu.memref_slice %arg4[%dma_wait3A_181] : memref<1600000xi32, #tpu.memory_space<hbm>> -> memref<400xi32, #tpu.memory_space<hbm>>
    tpu.wait_dma2 semaphore(%arg20 : memref<!tpu.dma_semaphore, #tpu.memory_space<semaphore_mem>>) src(%dma_wait3A_182 : memref<400xi32, #tpu.memory_space<hbm>>) dst(%arg10 : memref<400xi32, #tpu.memory_space<vmem>>)
    %barrier3A_183 = arith.constant 0 : index
    tpu.barrier barrier_id(%barrier3A_183)
    %add3A_184 = arith.constant 0 : i32
    %add3A_185 = arith.addi %mul3A_0, %add3A_184 : i32
    "tpu.region"() ({
      %run_scoped3A = tpu.sem_alloc : memref<!tpu.dma_semaphore, #tpu.memory_space<semaphore_mem>>
      %dma_start3A_200 = arith.constant 0 : i32
      %dma_start3A_201 = tpu.memref_slice %arg16[%add3A_185, %dma_start3A_200] : memref<50048x16xf32, #tpu.memory_space<vmem_shared>> -> memref<782x16xf32, #tpu.memory_space<vmem_shared>>
      %dma_start3A_202 = arith.constant 0 : i32
      %dma_start3A_203 = tpu.memref_slice %arg16[%add3A_185, %dma_start3A_202] : memref<50048x16xf32, #tpu.memory_space<vmem_shared>> -> memref<782x16xf32, #tpu.memory_space<vmem_shared>>
      tpu.enqueue_dma source(%dma_start3A_203 : memref<782x16xf32, #tpu.memory_space<vmem_shared>>) target(%arg15 : memref<782x16xf32, #tpu.memory_space<vmem>>) target_semaphore(%run_scoped3A : memref<!tpu.dma_semaphore, #tpu.memory_space<semaphore_mem>>)
      %dma_wait3A_204 = arith.constant 0 : i32
      %dma_wait3A_205 = tpu.memref_slice %arg16[%add3A_185, %dma_wait3A_204] : memref<50048x16xf32, #tpu.memory_space<vmem_shared>> -> memref<782x16xf32, #tpu.memory_space<vmem_shared>>
      %dma_wait3A_206 = arith.constant 0 : i32
      %dma_wait3A_207 = tpu.memref_slice %arg16[%add3A_185, %dma_wait3A_206] : memref<50048x16xf32, #tpu.memory_space<vmem_shared>> -> memref<782x16xf32, #tpu.memory_space<vmem_shared>>
      tpu.wait_dma2 semaphore(%run_scoped3A : memref<!tpu.dma_semaphore, #tpu.memory_space<semaphore_mem>>) src(%dma_wait3A_207 : memref<782x16xf32, #tpu.memory_space<vmem_shared>>) dst(%arg15 : memref<782x16xf32, #tpu.memory_space<vmem>>)
      tpu.yield
    }) : () -> ()
    %add3A_186 = arith.constant 0 : i32
    %add3A_187 = arith.addi %mul3A_0, %add3A_186 : i32
    "tpu.region"() ({
      %run_scoped3A = tpu.sem_alloc : memref<!tpu.dma_semaphore, #tpu.memory_space<semaphore_mem>>
      %dma_start3A_200 = arith.constant 0 : i32
      %dma_start3A_201 = tpu.memref_slice %arg6[%arg0, %add3A_187, %dma_start3A_200] : memref<2x50048x16xf32, #tpu.memory_space<hbm>> -> memref<1x782x16xf32, #tpu.memory_space<hbm>>
      %dma_start3A_202 = tpu.memref_squeeze %dma_start3A_201 : memref<1x782x16xf32, #tpu.memory_space<hbm>> -> memref<782x16xf32, #tpu.memory_space<hbm>>
      %dma_start3A_203 = arith.constant 0 : i32
      %dma_start3A_204 = tpu.memref_slice %arg6[%arg0, %add3A_187, %dma_start3A_203] : memref<2x50048x16xf32, #tpu.memory_space<hbm>> -> memref<1x782x16xf32, #tpu.memory_space<hbm>>
      %dma_start3A_205 = tpu.memref_squeeze %dma_start3A_204 : memref<1x782x16xf32, #tpu.memory_space<hbm>> -> memref<782x16xf32, #tpu.memory_space<hbm>>
      tpu.enqueue_dma source(%arg15 : memref<782x16xf32, #tpu.memory_space<vmem>>) target(%dma_start3A_205 : memref<782x16xf32, #tpu.memory_space<hbm>>) target_semaphore(%run_scoped3A : memref<!tpu.dma_semaphore, #tpu.memory_space<semaphore_mem>>)
      %dma_wait3A_206 = arith.constant 0 : i32
      %dma_wait3A_207 = tpu.memref_slice %arg6[%arg0, %add3A_187, %dma_wait3A_206] : memref<2x50048x16xf32, #tpu.memory_space<hbm>> -> memref<1x782x16xf32, #tpu.memory_space<hbm>>
      %dma_wait3A_208 = tpu.memref_squeeze %dma_wait3A_207 : memref<1x782x16xf32, #tpu.memory_space<hbm>> -> memref<782x16xf32, #tpu.memory_space<hbm>>
      %dma_wait3A_209 = arith.constant 0 : i32
      %dma_wait3A_210 = tpu.memref_slice %arg6[%arg0, %add3A_187, %dma_wait3A_209] : memref<2x50048x16xf32, #tpu.memory_space<hbm>> -> memref<1x782x16xf32, #tpu.memory_space<hbm>>
      %dma_wait3A_211 = tpu.memref_squeeze %dma_wait3A_210 : memref<1x782x16xf32, #tpu.memory_space<hbm>> -> memref<782x16xf32, #tpu.memory_space<hbm>>
      tpu.wait_dma2 semaphore(%run_scoped3A : memref<!tpu.dma_semaphore, #tpu.memory_space<semaphore_mem>>) src(%arg15 : memref<782x16xf32, #tpu.memory_space<vmem>>) dst(%dma_wait3A_211 : memref<782x16xf32, #tpu.memory_space<hbm>>)
      tpu.yield
    }) : () -> ()
    %add3A_188 = arith.constant 782 : i32
    %add3A_189 = arith.addi %mul3A_0, %add3A_188 : i32
    "tpu.region"() ({
      %run_scoped3A = tpu.sem_alloc : memref<!tpu.dma_semaphore, #tpu.memory_space<semaphore_mem>>
      %dma_start3A_200 = arith.constant 0 : i32
      %dma_start3A_201 = tpu.memref_slice %arg16[%add3A_189, %dma_start3A_200] : memref<50048x16xf32, #tpu.memory_space<vmem_shared>> -> memref<782x16xf32, #tpu.memory_space<vmem_shared>>
      %dma_start3A_202 = arith.constant 0 : i32
      %dma_start3A_203 = tpu.memref_slice %arg16[%add3A_189, %dma_start3A_202] : memref<50048x16xf32, #tpu.memory_space<vmem_shared>> -> memref<782x16xf32, #tpu.memory_space<vmem_shared>>
      tpu.enqueue_dma source(%dma_start3A_203 : memref<782x16xf32, #tpu.memory_space<vmem_shared>>) target(%arg15 : memref<782x16xf32, #tpu.memory_space<vmem>>) target_semaphore(%run_scoped3A : memref<!tpu.dma_semaphore, #tpu.memory_space<semaphore_mem>>)
      %dma_wait3A_204 = arith.constant 0 : i32
      %dma_wait3A_205 = tpu.memref_slice %arg16[%add3A_189, %dma_wait3A_204] : memref<50048x16xf32, #tpu.memory_space<vmem_shared>> -> memref<782x16xf32, #tpu.memory_space<vmem_shared>>
      %dma_wait3A_206 = arith.constant 0 : i32
      %dma_wait3A_207 = tpu.memref_slice %arg16[%add3A_189, %dma_wait3A_206] : memref<50048x16xf32, #tpu.memory_space<vmem_shared>> -> memref<782x16xf32, #tpu.memory_space<vmem_shared>>
      tpu.wait_dma2 semaphore(%run_scoped3A : memref<!tpu.dma_semaphore, #tpu.memory_space<semaphore_mem>>) src(%dma_wait3A_207 : memref<782x16xf32, #tpu.memory_space<vmem_shared>>) dst(%arg15 : memref<782x16xf32, #tpu.memory_space<vmem>>)
      tpu.yield
    }) : () -> ()
    %add3A_190 = arith.constant 782 : i32
    %add3A_191 = arith.addi %mul3A_0, %add3A_190 : i32
    "tpu.region"() ({
      %run_scoped3A = tpu.sem_alloc : memref<!tpu.dma_semaphore, #tpu.memory_space<semaphore_mem>>
      %dma_start3A_200 = arith.constant 0 : i32
      %dma_start3A_201 = tpu.memref_slice %arg6[%arg0, %add3A_191, %dma_start3A_200] : memref<2x50048x16xf32, #tpu.memory_space<hbm>> -> memref<1x782x16xf32, #tpu.memory_space<hbm>>
      %dma_start3A_202 = tpu.memref_squeeze %dma_start3A_201 : memref<1x782x16xf32, #tpu.memory_space<hbm>> -> memref<782x16xf32, #tpu.memory_space<hbm>>
      %dma_start3A_203 = arith.constant 0 : i32
      %dma_start3A_204 = tpu.memref_slice %arg6[%arg0, %add3A_191, %dma_start3A_203] : memref<2x50048x16xf32, #tpu.memory_space<hbm>> -> memref<1x782x16xf32, #tpu.memory_space<hbm>>
      %dma_start3A_205 = tpu.memref_squeeze %dma_start3A_204 : memref<1x782x16xf32, #tpu.memory_space<hbm>> -> memref<782x16xf32, #tpu.memory_space<hbm>>
      tpu.enqueue_dma source(%arg15 : memref<782x16xf32, #tpu.memory_space<vmem>>) target(%dma_start3A_205 : memref<782x16xf32, #tpu.memory_space<hbm>>) target_semaphore(%run_scoped3A : memref<!tpu.dma_semaphore, #tpu.memory_space<semaphore_mem>>)
      %dma_wait3A_206 = arith.constant 0 : i32
      %dma_wait3A_207 = tpu.memref_slice %arg6[%arg0, %add3A_191, %dma_wait3A_206] : memref<2x50048x16xf32, #tpu.memory_space<hbm>> -> memref<1x782x16xf32, #tpu.memory_space<hbm>>
      %dma_wait3A_208 = tpu.memref_squeeze %dma_wait3A_207 : memref<1x782x16xf32, #tpu.memory_space<hbm>> -> memref<782x16xf32, #tpu.memory_space<hbm>>
      %dma_wait3A_209 = arith.constant 0 : i32
      %dma_wait3A_210 = tpu.memref_slice %arg6[%arg0, %add3A_191, %dma_wait3A_209] : memref<2x50048x16xf32, #tpu.memory_space<hbm>> -> memref<1x782x16xf32, #tpu.memory_space<hbm>>
      %dma_wait3A_211 = tpu.memref_squeeze %dma_wait3A_210 : memref<1x782x16xf32, #tpu.memory_space<hbm>> -> memref<782x16xf32, #tpu.memory_space<hbm>>
      tpu.wait_dma2 semaphore(%run_scoped3A : memref<!tpu.dma_semaphore, #tpu.memory_space<semaphore_mem>>) src(%arg15 : memref<782x16xf32, #tpu.memory_space<vmem>>) dst(%dma_wait3A_211 : memref<782x16xf32, #tpu.memory_space<hbm>>)
      tpu.yield
    }) : () -> ()
    %add3A_192 = arith.constant 1564 : i32
    %add3A_193 = arith.addi %mul3A_0, %add3A_192 : i32
    "tpu.region"() ({
      %run_scoped3A = tpu.sem_alloc : memref<!tpu.dma_semaphore, #tpu.memory_space<semaphore_mem>>
      %dma_start3A_200 = arith.constant 0 : i32
      %dma_start3A_201 = tpu.memref_slice %arg16[%add3A_193, %dma_start3A_200] : memref<50048x16xf32, #tpu.memory_space<vmem_shared>> -> memref<782x16xf32, #tpu.memory_space<vmem_shared>>
      %dma_start3A_202 = arith.constant 0 : i32
      %dma_start3A_203 = tpu.memref_slice %arg16[%add3A_193, %dma_start3A_202] : memref<50048x16xf32, #tpu.memory_space<vmem_shared>> -> memref<782x16xf32, #tpu.memory_space<vmem_shared>>
      tpu.enqueue_dma source(%dma_start3A_203 : memref<782x16xf32, #tpu.memory_space<vmem_shared>>) target(%arg15 : memref<782x16xf32, #tpu.memory_space<vmem>>) target_semaphore(%run_scoped3A : memref<!tpu.dma_semaphore, #tpu.memory_space<semaphore_mem>>)
      %dma_wait3A_204 = arith.constant 0 : i32
      %dma_wait3A_205 = tpu.memref_slice %arg16[%add3A_193, %dma_wait3A_204] : memref<50048x16xf32, #tpu.memory_space<vmem_shared>> -> memref<782x16xf32, #tpu.memory_space<vmem_shared>>
      %dma_wait3A_206 = arith.constant 0 : i32
      %dma_wait3A_207 = tpu.memref_slice %arg16[%add3A_193, %dma_wait3A_206] : memref<50048x16xf32, #tpu.memory_space<vmem_shared>> -> memref<782x16xf32, #tpu.memory_space<vmem_shared>>
      tpu.wait_dma2 semaphore(%run_scoped3A : memref<!tpu.dma_semaphore, #tpu.memory_space<semaphore_mem>>) src(%dma_wait3A_207 : memref<782x16xf32, #tpu.memory_space<vmem_shared>>) dst(%arg15 : memref<782x16xf32, #tpu.memory_space<vmem>>)
      tpu.yield
    }) : () -> ()
    %add3A_194 = arith.constant 1564 : i32
    %add3A_195 = arith.addi %mul3A_0, %add3A_194 : i32
    "tpu.region"() ({
      %run_scoped3A = tpu.sem_alloc : memref<!tpu.dma_semaphore, #tpu.memory_space<semaphore_mem>>
      %dma_start3A_200 = arith.constant 0 : i32
      %dma_start3A_201 = tpu.memref_slice %arg6[%arg0, %add3A_195, %dma_start3A_200] : memref<2x50048x16xf32, #tpu.memory_space<hbm>> -> memref<1x782x16xf32, #tpu.memory_space<hbm>>
      %dma_start3A_202 = tpu.memref_squeeze %dma_start3A_201 : memref<1x782x16xf32, #tpu.memory_space<hbm>> -> memref<782x16xf32, #tpu.memory_space<hbm>>
      %dma_start3A_203 = arith.constant 0 : i32
      %dma_start3A_204 = tpu.memref_slice %arg6[%arg0, %add3A_195, %dma_start3A_203] : memref<2x50048x16xf32, #tpu.memory_space<hbm>> -> memref<1x782x16xf32, #tpu.memory_space<hbm>>
      %dma_start3A_205 = tpu.memref_squeeze %dma_start3A_204 : memref<1x782x16xf32, #tpu.memory_space<hbm>> -> memref<782x16xf32, #tpu.memory_space<hbm>>
      tpu.enqueue_dma source(%arg15 : memref<782x16xf32, #tpu.memory_space<vmem>>) target(%dma_start3A_205 : memref<782x16xf32, #tpu.memory_space<hbm>>) target_semaphore(%run_scoped3A : memref<!tpu.dma_semaphore, #tpu.memory_space<semaphore_mem>>)
      %dma_wait3A_206 = arith.constant 0 : i32
      %dma_wait3A_207 = tpu.memref_slice %arg6[%arg0, %add3A_195, %dma_wait3A_206] : memref<2x50048x16xf32, #tpu.memory_space<hbm>> -> memref<1x782x16xf32, #tpu.memory_space<hbm>>
      %dma_wait3A_208 = tpu.memref_squeeze %dma_wait3A_207 : memref<1x782x16xf32, #tpu.memory_space<hbm>> -> memref<782x16xf32, #tpu.memory_space<hbm>>
      %dma_wait3A_209 = arith.constant 0 : i32
      %dma_wait3A_210 = tpu.memref_slice %arg6[%arg0, %add3A_195, %dma_wait3A_209] : memref<2x50048x16xf32, #tpu.memory_space<hbm>> -> memref<1x782x16xf32, #tpu.memory_space<hbm>>
      %dma_wait3A_211 = tpu.memref_squeeze %dma_wait3A_210 : memref<1x782x16xf32, #tpu.memory_space<hbm>> -> memref<782x16xf32, #tpu.memory_space<hbm>>
      tpu.wait_dma2 semaphore(%run_scoped3A : memref<!tpu.dma_semaphore, #tpu.memory_space<semaphore_mem>>) src(%arg15 : memref<782x16xf32, #tpu.memory_space<vmem>>) dst(%dma_wait3A_211 : memref<782x16xf32, #tpu.memory_space<hbm>>)
      tpu.yield
    }) : () -> ()
    %add3A_196 = arith.constant 2346 : i32
    %add3A_197 = arith.addi %mul3A_0, %add3A_196 : i32
    "tpu.region"() ({
      %run_scoped3A = tpu.sem_alloc : memref<!tpu.dma_semaphore, #tpu.memory_space<semaphore_mem>>
      %dma_start3A_200 = arith.constant 0 : i32
      %dma_start3A_201 = tpu.memref_slice %arg16[%add3A_197, %dma_start3A_200] : memref<50048x16xf32, #tpu.memory_space<vmem_shared>> -> memref<782x16xf32, #tpu.memory_space<vmem_shared>>
      %dma_start3A_202 = arith.constant 0 : i32
      %dma_start3A_203 = tpu.memref_slice %arg16[%add3A_197, %dma_start3A_202] : memref<50048x16xf32, #tpu.memory_space<vmem_shared>> -> memref<782x16xf32, #tpu.memory_space<vmem_shared>>
      tpu.enqueue_dma source(%dma_start3A_203 : memref<782x16xf32, #tpu.memory_space<vmem_shared>>) target(%arg15 : memref<782x16xf32, #tpu.memory_space<vmem>>) target_semaphore(%run_scoped3A : memref<!tpu.dma_semaphore, #tpu.memory_space<semaphore_mem>>)
      %dma_wait3A_204 = arith.constant 0 : i32
      %dma_wait3A_205 = tpu.memref_slice %arg16[%add3A_197, %dma_wait3A_204] : memref<50048x16xf32, #tpu.memory_space<vmem_shared>> -> memref<782x16xf32, #tpu.memory_space<vmem_shared>>
      %dma_wait3A_206 = arith.constant 0 : i32
      %dma_wait3A_207 = tpu.memref_slice %arg16[%add3A_197, %dma_wait3A_206] : memref<50048x16xf32, #tpu.memory_space<vmem_shared>> -> memref<782x16xf32, #tpu.memory_space<vmem_shared>>
      tpu.wait_dma2 semaphore(%run_scoped3A : memref<!tpu.dma_semaphore, #tpu.memory_space<semaphore_mem>>) src(%dma_wait3A_207 : memref<782x16xf32, #tpu.memory_space<vmem_shared>>) dst(%arg15 : memref<782x16xf32, #tpu.memory_space<vmem>>)
      tpu.yield
    }) : () -> ()
    %add3A_198 = arith.constant 2346 : i32
    %add3A_199 = arith.addi %mul3A_0, %add3A_198 : i32
    "tpu.region"() ({
      %run_scoped3A = tpu.sem_alloc : memref<!tpu.dma_semaphore, #tpu.memory_space<semaphore_mem>>
      %dma_start3A_200 = arith.constant 0 : i32
      %dma_start3A_201 = tpu.memref_slice %arg6[%arg0, %add3A_199, %dma_start3A_200] : memref<2x50048x16xf32, #tpu.memory_space<hbm>> -> memref<1x782x16xf32, #tpu.memory_space<hbm>>
      %dma_start3A_202 = tpu.memref_squeeze %dma_start3A_201 : memref<1x782x16xf32, #tpu.memory_space<hbm>> -> memref<782x16xf32, #tpu.memory_space<hbm>>
      %dma_start3A_203 = arith.constant 0 : i32
      %dma_start3A_204 = tpu.memref_slice %arg6[%arg0, %add3A_199, %dma_start3A_203] : memref<2x50048x16xf32, #tpu.memory_space<hbm>> -> memref<1x782x16xf32, #tpu.memory_space<hbm>>
      %dma_start3A_205 = tpu.memref_squeeze %dma_start3A_204 : memref<1x782x16xf32, #tpu.memory_space<hbm>> -> memref<782x16xf32, #tpu.memory_space<hbm>>
      tpu.enqueue_dma source(%arg15 : memref<782x16xf32, #tpu.memory_space<vmem>>) target(%dma_start3A_205 : memref<782x16xf32, #tpu.memory_space<hbm>>) target_semaphore(%run_scoped3A : memref<!tpu.dma_semaphore, #tpu.memory_space<semaphore_mem>>)
      %dma_wait3A_206 = arith.constant 0 : i32
      %dma_wait3A_207 = tpu.memref_slice %arg6[%arg0, %add3A_199, %dma_wait3A_206] : memref<2x50048x16xf32, #tpu.memory_space<hbm>> -> memref<1x782x16xf32, #tpu.memory_space<hbm>>
      %dma_wait3A_208 = tpu.memref_squeeze %dma_wait3A_207 : memref<1x782x16xf32, #tpu.memory_space<hbm>> -> memref<782x16xf32, #tpu.memory_space<hbm>>
      %dma_wait3A_209 = arith.constant 0 : i32
      %dma_wait3A_210 = tpu.memref_slice %arg6[%arg0, %add3A_199, %dma_wait3A_209] : memref<2x50048x16xf32, #tpu.memory_space<hbm>> -> memref<1x782x16xf32, #tpu.memory_space<hbm>>
      %dma_wait3A_211 = tpu.memref_squeeze %dma_wait3A_210 : memref<1x782x16xf32, #tpu.memory_space<hbm>> -> memref<782x16xf32, #tpu.memory_space<hbm>>
      tpu.wait_dma2 semaphore(%run_scoped3A : memref<!tpu.dma_semaphore, #tpu.memory_space<semaphore_mem>>) src(%arg15 : memref<782x16xf32, #tpu.memory_space<vmem>>) dst(%dma_wait3A_211 : memref<782x16xf32, #tpu.memory_space<hbm>>)
      tpu.yield
    }) : () -> ()
    return
  }
}

module attributes {stable_mosaic.version = 14 : i64} {
  func.func @_phase2_body(%arg0: i32, %arg1: memref<2048x4xf32, #tpu.memory_space<vmem>>, %arg2: memref<2048x2xf32, #tpu.memory_space<vmem>>, %arg3: memref<32x2xf32, #tpu.memory_space<vmem>>, %arg4: memref<1x32xf32, #tpu.memory_space<vmem>>, %arg5: memref<32x2xf32, #tpu.memory_space<vmem>>, %arg6: memref<2x32xf32, #tpu.memory_space<vmem>>, %arg7: memref<2x32xf32, #tpu.memory_space<vmem>>, %arg8: memref<2048x2xf32, #tpu.memory_space<vmem>>, %arg9: memref<2048x2xf32, #tpu.memory_space<vmem>>, %arg10: memref<2048x1xf32, #tpu.memory_space<vmem>>) attributes {dimension_semantics = [#tpu.dimension_semantics<arbitrary>], iteration_bounds = array<i64: 49>, scalar_prefetch = 0 : i64, scratch_operands = 0 : i64, tpu.core_type = #tpu.core_type<tc>, window_params = [{transform_indices = @transform_0, window_bounds = array<i64: 2048, 4>}, {transform_indices = @transform_1, window_bounds = array<i64: 2048, 2>}, {pipeline_mode = #tpu.pipeline_mode<synchronous>, transform_indices = @transform_2, window_bounds = array<i64: 32, 2>}, {pipeline_mode = #tpu.pipeline_mode<synchronous>, transform_indices = @transform_3, window_bounds = array<i64: 1, 32>}, {pipeline_mode = #tpu.pipeline_mode<synchronous>, transform_indices = @transform_4, window_bounds = array<i64: 32, 2>}, {pipeline_mode = #tpu.pipeline_mode<synchronous>, transform_indices = @transform_5, window_bounds = array<i64: 2, 32>}, {pipeline_mode = #tpu.pipeline_mode<synchronous>, transform_indices = @transform_6, window_bounds = array<i64: 2, 32>}, {transform_indices = @transform_7, window_bounds = array<i64: 2048, 2>}, {transform_indices = @transform_8, window_bounds = array<i64: 2048, 2>}, {transform_indices = @transform_9, window_bounds = array<i64: 2048, 1>}]} {
    %get3A = arith.constant 0 : index
    %get3A_0 = arith.constant 0 : index
    %get3A_1 = vector.load %arg1[%get3A, %get3A_0] : memref<2048x4xf32, #tpu.memory_space<vmem>>, vector<2048x4xf32>
    %slice3A = vector.extract_strided_slice %get3A_1 {offsets = [0, 2], sizes = [2048, 1], strides = [1, 1]} : vector<2048x4xf32> to vector<2048x1xf32>
    %max3A = arith.constant 1.000000e+00 : f32
    %max3A_2 = vector.broadcast %max3A : f32 to vector<2048x1xf32>
    %max3A_3 = arith.maximumf %slice3A, %max3A_2 : vector<2048x1xf32>
    %div3A = arith.constant 1.000000e+00 : f32
    %div3A_4 = vector.broadcast %div3A : f32 to vector<2048x1xf32>
    %div3A_5 = arith.divf %div3A_4, %max3A_3 : vector<2048x1xf32>
    %slice3A_6 = vector.extract_strided_slice %get3A_1 {offsets = [0, 0], sizes = [2048, 2], strides = [1, 1]} : vector<2048x4xf32> to vector<2048x2xf32>
    %mul3A = vector.broadcast %div3A_5 : vector<2048x1xf32> to vector<2048x2xf32>
    %mul3A_7 = arith.mulf %slice3A_6, %mul3A : vector<2048x2xf32>
    %get3A_8 = arith.constant 0 : index
    %get3A_9 = arith.constant 0 : index
    %get3A_10 = vector.load %arg2[%get3A_8, %get3A_9] : memref<2048x2xf32, #tpu.memory_space<vmem>>, vector<2048x2xf32>
    %get3A_11 = arith.constant 0 : index
    %get3A_12 = arith.constant 0 : index
    %get3A_13 = vector.load %arg3[%get3A_11, %get3A_12] : memref<32x2xf32, #tpu.memory_space<vmem>>, vector<32x2xf32>
    %transpose3A = tpu.transpose %get3A_13, [1, 0] : vector<32x2xf32> -> vector<2x32xf32>
    %dot_general3A = arith.constant dense<0.000000e+00> : vector<2048x32xf32>
    %dot_general3A_14 = tpu.matmul %mul3A_7, %transpose3A, %dot_general3A {dimension_numbers = #tpu.dot_dimension_numbers<[1], [0], [0], [1], [0, 0, 1, 1], [], []>, transpose_lhs_hint = false} : vector<2048x2xf32>, vector<2x32xf32>, vector<2048x32xf32> -> vector<2048x32xf32>
    %get3A_15 = arith.constant 0 : index
    %get3A_16 = arith.constant 0 : index
    %get3A_17 = vector.load %arg5[%get3A_15, %get3A_16] : memref<32x2xf32, #tpu.memory_space<vmem>>, vector<32x2xf32>
    %transpose3A_18 = tpu.transpose %get3A_17, [1, 0] : vector<32x2xf32> -> vector<2x32xf32>
    %dot_general3A_19 = arith.constant dense<0.000000e+00> : vector<2048x32xf32>
    %dot_general3A_20 = tpu.matmul %get3A_10, %transpose3A_18, %dot_general3A_19 {dimension_numbers = #tpu.dot_dimension_numbers<[1], [0], [0], [1], [0, 0, 1, 1], [], []>, transpose_lhs_hint = false} : vector<2048x2xf32>, vector<2x32xf32>, vector<2048x32xf32> -> vector<2048x32xf32>
    %add3A = arith.addf %dot_general3A_14, %dot_general3A_20 : vector<2048x32xf32>
    %get3A_21 = arith.constant 0 : index
    %get3A_22 = arith.constant 0 : index
    %get3A_23 = vector.load %arg4[%get3A_21, %get3A_22] : memref<1x32xf32, #tpu.memory_space<vmem>>, vector<1x32xf32>
    %add3A_24 = vector.broadcast %get3A_23 : vector<1x32xf32> to vector<2048x32xf32>
    %add3A_25 = arith.addf %add3A, %add3A_24 : vector<2048x32xf32>
    %max3A_26 = arith.constant 0.000000e+00 : f32
    %max3A_27 = vector.broadcast %max3A_26 : f32 to vector<2048x32xf32>
    %max3A_28 = arith.maximumf %add3A_25, %max3A_27 : vector<2048x32xf32>
    %get3A_29 = arith.constant 0 : index
    %get3A_30 = arith.constant 0 : index
    %get3A_31 = vector.load %arg6[%get3A_29, %get3A_30] : memref<2x32xf32, #tpu.memory_space<vmem>>, vector<2x32xf32>
    %transpose3A_32 = tpu.transpose %get3A_31, [1, 0] : vector<2x32xf32> -> vector<32x2xf32>
    %dot_general3A_33 = arith.constant dense<0.000000e+00> : vector<2048x2xf32>
    %dot_general3A_34 = tpu.matmul %max3A_28, %transpose3A_32, %dot_general3A_33 {dimension_numbers = #tpu.dot_dimension_numbers<[1], [0], [0], [1], [0, 0, 1, 1], [], []>, transpose_lhs_hint = false} : vector<2048x32xf32>, vector<32x2xf32>, vector<2048x2xf32> -> vector<2048x2xf32>
    %swap3A = arith.constant 0 : index
    %swap3A_35 = arith.constant 0 : index
    %swap3A_36 = vector.load %arg8[%swap3A, %swap3A_35] : memref<2048x2xf32, #tpu.memory_space<vmem>>, vector<2048x2xf32>
    tpu.vector_store %arg8[%swap3A, %swap3A_35], %dot_general3A_34 {strides = array<i32>} : memref<2048x2xf32, #tpu.memory_space<vmem>>, vector<2048x2xf32>,
    %get3A_37 = arith.constant 0 : index
    %get3A_38 = arith.constant 0 : index
    %get3A_39 = vector.load %arg7[%get3A_37, %get3A_38] : memref<2x32xf32, #tpu.memory_space<vmem>>, vector<2x32xf32>
    %transpose3A_40 = tpu.transpose %get3A_39, [1, 0] : vector<2x32xf32> -> vector<32x2xf32>
    %dot_general3A_41 = arith.constant dense<0.000000e+00> : vector<2048x2xf32>
    %dot_general3A_42 = tpu.matmul %max3A_28, %transpose3A_40, %dot_general3A_41 {dimension_numbers = #tpu.dot_dimension_numbers<[1], [0], [0], [1], [0, 0, 1, 1], [], []>, transpose_lhs_hint = false} : vector<2048x32xf32>, vector<32x2xf32>, vector<2048x2xf32> -> vector<2048x2xf32>
    %swap3A_43 = arith.constant 0 : index
    %swap3A_44 = arith.constant 0 : index
    %swap3A_45 = vector.load %arg9[%swap3A_43, %swap3A_44] : memref<2048x2xf32, #tpu.memory_space<vmem>>, vector<2048x2xf32>
    tpu.vector_store %arg9[%swap3A_43, %swap3A_44], %dot_general3A_42 {strides = array<i32>} : memref<2048x2xf32, #tpu.memory_space<vmem>>, vector<2048x2xf32>,
    %swap3A_46 = arith.constant 0 : index
    %swap3A_47 = arith.constant 0 : index
    %swap3A_48 = vector.load %arg10[%swap3A_46, %swap3A_47] : memref<2048x1xf32, #tpu.memory_space<vmem>>, vector<2048x1xf32>
    tpu.vector_store %arg10[%swap3A_46, %swap3A_47], %div3A_5 {strides = array<i32>} : memref<2048x1xf32, #tpu.memory_space<vmem>>, vector<2048x1xf32>,
    return
  }
  func.func @transform_0(%arg0: i32) -> (i32, i32) {
    %c0_i32 = arith.constant 0 : i32
    %c0_i32_0 = arith.constant 0 : i32
    return %arg0, %c0_i32 : i32, i32
  }
  func.func @transform_1(%arg0: i32) -> (i32, i32) {
    %c0_i32 = arith.constant 0 : i32
    %c0_i32_0 = arith.constant 0 : i32
    return %arg0, %c0_i32 : i32, i32
  }
  func.func @transform_2(%arg0: i32) -> (i32, i32) {
    %c0_i32 = arith.constant 0 : i32
    %c0_i32_0 = arith.constant 0 : i32
    %c0_i32_1 = arith.constant 0 : i32
    return %c0_i32, %c0_i32_0 : i32, i32
  }
  func.func @transform_3(%arg0: i32) -> (i32, i32) {
    %c0_i32 = arith.constant 0 : i32
    %c0_i32_0 = arith.constant 0 : i32
    %c0_i32_1 = arith.constant 0 : i32
    return %c0_i32, %c0_i32_0 : i32, i32
  }
  func.func @transform_4(%arg0: i32) -> (i32, i32) {
    %c0_i32 = arith.constant 0 : i32
    %c0_i32_0 = arith.constant 0 : i32
    %c0_i32_1 = arith.constant 0 : i32
    return %c0_i32, %c0_i32_0 : i32, i32
  }
  func.func @transform_5(%arg0: i32) -> (i32, i32) {
    %c0_i32 = arith.constant 0 : i32
    %c0_i32_0 = arith.constant 0 : i32
    %c0_i32_1 = arith.constant 0 : i32
    return %c0_i32, %c0_i32_0 : i32, i32
  }
  func.func @transform_6(%arg0: i32) -> (i32, i32) {
    %c0_i32 = arith.constant 0 : i32
    %c0_i32_0 = arith.constant 0 : i32
    %c0_i32_1 = arith.constant 0 : i32
    return %c0_i32, %c0_i32_0 : i32, i32
  }
  func.func @transform_7(%arg0: i32) -> (i32, i32) {
    %c0_i32 = arith.constant 0 : i32
    %c0_i32_0 = arith.constant 0 : i32
    return %arg0, %c0_i32 : i32, i32
  }
  func.func @transform_8(%arg0: i32) -> (i32, i32) {
    %c0_i32 = arith.constant 0 : i32
    %c0_i32_0 = arith.constant 0 : i32
    return %arg0, %c0_i32 : i32, i32
  }
  func.func @transform_9(%arg0: i32) -> (i32, i32) {
    %c0_i32 = arith.constant 0 : i32
    %c0_i32_0 = arith.constant 0 : i32
    return %arg0, %c0_i32 : i32, i32
  }
}

module attributes {stable_mosaic.version = 14 : i64} {
  func.func @_phase4_body(%arg0: i32, %arg1: memref<2048x4xf32, #tpu.memory_space<vmem>>, %arg2: memref<2048x1xf32, #tpu.memory_space<vmem>>, %arg3: memref<2048x2xf32, #tpu.memory_space<vmem>>, %arg4: memref<1x2xf32, #tpu.memory_space<vmem>>, %arg5: memref<2048x2xf32, #tpu.memory_space<vmem>>) attributes {dimension_semantics = [#tpu.dimension_semantics<arbitrary>], iteration_bounds = array<i64: 49>, scalar_prefetch = 0 : i64, scratch_operands = 0 : i64, tpu.core_type = #tpu.core_type<tc>, window_params = [{transform_indices = @transform_0, window_bounds = array<i64: 2048, 4>}, {transform_indices = @transform_1, window_bounds = array<i64: 2048, 1>}, {transform_indices = @transform_2, window_bounds = array<i64: 2048, 2>}, {pipeline_mode = #tpu.pipeline_mode<synchronous>, transform_indices = @transform_3, window_bounds = array<i64: 1, 2>}, {transform_indices = @transform_4, window_bounds = array<i64: 2048, 2>}]} {
    %get3A = arith.constant 0 : index
    %get3A_0 = arith.constant 0 : index
    %get3A_1 = vector.load %arg1[%get3A, %get3A_0] : memref<2048x4xf32, #tpu.memory_space<vmem>>, vector<2048x2xf32>
    %get3A_2 = arith.constant 0 : index
    %get3A_3 = arith.constant 0 : index
    %get3A_4 = vector.load %arg2[%get3A_2, %get3A_3] : memref<2048x1xf32, #tpu.memory_space<vmem>>, vector<2048x1xf32>
    %mul3A = vector.broadcast %get3A_4 : vector<2048x1xf32> to vector<2048x2xf32>
    %mul3A_5 = arith.mulf %get3A_1, %mul3A : vector<2048x2xf32>
    %get3A_6 = arith.constant 0 : index
    %get3A_7 = arith.constant 0 : index
    %get3A_8 = vector.load %arg3[%get3A_6, %get3A_7] : memref<2048x2xf32, #tpu.memory_space<vmem>>, vector<2048x2xf32>
    %add3A = arith.addf %mul3A_5, %get3A_8 : vector<2048x2xf32>
    %get3A_9 = arith.constant 0 : index
    %get3A_10 = arith.constant 0 : index
    %get3A_11 = vector.load %arg4[%get3A_9, %get3A_10] : memref<1x2xf32, #tpu.memory_space<vmem>>, vector<1x2xf32>
    %add3A_12 = vector.broadcast %get3A_11 : vector<1x2xf32> to vector<2048x2xf32>
    %add3A_13 = arith.addf %add3A, %add3A_12 : vector<2048x2xf32>
    %reduce_max3A = arith.constant dense<0xFF800000> : vector<2048xf32>
    %reduce_max3A_14 = vector.multi_reduction <maximumf>, %add3A_13, %reduce_max3A [1] : vector<2048x2xf32> to vector<2048xf32>
    %broadcast_in_dim3A = vector.shape_cast %reduce_max3A_14 : vector<2048xf32> to vector<2048x1xf32>
    %sub3A = vector.broadcast %broadcast_in_dim3A : vector<2048x1xf32> to vector<2048x2xf32>
    %sub3A_15 = arith.subf %add3A_13, %sub3A : vector<2048x2xf32>
    %exp3A = math.exp %sub3A_15 : vector<2048x2xf32>
    %reduce_sum3A = arith.constant dense<0.000000e+00> : vector<2048xf32>
    %reduce_sum3A_16 = vector.multi_reduction <add>, %exp3A, %reduce_sum3A [1] : vector<2048x2xf32> to vector<2048xf32>
    %broadcast_in_dim3A_17 = vector.shape_cast %reduce_sum3A_16 : vector<2048xf32> to vector<2048x1xf32>
    %log3A = math.log %broadcast_in_dim3A_17 : vector<2048x1xf32>
    %add3A_18 = arith.addf %broadcast_in_dim3A, %log3A : vector<2048x1xf32>
    %sub3A_19 = vector.broadcast %add3A_18 : vector<2048x1xf32> to vector<2048x2xf32>
    %sub3A_20 = arith.subf %add3A_13, %sub3A_19 : vector<2048x2xf32>
    %swap3A = arith.constant 0 : index
    %swap3A_21 = arith.constant 0 : index
    %swap3A_22 = vector.load %arg5[%swap3A, %swap3A_21] : memref<2048x2xf32, #tpu.memory_space<vmem>>, vector<2048x2xf32>
    tpu.vector_store %arg5[%swap3A, %swap3A_21], %sub3A_20 {strides = array<i32>} : memref<2048x2xf32, #tpu.memory_space<vmem>>, vector<2048x2xf32>,
    return
  }
  func.func @transform_0(%arg0: i32) -> (i32, i32) {
    %c0_i32 = arith.constant 0 : i32
    %c0_i32_0 = arith.constant 0 : i32
    return %arg0, %c0_i32 : i32, i32
  }
  func.func @transform_1(%arg0: i32) -> (i32, i32) {
    %c0_i32 = arith.constant 0 : i32
    %c0_i32_0 = arith.constant 0 : i32
    return %arg0, %c0_i32 : i32, i32
  }
  func.func @transform_2(%arg0: i32) -> (i32, i32) {
    %c0_i32 = arith.constant 0 : i32
    %c0_i32_0 = arith.constant 0 : i32
    return %arg0, %c0_i32 : i32, i32
  }
  func.func @transform_3(%arg0: i32) -> (i32, i32) {
    %c0_i32 = arith.constant 0 : i32
    %c0_i32_0 = arith.constant 0 : i32
    %c0_i32_1 = arith.constant 0 : i32
    return %c0_i32, %c0_i32_0 : i32, i32
  }
  func.func @transform_4(%arg0: i32) -> (i32, i32) {
    %c0_i32 = arith.constant 0 : i32
    %c0_i32_0 = arith.constant 0 : i32
    return %arg0, %c0_i32 : i32, i32
  }
}

</mosaic_0001>

<sc_bundles>
// kernel: kernel.6.cloned.1.call-start
scs
__scs_entry_jumppad:
0x0: {  	(pc) =	sbr.rel $0x88, $3  }
0x1: {  	(tag) =	ssettag $0x0;
	lr =	simm.s32 $0x1  }
0x2: {  	[smem:$0x3F99] =	sst lr;
	_ =	strace $0xD0000000  }
0x3: {  	_ = 	snop  }
0x4: {  	_ = 	snop  }
0x5: {  	_ = 	snop  }
0x6: {  	_ = 	snop  }
0x7: {  	_ = 	snop  }
__scs_overlays_trampoline_lowered:
0x8: {  	[smem:$0x3FA8] =	sst s0  }
0x9: {  	[smem:$0x3FA9] =	sst s1  }
0xa: {  	[smem:$0x3FAA] =	sst s2  }
0xb: {  	[smem:$0x3FAB] =	sst s3  }
0xc: {  	[smem:$0x3FAC] =	sst s4  }
0xd: {  	[smem:$0x3FAD] =	sst s5  }
0xe: {  	[smem:$0x3FAE] =	sst s6  }
0xf: {  	[smem:$0x3FAF] =	sst s7  }
0x10: {  	[smem:$0x3FB0] =	sst s8  }
0x11: {  	[smem:$0x3FB1] =	sst s9;
	s0 =	simm.s32 @!p0 $0x0  }
0x12: {  	s1 =	sld [smem:$0x3F97];
	s0 =	simm.s32 @p0 $0x1  }
0x13: {  	[smem:$0x3FB2] =	sst s0;
	s0 =	simm.s32 @!p1 $0x0  }
0x14: {  	s2 =	sld [smem:$0x3F96];
	s0 =	simm.s32 @p1 $0x1  }
0x15: {  	[smem:$0x3FB3] =	sst s0;
	s0 =	simm.s32 @!p2 $0x0  }
0x16: {  	s3 =	sld [smem:$0x3FDB];
	s0 =	simm.s32 @p2 $0x1  }
0x17: {  	s4 =	simm.s32 $0x1BF5;
	[smem:$0x3FB5] =	sst s0  }
0x18: {  	s0 =	sld [smem:$0x3F98];
	_ =	swait.ge [sflag:s4], $0x0  }
0x19: {  	s7 =	sld [smem:$0x3F99]  }
0x1a: {  	s8 =	sadd.s32 $0xFFFFE003, lr  }
0x1b: {  	s9 =	sadd.s32 $0xFFFFFEF7, lr;
	s5 =	simm.s32 $0xFFFFFFFF;
	p2 =	slt.u32 s8, $0xFFFFF086  }
0x1c: {  	p1 =	slt.u32 s9, $0xF7A;
	s5 =	simm.s32 @!p2 $0x0  }
0x1d: {  	s5 =	simm.s32 @p1 $0x1;
	p0 =	seq.s32 s7, s2  }
0x1e: {  	s7 =	smul.u32 @!p0 $0xF7A, s2;
	p2 =	seq.s32 @!p0 s5, $0x0  }
0x1f: {  	s9 =	smul.u32 $0xF7A, s1;
	s8 =	simm.s32 @!p0 $0x1BF5;
	p2 =	por !p2, p0  }
0x20: {  	[sflag:s8] =	ssyncset.s32 @!p0 $0xFFFFF086;
	s6 =	sadd.s32 @!p0 s3, s7;
	s7 =	simm.s32 @!p0 $0x108  }
0x21: {  	s3 =	sadd.s32 s3, s9;
	s6 =	sadd.s32 @!p0 $0x88, s6;
	s7 =	simm.s32 @p2 $0x1082  }
0x22: {  	[simem:s7], [sflag:s8] =	dma.local @!p0 [hbm:s6], $0xF7A  }
0x23: {  	s9 =	sor.u32 $0xD0000000, s2;
	s6 =	simm.s32 $0x108;
	_ =	swait.ge @!p0 [sflag:s8], $0x0  }
0x24: {  	s3 =	sadd.s32 $0x88, s3;
	s6 =	simm.s32 @!p1 $0x1082;
	[sflag:s4] =	ssyncset.s32 $0xFFFFF086  }
0x25: {  	[simem:s6], [sflag:s4] =	dma.local [hbm:s3], $0xF7A  }
0x26: {  	[smem:$0x3F99] =	sst s1;
	(tag) =	ssettag s2;
	_ =	strace s9  }
0x27: {  	s1 =	sld [smem:$0x3FA9]  }
0x28: {  	s2 =	sld [smem:$0x3FAA]  }
0x29: {  	s4 =	sld [smem:$0x3FAC]  }
0x2a: {  	p0 =	seq.s32 s5, $0x0;
	s5 =	sld [smem:$0x3FAD]  }
0x2b: {  	s6 =	sld [smem:$0x3FAE]  }
0x2c: {  	s7 =	sld [smem:$0x3FAF]  }
0x2d: {  	s3 =	simm.s32 $0x108;
	s8 =	sld [smem:$0x3FB0]  }
0x2e: {  	s3 =	simm.s32 @!p0 $0x1082;
	s9 =	sld [smem:$0x3FB1]  }
0x2f: {  	lr =	sadd.s32 s0, s3;
	s0 =	sld [smem:$0x3FA8]  }
0x30: {  	s3 =	sld [smem:$0x3FAB]  }
0x31: {  	[smem:$0x3FB4] =	sst s10  }
0x32: {  	s10 =	sld [smem:$0x3FB2];
	_ =	sdelay $0x3  }
0x33: {  	p0 =	seq.s32 s10, $0x1;
	s10 =	sld [smem:$0x3FB4];
	_ =	sdelay $0x3  }
0x34: {  	[smem:$0x3FB4] =	sst s10  }
0x35: {  	s10 =	sld [smem:$0x3FB3];
	_ =	sdelay $0x3  }
0x36: {  	p1 =	seq.s32 s10, $0x1;
	s10 =	sld [smem:$0x3FB4];
	_ =	sdelay $0x3  }
0x37: {  	[smem:$0x3FB4] =	sst s10  }
0x38: {  	s10 =	sld [smem:$0x3FB5]  }
0x39: {  	_ = 	snop;
	(pc) =	sbr.ind lr, $3  }
0x3a: {  	_ = 	snop  }
0x3b: {  	_ = 	snop  }
0x3c: {  	p2 =	seq.s32 s10, $0x1;
	s10 =	sld [smem:$0x3FB4]  }
0x3d: {  	_ =	shalt  }
0x3e: {  	_ =	shalt  }
0x3f: {  	_ =	shalt  }
0x40: {  	_ =	shalt  }
0x41: {  	_ =	shalt  }
0x42: {  	_ =	shalt  }
0x43: {  	_ =	shalt  }
0x44: {  	_ =	shalt  }
0x45: {  	_ =	shalt  }
0x46: {  	_ =	shalt  }
0x47: {  	_ =	shalt  }
0x48: {  	_ =	shalt  }
0x49: {  	_ =	shalt  }
0x4a: {  	_ =	shalt  }
0x4b: {  	_ =	shalt  }
0x4c: {  	_ =	shalt  }
0x4d: {  	_ =	shalt  }
0x4e: {  	_ =	shalt  }
0x4f: {  	_ =	shalt  }
0x50: {  	_ =	shalt  }
0x51: {  	_ =	shalt  }
0x52: {  	_ =	shalt  }
0x53: {  	_ =	shalt  }
0x54: {  	_ =	shalt  }
0x55: {  	_ =	shalt  }
0x56: {  	_ =	shalt  }
0x57: {  	_ =	shalt  }
0x58: {  	_ =	shalt  }
0x59: {  	_ =	shalt  }
0x5a: {  	_ =	shalt  }
0x5b: {  	_ =	shalt  }
0x5c: {  	_ =	shalt  }
0x5d: {  	_ =	shalt  }
0x5e: {  	_ =	shalt  }
0x5f: {  	_ =	shalt  }
0x60: {  	_ =	shalt  }
0x61: {  	_ =	shalt  }
0x62: {  	_ =	shalt  }
0x63: {  	_ =	shalt  }
0x64: {  	_ =	shalt  }
0x65: {  	_ =	shalt  }
0x66: {  	_ =	shalt  }
0x67: {  	_ =	shalt  }
0x68: {  	_ =	shalt  }
0x69: {  	_ =	shalt  }
0x6a: {  	_ =	shalt  }
0x6b: {  	_ =	shalt  }
0x6c: {  	_ =	shalt  }
0x6d: {  	_ =	shalt  }
0x6e: {  	_ =	shalt  }
0x6f: {  	_ =	shalt  }
0x70: {  	_ =	shalt  }
0x71: {  	_ =	shalt  }
0x72: {  	_ =	shalt  }
0x73: {  	_ =	shalt  }
0x74: {  	_ =	shalt  }
0x75: {  	_ =	shalt  }
0x76: {  	_ =	shalt  }
0x77: {  	_ =	shalt  }
0x78: {  	_ =	shalt  }
0x79: {  	_ =	shalt  }
0x7a: {  	_ =	shalt  }
0x7b: {  	_ =	shalt  }
0x7c: {  	_ =	shalt  }
0x7d: {  	_ =	shalt  }
0x7e: {  	_ =	shalt  }
0x7f: {  	_ =	shalt  }
0x80: {  	_ =	shalt  }
0x81: {  	_ =	shalt  }
0x82: {  	_ =	shalt  }
0x83: {  	_ =	shalt  }
0x84: {  	_ =	shalt  }
0x85: {  	_ =	shalt  }
0x86: {  	_ =	shalt  }
0x87: {  	_ =	shalt  }
.Lfunc_end0:
.L_simem_size_0:
called_computation_lowered:
.L_overlay_start_0:
0x88: {  	s2 =	sld [smem:$0x3FD9]  }
0x89: {  	s3 =	sld [smem:$0x3FFE];
	_ =	sdelay $0x1  }
0x8a: {  	s1 =	srdreg.scid  }
0x8b: {  	s0 =	sand.u32 $0x1, s1  }
0x8c: {  	s17 =	sshll.u32 s0, $0xA;
	s2 =	sadd.s32 s3, s2  }
0x8d: {  	s2 =	sadd.s32 s2, s17  }
0x8e: {  	[smem:$0x3FC0] =	sst s2  }
0x8f: {  	_ = 	snop  }
0x90: {  	s2 =	sld [smem:$0x3FD0];
	(tm) =	ssettm $0x1  }
0x91: {  	s18 =	sld [smem:$0x3FFB];
	_ =	sdelay $0x3  }
0x92: {  	_ =	strace s18  }
0x93: {  	s3 =	sld [smem:$0x3FFC];
	_ =	sdelay $0x3  }
0x94: {  	_ =	strace s3  }
0x95: {  	s3 =	sld [smem:$0x3FFD];
	_ =	sdelay $0x3  }
0x96: {  	_ =	strace s3  }
0x97: {  	_ =	strace $0x8FFFFFFF  }
0x98: {  	s19 =	sld [smem:$0x3FDB];
	_ =	sdelay $0x1  }
0x99: {  	s4 =	simm.s32 $_scs_section_size  }
0x9a: {  	s5 =	simm.s32 $_size__tile_overlayer_lowered;
	s6 =	simm.s32 $_tile_overlayer_lowered  }
0x9b: {  	s22 =	simm.s32 $0x1BFF;
	s21 =	sshll.u32 s6, $0x1;
	s3 =	sadd.s32 s4, s19  }
0x9c: {  	s7 =	simm.s32 $0x0;
	s20 =	sshll.u32 s5, $0x1;
	s5 =	sadd.s32 s21, s3  }
0x9d: {  	[timem:s7], [sflag:s22] =	dma.local [hbm:s5], s20  }
0x9e: {  	_ =	swait.ge [sflag:s22], s20  }
0x9f: {  	s4 =	ssub.s32 $0x0, s20;
	[sflag:s22] =	ssyncset.done $0x0  }
0xa0: {  	[sflag:s22] =	ssyncadd.s32 s4;
	_ =	sdelay $0x1  }
0xa1: {  	s23 =	simm.s32 $0x1B8B  }
0xa2: {  	_ =	swait.ge [sflag:s23], $0x1  }
0xa3: {  	[sflag:s23] =	ssyncset.done $0x0  }
0xa4: {  	s25 =	simm.s32 $0x1B8E;
	s24 =	sld [smem:$0x3FFE];
	[sflag:s23] =	ssyncadd.s32 $0xFFFFFFFF  }
0xa5: {  	s26 =	simm.s32 $execute0_lowered;
	[smem:$0x3FD2] =	sst s25  }
0xa6: {  	s5 =	sshll.u32 s26, $0x1;
	_ =	strace $0x80000046;
	[dreg:$0x1] =	wrdreg $0xFFFFFFFF  }
0xa7: {  	s28 =	simm.s32 $_size_execute0_lowered;
	s3 =	sadd.s32 s3, s5;
	[dreg:$0x0] =	wrdreg $0x0  }
0xa8: {  	s5 =	sshll.u32 s28, $0x1;
	[dreg:$0x2] =	wrdreg s3  }
0xa9: {  	[dreg:$0x3] =	wrdreg s5  }
0xaa: {  	[dreg:$0x4] =	wrdreg $0xC0  }
0xab: {  	_ =	task [dreg:s7], $0x5FFFF  }
0xac: {  	[dreg:$0x1] =	wrdreg $0xFFFFFFFF  }
0xad: {  	[dreg:$0x0] =	wrdreg $0x60  }
0xae: {  	[dreg:$0x2] =	wrdreg s24  }
0xaf: {  	[dreg:$0x3] =	wrdreg s2  }
0xb0: {  	[dreg:$0x4] =	wrdreg $0x6C400  }
0xb1: {  	[dreg:$0x5] =	wrdreg $0x9  }
0xb2: {  	_ =	task.clear_ibuf [dreg:s7], $0x6FFFF;
	_ =	strace $0x90000046  }
0xb3: {  	s29 =	simm.s32 $0x9;
	_ =	strace $0x80000048  }
0xb4: {  	_ =	swait.ge [sflag:s29], $0x1  }
0xb5: {  	[sflag:s29] =	ssyncadd.s32 $0xFFFFFFFF  }
0xb6: {  	_ =	strace $0x90000048  }
0xb7: {  	_ =	sfence  }
0xb8: {  	s30 =	sld [smem:$0x0];
	_ =	sdelay $0x2  }
0xb9: {  	s31 =	sshll.u32 s1, $0xD;
	s1 =	sshrl.u32 s1, $0x2  }
0xba: {  	s3 =	sand.u32 $0x4000, s31;
	s1 =	sadd.s32 s1, s30  }
0xbb: {  	s0 =	sor.u32 s3, s0;
	s1 =	sshll.u32 s1, $0x11  }
0xbc: {  	s0 =	sor.u32 s1, s0  }
0xbd: {  	s0 =	sadd.s32 $0x8F2B, s0  }
0xbe: {  	[sflag:s0] =	ssyncadd.remote.s32 $0x1  }
0xbf: {  	_ =	sfence.sel $0xFFFF  }
0xc0: {  	[dreg:$0x0] =	wrdreg $0xFFFFFFFF;
	(pc) =	sbr.abs _section_cstart, $3  }
0xc1: {  	[dreg:$0x1] =	wrdreg $0xFFFFFFFF  }
0xc2: {  	_ =	task.clear_ibuf [dreg:s7], $0x2FFFF;
	_ =	strace $0x9FFFFFFF  }
0xc3: {  	(tm) =	ssettm $0x7FFFFFFF  }
tec
execute0_lowered:
.L_overlay_start_1:
0x0: {  	(tag) =	ssettag $0x1  }
0x1: {  	s0 =	rddreg [dreg:$0x0]  }
0x2: {  	s2 =	rddreg [dreg:$0x2]  }
0x3: {  	s3 =	simm.s32 $0x0;
	s1 =	srdreg.scid;
	s9 =	stileid.u32  }
0x4: {  	s30 =	simm.s32 $0x3B60;
	s31 =	simm.s32 $0x9;
	[smem:$0x7FF] =	sst s3  }
0x5: {  	s5 =	sadd.s32 $0x310A00, s0;
	s6 =	sadd.s32 $0x34400, s0;
	s1 =	sand.u32 $0x1, s1  }
0x6: {  	s7 =	sadd.s32 $0x3600, s0;
	s12 =	smul.u32 $0xC380, s9;
	s0 =	sadd.s32 $0x65200, s0  }
0x7: {  	_ =	strace $0x80000047;
	s4 =	sshll.u32 s1, $0x4;
	s8 =	ssub.s32 $0x2, s1  }
0x8: {  	s1 =	smul.u32 $0xC3800, s1;
	s4 =	sor.u32 s9, s4;
	s22 =	sshrl.u32 s8, $0x1  }
0x9: {  	s10 =	sadd.s32 s12, s2;
	s14 =	sadd.s32 $0x30E0, s12;
	s15 =	sadd.s32 $0x61C0, s12  }
0xa: {  	s18 =	sadd.s32 $0x92A0, s12;
	s4 =	smul.u32 $0xC350, s4;
	s8 =	ssub.s32 s8, s22  }
0xb: {  	s11 =	sadd.s32 s14, s2;
	s9 =	sadd.s32 s15, s2;
	s28 =	sadd.s32 s18, s2  }
0xc: {  	s24 =	sadd.s32 s12, s1;
	s25 =	sadd.s32 s1, s14;
	s26 =	sadd.s32 s1, s15  }
0xd: {  	s1 =	sadd.s32 s1, s18;
	s12 =	simm.s32 $0x1;
	s16 =	sshrl.u32 s4, $0x3  }
0xe: {  	s14 =	simm.s32 $0x3;
	s15 =	simm.s32 $0x960;
	s17 =	sadd.s32 $0x32, s16  }
0xf: {  	s18 =	sshrl.u32 s25, $0x3;
	[dreg:$0x4] =	wrdreg s9;
	s13 =	sadd.s32 s6, s17  }
0x10: {  	s1 =	sshrl.u32 s1, $0x3;
	[dreg:$0x6] =	wrdreg s13;
	s13 =	sadd.s32 $0x320, s4  }
0x11: {  	[dreg:$0x5] =	wrdreg s28;
	s17 =	sadd.s32 s7, s17;
	s23 =	sshrl.u32 s13, $0x3  }
0x12: {  	s25 =	sadd.s32 $0x1838, s16;
	[dreg:$0x7] =	wrdreg s17;
	s19 =	sadd.s32 s6, s23  }
0x13: {  	s17 =	sadd.s32 s7, s23;
	s23 =	sadd.s32 s6, s16;
	[dreg:$0x8] =	wrdreg s19  }
0x14: {  	[dreg:$0x9] =	wrdreg s17;
	s17 =	sadd.s32 $0x4B0, s4;
	s4 =	sshrl.u32 s24, $0x3  }
0x15: {  	s19 =	sshrl.u32 s26, $0x3;
	[dreg:$0x10] =	wrdreg s23;
	s24 =	sadd.s32 s7, s16  }
0x16: {  	s26 =	sadd.s32 s6, s25;
	s16 =	simm.s32 $0x5;
	[dreg:$0x11] =	wrdreg s24  }
0x17: {  	s23 =	simm.s32 $0x7D0;
	s4 =	sadd.s32 s0, s4;
	[dreg:$0x12] =	wrdreg s26  }
0x18: {  	s29 =	sshrl.u32 s17, $0x3;
	s20 =	sadd.s32 s0, s19;
	[dreg:$0xa] =	wrdreg s4  }
0x19: {  	s19 =	simm.s32 $0x2;
	s4 =	sadd.s32 s0, s18;
	[dreg:$0xc] =	wrdreg s20  }
0x1a: {  	s24 =	simm.s32 $0x7;
	s0 =	sadd.s32 s0, s1;
	[dreg:$0xb] =	wrdreg s4  }
0x1b: {  	s26 =	simm.s32 $0x0;
	s21 =	sadd.s32 s6, s29;
	[dreg:$0xd] =	wrdreg s0  }
0x1c: {  	s22 =	sadd.s32 s7, s29;
	s29 =	smax.u32 s8, $0x1;
	[dreg:$0xe] =	wrdreg s21  }
0x1d: {  	s1 =	simm.s32 $0x4B0;
	s18 =	simm.s32 $0x640;
	[dreg:$0xf] =	wrdreg s22  }
0x1e: {  	s20 =	simm.s32 $0x4;
	s0 =	sadd.s32 s7, s25;
	[dreg:$0x14] =	wrdreg s29  }
0x1f: {  	s4 =	simm.s32 $0x190;
	s21 =	simm.s32 $0x2260;
	s22 =	simm.s32 $0x6  }
0x20: {  	s25 =	simm.s32 $0x8;
	[dreg:$0x13] =	wrdreg s0;
	s0 =	simm.s32 $0x320  }
.LBB2_1:
0x21: {  	s8 =	rddreg [dreg:$0x1]  }
0x22: {  	[tilespmem:s30], [sflag:$0x9] =	stream.linear.gather [hbm4b:s8+s3], $0x30E0, $0x38;
	[tilespmem:$0x12FC0] =	vst v63  }
0x23: {  	_ =	swait.ge [sflag:s31], $0x30E0  }
0x24: {  	[sflag:s31] =	ssyncset.done $0x0  }
0x25: {  	[sflag:s31] =	ssyncadd.s32 $0xFFFFCF20  }
0x26: {  	[spmem:s10] =	stream.linear.scatter [tilespmem:s30], [sflag:$0x9], $0x30E0, $0x38;
	[tilespmem:$0x12FC0] =	vst v63  }
0x27: {  	_ =	swait.ge [sflag:s31], $0x30E0  }
0x28: {  	[sflag:s31] =	ssyncset.done $0x0  }
0x29: {  	[sflag:s31] =	ssyncadd.s32 $0xFFFFCF20  }
0x2a: {  	[spmem:s11] =	stream.linear.scatter [tilespmem:s30], [sflag:$0x9], $0x30E0, $0x38;
	[tilespmem:$0x12FC0] =	vst v63  }
0x2b: {  	_ =	swait.ge [sflag:s31], $0x30E0  }
0x2c: {  	[sflag:s31] =	ssyncset.done $0x0  }
0x2d: {  	[sflag:s31] =	ssyncadd.s32 $0xFFFFCF20  }
0x2e: {  	[spmem:s9] =	stream.linear.scatter [tilespmem:s30], [sflag:$0x9], $0x30E0, $0x38;
	[tilespmem:$0x12FC0] =	vst v63  }
0x2f: {  	_ =	swait.ge [sflag:s31], $0x30E0  }
0x30: {  	[sflag:s31] =	ssyncset.done $0x0  }
0x31: {  	[sflag:s31] =	ssyncadd.s32 $0xFFFFCF20  }
0x32: {  	[spmem:s28] =	stream.linear.scatter [tilespmem:s30], [sflag:$0x9], $0x30E0, $0x38;
	[tilespmem:$0x12FC0] =	vst v63  }
0x33: {  	_ =	swait.ge [sflag:s31], $0x30E0  }
0x34: {  	[sflag:s31] =	ssyncset.done $0x0  }
0x35: {  	[sflag:s31] =	ssyncadd.s32 $0xFFFFCF20  }
0x36: {  	[bflag:$0x0] =	sbarrier.arrive $0xFFFF  }
0x37: {  	s9 =	rddreg [dreg:$0x10]  }
0x38: {  	[tilespmem:s3], [sflag:$0x1] =	stream.linear.gather [hbm4b:s9+s3], $0x190, $0x38;
	[tilespmem:$0x12FC0] =	vst v63  }
0x39: {  	s9 =	rddreg [dreg:$0x11]  }
0x3a: {  	[tilespmem:s0], [sflag:$0x3] =	stream.linear.gather [hbm4b:s9+s3], $0x190, $0x38;
	[tilespmem:$0x12FC0] =	vst v63  }
0x3b: {  	s9 =	rddreg [dreg:$0x6]  }
0x3c: {  	[tilespmem:s4], [sflag:$0x2] =	stream.linear.gather [hbm4b:s9+s3], $0x190, $0x38;
	[tilespmem:$0x12FC0] =	vst v63  }
0x3d: {  	s9 =	rddreg [dreg:$0x7]  }
0x3e: {  	[tilespmem:s1], [sflag:$0x4] =	stream.linear.gather [hbm4b:s9+s3], $0x190, $0x38;
	[tilespmem:$0x12FC0] =	vst v63  }
0x3f: {  	_ =	swait.ge [sflag:s12], $0x190  }
0x40: {  	[sflag:s12] =	ssyncset.done $0x0  }
0x41: {  	[sflag:s12] =	ssyncadd.s32 $0xFFFFFE70  }
0x42: {  	_ =	swait.ge [sflag:s14], $0x190  }
0x43: {  	[sflag:s14] =	ssyncset.done $0x0  }
0x44: {  	s28 =	simm.s32 $0x0;
	[sflag:s14] =	ssyncadd.s32 $0xFFFFFE70  }
0x45: {  	s29 =	simm.s32 $0x40;
	v0 =	vld [tilespmem:s28+$0x320]  }
.LBB2_2:
0x46: {  	p0 =	sne.s32 s29, $0x600;
	v1 =	vld [tilespmem:s28+$0x0];
	_ =	sdelay $0x2  }
.Ltmp0:
0x47: {  	(pc) =	sbr.rel @p0 .LBB2_2-.Ltmp0, $4  }
0x48: {  	v2 =	vshra.s32 v0, $0x1  }
0x49: {  	v0 =	vand.u32 $0x1, v0;
	v1 =	vshll.u32 v1, $0x1;
	[tilespmem:s28+$0x640] =	vst v2  }
0x4a: {  	s8 =	sshra.s32 s29, $0x2;
	v1 =	vor.u32 v1, v0  }
0x4b: {  	s29 =	sadd.s32 $0x40, s29;
	v0 =	vld [tilespmem:s8+$0x320];
	[tilespmem:s28+$0x0] =	vst v1;
	s28 =	smov.u32 s8  }
0x4c: {  	v1 =	vld [tilespmem:s28+$0x0];
	_ =	sdelay $0x4  }
0x4d: {  	v2 =	vshra.s32 v0, $0x1;
	v0 =	vand.u32 $0x1, v0;
	v1 =	vshll.u32 v1, $0x1  }
0x4e: {  	[tilespmem:s28+$0x640] =	vst v2;
	v0 =	vor.u32 v1, v0  }
0x4f: {  	s8 =	simm.s32 $0x0;
	[tilespmem:s28+$0x0] =	vst v0  }
0x50: {  	[tilespmem:s15], [sflag:$0x5] =	stream.indirect.gather [hbm4b:s5+s4], $0x10, s8, s4, $0xb8;
	[tilespmem:$0x12FC0] =	vst v63  }
0x51: {  	_ =	swait.ge [sflag:s16], $0x1900  }
0x52: {  	[sflag:s16] =	ssyncset.done $0x0  }
0x53: {  	[sflag:s16] =	ssyncadd.s32 $0xFFFFE700  }
0x54: {  	[spmem:s2] =	stream.indirect.scatter.add.f32 [tilespmem:s15], [sflag:$0x7], $0x10, s18, s4, $0xb8;
	[tilespmem:$0x12FC0] =	vst v63  }
0x55: {  	s9 =	rddreg [dreg:$0x8]  }
0x56: {  	[tilespmem:s8], [sflag:$0x1] =	stream.linear.gather [hbm4b:s9+s8], $0x190, $0x38;
	[tilespmem:$0x12FC0] =	vst v63  }
0x57: {  	s9 =	rddreg [dreg:$0x9]  }
0x58: {  	[tilespmem:s0], [sflag:$0x3] =	stream.linear.gather [hbm4b:s9+s8], $0x190, $0x38;
	[tilespmem:$0x12FC0] =	vst v63  }
0x59: {  	_ =	swait.ge [sflag:s19], $0x190  }
0x5a: {  	[sflag:s19] =	ssyncset.done $0x0  }
0x5b: {  	[sflag:s19] =	ssyncadd.s32 $0xFFFFFE70  }
0x5c: {  	_ =	swait.ge [sflag:s20], $0x190  }
0x5d: {  	[sflag:s20] =	ssyncset.done $0x0  }
0x5e: {  	s28 =	simm.s32 $0x0;
	[sflag:s20] =	ssyncadd.s32 $0xFFFFFE70  }
0x5f: {  	s29 =	simm.s32 $0x40;
	v0 =	vld [tilespmem:s28+$0x4B0]  }
.LBB2_4:
0x60: {  	p0 =	sne.s32 s29, $0x600;
	v1 =	vld [tilespmem:s28+$0x190];
	_ =	sdelay $0x2  }
.Ltmp1:
0x61: {  	(pc) =	sbr.rel @p0 .LBB2_4-.Ltmp1, $4  }
0x62: {  	v2 =	vshra.s32 v0, $0x1  }
0x63: {  	v0 =	vand.u32 $0x1, v0;
	v1 =	vshll.u32 v1, $0x1;
	[tilespmem:s28+$0x7D0] =	vst v2  }
0x64: {  	s8 =	sshra.s32 s29, $0x2;
	v1 =	vor.u32 v1, v0  }
0x65: {  	s29 =	sadd.s32 $0x40, s29;
	v0 =	vld [tilespmem:s8+$0x4B0];
	[tilespmem:s28+$0x190] =	vst v1;
	s28 =	smov.u32 s8  }
0x66: {  	v1 =	vld [tilespmem:s28+$0x190];
	_ =	sdelay $0x4  }
0x67: {  	v2 =	vshra.s32 v0, $0x1;
	v63 =	vand.u32 $0x1, v0;
	v1 =	vshll.u32 v1, $0x1  }
0x68: {  	[tilespmem:s28+$0x7D0] =	vst v2;
	v0 =	vor.u32 v1, v63  }
0x69: {  	[tilespmem:s28+$0x190] =	vst v0  }
0x6a: {  	[tilespmem:s21], [sflag:$0x6] =	stream.indirect.gather [hbm4b:s5+s4], $0x10, s4, s4, $0xb8;
	[tilespmem:$0x12FC0] =	vst v63  }
0x6b: {  	_ =	swait.ge [sflag:s22], $0x1900  }
0x6c: {  	[sflag:s22] =	ssyncset.done $0x0  }
0x6d: {  	[sflag:s22] =	ssyncadd.s32 $0xFFFFE700  }
0x6e: {  	[spmem:s2] =	stream.indirect.scatter.add.f32 [tilespmem:s21], [sflag:$0x8], $0x10, s23, s4, $0xb8;
	[tilespmem:$0x12FC0] =	vst v63  }
0x6f: {  	s8 =	rddreg [dreg:$0xe]  }
0x70: {  	[tilespmem:s4], [sflag:$0x2] =	stream.linear.gather [hbm4b:s8+s3], $0x190, $0x38;
	[tilespmem:$0x12FC0] =	vst v63  }
0x71: {  	s28 =	simm.s32 $0x1;
	s29 =	rddreg [dreg:$0xf]  }
0x72: {  	[tilespmem:s1], [sflag:$0x4] =	stream.linear.gather [hbm4b:s29+s3], $0x190, $0x38;
	[tilespmem:$0x12FC0] =	vst v63  }
.LBB2_6:
0x73: {  	_ =	swait.ge [sflag:s24], $0x1900  }
0x74: {  	[sflag:s24] =	ssyncset.done $0x0  }
0x75: {  	[sflag:s24] =	ssyncadd.s32 $0xFFFFE700  }
0x76: {  	_ =	swait.ge [sflag:s12], $0x190  }
0x77: {  	[sflag:s12] =	ssyncset.done $0x0  }
0x78: {  	[sflag:s12] =	ssyncadd.s32 $0xFFFFFE70  }
0x79: {  	_ =	swait.ge [sflag:s14], $0x190  }
0x7a: {  	[sflag:s14] =	ssyncset.done $0x0  }
0x7b: {  	s29 =	simm.s32 $0x0;
	[sflag:s14] =	ssyncadd.s32 $0xFFFFFE70  }
0x7c: {  	s8 =	simm.s32 $0x40;
	v0 =	vld [tilespmem:s29+$0x320]  }
.LBB2_7:
0x7d: {  	p0 =	sne.s32 s8, $0x600;
	v1 =	vld [tilespmem:s29+$0x0];
	_ =	sdelay $0x2  }
.Ltmp2:
0x7e: {  	(pc) =	sbr.rel @p0 .LBB2_7-.Ltmp2, $4  }
0x7f: {  	v2 =	vshra.s32 v0, $0x1  }
0x80: {  	v0 =	vand.u32 $0x1, v0;
	v1 =	vshll.u32 v1, $0x1;
	[tilespmem:s29+$0x640] =	vst v2  }
0x81: {  	s9 =	sshra.s32 s8, $0x2;
	v1 =	vor.u32 v1, v0  }
0x82: {  	s8 =	sadd.s32 $0x40, s8;
	v0 =	vld [tilespmem:s9+$0x320];
	[tilespmem:s29+$0x0] =	vst v1;
	s29 =	smov.u32 s9  }
0x83: {  	v1 =	vld [tilespmem:s29+$0x0];
	_ =	sdelay $0x4  }
0x84: {  	v2 =	vshra.s32 v0, $0x1;
	v0 =	vand.u32 $0x1, v0;
	v1 =	vshll.u32 v1, $0x1  }
0x85: {  	[tilespmem:s29+$0x640] =	vst v2;
	v0 =	vor.u32 v1, v0  }
0x86: {  	s8 =	simm.s32 $0x0;
	s9 =	smul.u32 $0x320, s28;
	[tilespmem:s29+$0x0] =	vst v0  }
0x87: {  	[tilespmem:s15], [sflag:$0x5] =	stream.indirect.gather [hbm4b:s5+s4], $0x10, s8, s4, $0xb8;
	[tilespmem:$0x12FC0] =	vst v63  }
0x88: {  	_ =	swait.ge [sflag:s16], $0x1900  }
0x89: {  	s9 =	sadd.s32 s9, s13;
	[sflag:s16] =	ssyncset.done $0x0  }
0x8a: {  	s9 =	sshrl.u32 s9, $0x3;
	[sflag:s16] =	ssyncadd.s32 $0xFFFFE700  }
0x8b: {  	[spmem:s2] =	stream.indirect.scatter.add.f32 [tilespmem:s15], [sflag:$0x7], $0x10, s18, s4, $0xb8;
	[tilespmem:$0x12FC0] =	vst v63  }
0x8c: {  	s29 =	sadd.s32 s6, s9  }
0x8d: {  	[tilespmem:s8], [sflag:$0x1] =	stream.linear.gather [hbm4b:s29+s8], $0x190, $0x38;
	[tilespmem:$0x12FC0] =	vst v63  }
0x8e: {  	s9 =	sadd.s32 s7, s9  }
0x8f: {  	[tilespmem:s0], [sflag:$0x3] =	stream.linear.gather [hbm4b:s9+s8], $0x190, $0x38;
	[tilespmem:$0x12FC0] =	vst v63  }
0x90: {  	_ =	swait.ge [sflag:s25], $0x1900  }
0x91: {  	[sflag:s25] =	ssyncset.done $0x0  }
0x92: {  	[sflag:s25] =	ssyncadd.s32 $0xFFFFE700  }
0x93: {  	_ =	swait.ge [sflag:s19], $0x190  }
0x94: {  	[sflag:s19] =	ssyncset.done $0x0  }
0x95: {  	[sflag:s19] =	ssyncadd.s32 $0xFFFFFE70  }
0x96: {  	_ =	swait.ge [sflag:s20], $0x190  }
0x97: {  	[sflag:s20] =	ssyncset.done $0x0  }
0x98: {  	s29 =	simm.s32 $0x0;
	[sflag:s20] =	ssyncadd.s32 $0xFFFFFE70  }
0x99: {  	s8 =	simm.s32 $0x40;
	v0 =	vld [tilespmem:s29+$0x4B0]  }
.LBB2_9:
0x9a: {  	p0 =	sne.s32 s8, $0x600;
	v1 =	vld [tilespmem:s29+$0x190];
	_ =	sdelay $0x2  }
.Ltmp3:
0x9b: {  	(pc) =	sbr.rel @p0 .LBB2_9-.Ltmp3, $4  }
0x9c: {  	v2 =	vshra.s32 v0, $0x1  }
0x9d: {  	v0 =	vand.u32 $0x1, v0;
	v1 =	vshll.u32 v1, $0x1;
	[tilespmem:s29+$0x7D0] =	vst v2  }
0x9e: {  	s9 =	sshra.s32 s8, $0x2;
	v1 =	vor.u32 v1, v0  }
0x9f: {  	s8 =	sadd.s32 $0x40, s8;
	v0 =	vld [tilespmem:s9+$0x4B0];
	[tilespmem:s29+$0x190] =	vst v1;
	s29 =	smov.u32 s9  }
0xa0: {  	v1 =	vld [tilespmem:s29+$0x190];
	_ =	sdelay $0x4  }
0xa1: {  	v2 =	vshra.s32 v0, $0x1;
	v63 =	vand.u32 $0x1, v0;
	v1 =	vshll.u32 v1, $0x1  }
0xa2: {  	s8 =	sshll.u32 s28, $0x1;
	[tilespmem:s29+$0x7D0] =	vst v2;
	v0 =	vor.u32 v1, v63  }
0xa3: {  	s8 =	smin.u32 s8, $0x79;
	[tilespmem:s29+$0x190] =	vst v0  }
0xa4: {  	[tilespmem:s21], [sflag:$0x6] =	stream.indirect.gather [hbm4b:s5+s4], $0x10, s4, s4, $0xb8;
	[tilespmem:$0x12FC0] =	vst v63  }
0xa5: {  	s8 =	smul.u32 $0x190, s8;
	_ =	swait.ge [sflag:s22], $0x1900  }
0xa6: {  	s28 =	sadd.s32 $0x1, s28;
	[sflag:s22] =	ssyncset.done $0x0  }
0xa7: {  	p0 =	sne.s32 s28, $0x3E;
	s8 =	sadd.s32 s8, s17;
	[sflag:s22] =	ssyncadd.s32 $0xFFFFE700  }
0xa8: {  	[spmem:s2] =	stream.indirect.scatter.add.f32 [tilespmem:s21], [sflag:$0x8], $0x10, s23, s4, $0xb8;
	[tilespmem:$0x12FC0] =	vst v63  }
.Ltmp4:
0xa9: {  	s8 =	sshrl.u32 s8, $0x3;
	(pc) =	sbr.rel @p0 .LBB2_6-.Ltmp4, $4  }
0xaa: {  	s9 =	sadd.s32 s6, s8  }
0xab: {  	[tilespmem:s4], [sflag:$0x2] =	stream.linear.gather [hbm4b:s9+s3], $0x190, $0x38;
	[tilespmem:$0x12FC0] =	vst v63  }
0xac: {  	s8 =	sadd.s32 s7, s8  }
0xad: {  	[tilespmem:s1], [sflag:$0x4] =	stream.linear.gather [hbm4b:s8+s3], $0x190, $0x38;
	[tilespmem:$0x12FC0] =	vst v63  }
0xae: {  	_ =	swait.ge [sflag:s24], $0x1900  }
0xaf: {  	[sflag:s24] =	ssyncset.done $0x0  }
0xb0: {  	[sflag:s24] =	ssyncadd.s32 $0xFFFFE700  }
0xb1: {  	_ =	swait.ge [sflag:s12], $0x190  }
0xb2: {  	[sflag:s12] =	ssyncset.done $0x0  }
0xb3: {  	[sflag:s12] =	ssyncadd.s32 $0xFFFFFE70  }
0xb4: {  	_ =	swait.ge [sflag:s14], $0x190  }
0xb5: {  	[sflag:s14] =	ssyncset.done $0x0  }
0xb6: {  	s28 =	simm.s32 $0x0;
	[sflag:s14] =	ssyncadd.s32 $0xFFFFFE70  }
0xb7: {  	s8 =	simm.s32 $0x40;
	v0 =	vld [tilespmem:s28+$0x320]  }
.LBB2_12:
0xb8: {  	p0 =	sne.s32 s8, $0x600;
	v1 =	vld [tilespmem:s28+$0x0];
	_ =	sdelay $0x2  }
.Ltmp5:
0xb9: {  	(pc) =	sbr.rel @p0 .LBB2_12-.Ltmp5, $4  }
0xba: {  	v2 =	vshra.s32 v0, $0x1  }
0xbb: {  	v0 =	vand.u32 $0x1, v0;
	v1 =	vshll.u32 v1, $0x1;
	[tilespmem:s28+$0x640] =	vst v2  }
0xbc: {  	s9 =	sshra.s32 s8, $0x2;
	v1 =	vor.u32 v1, v0  }
0xbd: {  	s8 =	sadd.s32 $0x40, s8;
	v0 =	vld [tilespmem:s9+$0x320];
	[tilespmem:s28+$0x0] =	vst v1;
	s28 =	smov.u32 s9  }
0xbe: {  	v1 =	vld [tilespmem:s28+$0x0];
	_ =	sdelay $0x4  }
0xbf: {  	v2 =	vshra.s32 v0, $0x1;
	v63 =	vand.u32 $0x1, v0;
	v1 =	vshll.u32 v1, $0x1  }
0xc0: {  	[tilespmem:s28+$0x640] =	vst v2;
	v0 =	vor.u32 v1, v63  }
0xc1: {  	[tilespmem:s28+$0x0] =	vst v0  }
0xc2: {  	[tilespmem:s15], [sflag:$0x5] =	stream.indirect.gather [hbm4b:s5+s4], $0x10, s3, s4, $0xb8;
	[tilespmem:$0x12FC0] =	vst v63  }
0xc3: {  	_ =	swait.ge [sflag:s16], $0x1900  }
0xc4: {  	[sflag:s16] =	ssyncset.done $0x0  }
0xc5: {  	[sflag:s16] =	ssyncadd.s32 $0xFFFFE700  }
0xc6: {  	[spmem:s2] =	stream.indirect.scatter.add.f32 [tilespmem:s15], [sflag:$0x7], $0x10, s18, s4, $0xb8;
	[tilespmem:$0x12FC0] =	vst v63  }
0xc7: {  	s8 =	rddreg [dreg:$0x12]  }
0xc8: {  	[tilespmem:s3], [sflag:$0x1] =	stream.linear.gather [hbm4b:s8+s3], $0x190, $0x38;
	[tilespmem:$0x12FC0] =	vst v63  }
0xc9: {  	s9 =	rddreg [dreg:$0x13]  }
0xca: {  	[tilespmem:s0], [sflag:$0x3] =	stream.linear.gather [hbm4b:s9+s3], $0x190, $0x38;
	[tilespmem:$0x12FC0] =	vst v63  }
0xcb: {  	_ =	swait.ge [sflag:s24], $0x1900  }
0xcc: {  	[sflag:s24] =	ssyncset.done $0x0  }
0xcd: {  	[sflag:s24] =	ssyncadd.s32 $0xFFFFE700  }
0xce: {  	_ =	swait.ge [sflag:s12], $0x190  }
0xcf: {  	[sflag:s12] =	ssyncset.done $0x0  }
0xd0: {  	[sflag:s12] =	ssyncadd.s32 $0xFFFFFE70  }
0xd1: {  	_ =	swait.ge [sflag:s14], $0x190  }
0xd2: {  	[sflag:s14] =	ssyncset.done $0x0  }
0xd3: {  	[sflag:s14] =	ssyncadd.s32 $0xFFFFFE70  }
0xd4: {  	_ =	swait.ge [sflag:s25], $0x1900  }
0xd5: {  	[sflag:s25] =	ssyncset.done $0x0  }
0xd6: {  	[sflag:s25] =	ssyncadd.s32 $0xFFFFE700  }
0xd7: {  	_ =	swait.ge [sflag:s19], $0x190  }
0xd8: {  	[sflag:s19] =	ssyncset.done $0x0  }
0xd9: {  	[sflag:s19] =	ssyncadd.s32 $0xFFFFFE70  }
0xda: {  	_ =	swait.ge [sflag:s20], $0x190  }
0xdb: {  	[sflag:s20] =	ssyncset.done $0x0  }
0xdc: {  	[sflag:s20] =	ssyncadd.s32 $0xFFFFFE70  }
0xdd: {  	[bflag:$0x0] =	sbarrier.arrive $0xFFFF  }
0xde: {  	[tilespmem:s30], [sflag:$0x9] =	stream.linear.gather [spmem:s10], $0x30E0, $0x38;
	[tilespmem:$0x12FC0] =	vst v63  }
0xdf: {  	_ =	swait.ge [sflag:s31], $0x30E0  }
0xe0: {  	[sflag:s31] =	ssyncset.done $0x0  }
0xe1: {  	s29 =	rddreg [dreg:$0xa];
	[sflag:s31] =	ssyncadd.s32 $0xFFFFCF20  }
0xe2: {  	[hbm4b:s29+s3] =	stream.linear.scatter [tilespmem:s30], [sflag:$0x9], $0x30E0, $0x38;
	[tilespmem:$0x12FC0] =	vst v63  }
0xe3: {  	_ =	swait.ge [sflag:s31], $0x30E0  }
0xe4: {  	[sflag:s31] =	ssyncset.done $0x0  }
0xe5: {  	[sflag:s31] =	ssyncadd.s32 $0xFFFFCF20  }
0xe6: {  	[tilespmem:s30], [sflag:$0x9] =	stream.linear.gather [spmem:s11], $0x30E0, $0x38;
	[tilespmem:$0x12FC0] =	vst v63  }
0xe7: {  	_ =	swait.ge [sflag:s31], $0x30E0  }
0xe8: {  	[sflag:s31] =	ssyncset.done $0x0  }
0xe9: {  	s9 =	rddreg [dreg:$0xb];
	[sflag:s31] =	ssyncadd.s32 $0xFFFFCF20  }
0xea: {  	[hbm4b:s9+s3] =	stream.linear.scatter [tilespmem:s30], [sflag:$0x9], $0x30E0, $0x38;
	[tilespmem:$0x12FC0] =	vst v63  }
0xeb: {  	_ =	swait.ge [sflag:s31], $0x30E0  }
0xec: {  	[sflag:s31] =	ssyncset.done $0x0  }
0xed: {  	s9 =	rddreg [dreg:$0x4];
	[sflag:s31] =	ssyncadd.s32 $0xFFFFCF20  }
0xee: {  	[tilespmem:s30], [sflag:$0x9] =	stream.linear.gather [spmem:s9], $0x30E0, $0x38;
	[tilespmem:$0x12FC0] =	vst v63  }
0xef: {  	_ =	swait.ge [sflag:s31], $0x30E0  }
0xf0: {  	[sflag:s31] =	ssyncset.done $0x0  }
0xf1: {  	s29 =	rddreg [dreg:$0xc];
	[sflag:s31] =	ssyncadd.s32 $0xFFFFCF20  }
0xf2: {  	[hbm4b:s29+s3] =	stream.linear.scatter [tilespmem:s30], [sflag:$0x9], $0x30E0, $0x38;
	[tilespmem:$0x12FC0] =	vst v63  }
0xf3: {  	_ =	swait.ge [sflag:s31], $0x30E0  }
0xf4: {  	[sflag:s31] =	ssyncset.done $0x0  }
0xf5: {  	s28 =	rddreg [dreg:$0x5];
	[sflag:s31] =	ssyncadd.s32 $0xFFFFCF20  }
0xf6: {  	[tilespmem:s30], [sflag:$0x9] =	stream.linear.gather [spmem:s28], $0x30E0, $0x38;
	[tilespmem:$0x12FC0] =	vst v63  }
0xf7: {  	_ =	swait.ge [sflag:s31], $0x30E0  }
0xf8: {  	[sflag:s31] =	ssyncset.done $0x0  }
0xf9: {  	s29 =	rddreg [dreg:$0xd];
	[sflag:s31] =	ssyncadd.s32 $0xFFFFCF20  }
0xfa: {  	[hbm4b:s29+s3] =	stream.linear.scatter [tilespmem:s30], [sflag:$0x9], $0x30E0, $0x38;
	[tilespmem:$0x12FC0] =	vst v63  }
0xfb: {  	_ =	swait.ge [sflag:s31], $0x30E0  }
0xfc: {  	s26 =	sadd.s32 $0x1, s26;
	s29 =	rddreg [dreg:$0x14]  }
0xfd: {  	p0 =	sne.s32 s26, s29  }
.Ltmp6:
0xfe: {  	_ = 	snop;
	(pc) =	sbr.rel @p0 .LBB2_1-.Ltmp6, $3  }
0xff: {  	_ =	sdelay $0x1  }
0x100: {  	[sflag:s31] =	ssyncset.done $0x0  }
0x101: {  	[sflag:s31] =	ssyncadd.s32 $0xFFFFCF20  }
0x102: {  	_ =	sfence.sel $0x180000  }
0x103: {  	[bflag:$0x0] =	sbarrier.arrive $0xFFFF  }
0x104: {  	_ =	strace $0x90000047  }
0x105: {  	s0 =	stileid.u32;
	[bflag:$0x2] =	sbarrier.arrive $0xFFFF  }
0x106: {  	p0 =	sne.s32 s0, $0x0;
	s0 =	rddreg [dreg:$0x3]  }
0x107: {  	s0 =	sadd.s32 @!p0 $0x100000, s0  }
0x108: {  	[sflag:s0] =	ssyncadd.tile.s32 @!p0 $0x1;
	_ =	shalt  }
.Lfunc_end2:
_tile_overlayer_lowered:
.L_overlay_start_2:
0x109: {  	(tag) =	ssettag $0x2  }
0x10a: {  	s0 =	rddreg [dreg:$0x0];
	s2 =	stileid.u32  }
0x10b: {  	s1 =	rddreg [dreg:$0x1];
	p0 =	sne.s32 s2, $0x0  }
0x10c: {  	s3 =	rddreg [dreg:$0x2];
	[bflag:$0x3] =	sbarrier.arrive $0xFFFF;
	s2 =	simm.s32 @!p0 $0x1C09  }
0x10d: {  	[timem:s3], [sflag:s2] =	dma.local @!p0 [hbm:s0], s1  }
0x10e: {  	s0 =	simm.s32 @!p0 $0x9  }
0x10f: {  	_ =	swait.ge @!p0 [sflag:s0], s1  }
0x110: {  	s1 =	ssub.s32 @!p0 $0x0, s1;
	[sflag:s0] =	ssyncset.done @!p0 $0x0  }
0x111: {  	[sflag:s0] =	ssyncadd.s32 @!p0 s1  }
0x112: {  	[bflag:$0x3] =	sbarrier.arrive $0xFFFF  }
0x113: {  	_ =	shalt  }

// kernel: kernel.9.cloned.1.call-start
scs
__scs_entry_jumppad:
0x0: {  	(pc) =	sbr.rel $0x88, $3  }
0x1: {  	(tag) =	ssettag $0x0;
	lr =	simm.s32 $0x1  }
0x2: {  	[smem:$0x3F99] =	sst lr;
	_ =	strace $0xD0000000  }
0x3: {  	_ = 	snop  }
0x4: {  	_ = 	snop  }
0x5: {  	_ = 	snop  }
0x6: {  	_ = 	snop  }
0x7: {  	_ = 	snop  }
__scs_overlays_trampoline_lowered:
0x8: {  	[smem:$0x3FA8] =	sst s0  }
0x9: {  	[smem:$0x3FA9] =	sst s1  }
0xa: {  	[smem:$0x3FAA] =	sst s2  }
0xb: {  	[smem:$0x3FAB] =	sst s3  }
0xc: {  	[smem:$0x3FAC] =	sst s4  }
0xd: {  	[smem:$0x3FAD] =	sst s5  }
0xe: {  	[smem:$0x3FAE] =	sst s6  }
0xf: {  	[smem:$0x3FAF] =	sst s7  }
0x10: {  	[smem:$0x3FB0] =	sst s8  }
0x11: {  	[smem:$0x3FB1] =	sst s9;
	s0 =	simm.s32 @!p0 $0x0  }
0x12: {  	s1 =	sld [smem:$0x3F97];
	s0 =	simm.s32 @p0 $0x1  }
0x13: {  	[smem:$0x3FB2] =	sst s0;
	s0 =	simm.s32 @!p1 $0x0  }
0x14: {  	s2 =	sld [smem:$0x3F96];
	s0 =	simm.s32 @p1 $0x1  }
0x15: {  	[smem:$0x3FB3] =	sst s0;
	s0 =	simm.s32 @!p2 $0x0  }
0x16: {  	s3 =	sld [smem:$0x3FDB];
	s0 =	simm.s32 @p2 $0x1  }
0x17: {  	s4 =	simm.s32 $0x1BF5;
	[smem:$0x3FB5] =	sst s0  }
0x18: {  	s0 =	sld [smem:$0x3F98];
	_ =	swait.ge [sflag:s4], $0x0  }
0x19: {  	s7 =	sld [smem:$0x3F99]  }
0x1a: {  	s8 =	sadd.s32 $0xFFFFE003, lr  }
0x1b: {  	s9 =	sadd.s32 $0xFFFFFEF7, lr;
	s5 =	simm.s32 $0xFFFFFFFF;
	p2 =	slt.u32 s8, $0xFFFFF086  }
0x1c: {  	p1 =	slt.u32 s9, $0xF7A;
	s5 =	simm.s32 @!p2 $0x0  }
0x1d: {  	s5 =	simm.s32 @p1 $0x1;
	p0 =	seq.s32 s7, s2  }
0x1e: {  	s7 =	smul.u32 @!p0 $0xF7A, s2;
	p2 =	seq.s32 @!p0 s5, $0x0  }
0x1f: {  	s9 =	smul.u32 $0xF7A, s1;
	s8 =	simm.s32 @!p0 $0x1BF5;
	p2 =	por !p2, p0  }
0x20: {  	[sflag:s8] =	ssyncset.s32 @!p0 $0xFFFFF086;
	s6 =	sadd.s32 @!p0 s3, s7;
	s7 =	simm.s32 @!p0 $0x108  }
0x21: {  	s3 =	sadd.s32 s3, s9;
	s6 =	sadd.s32 @!p0 $0x88, s6;
	s7 =	simm.s32 @p2 $0x1082  }
0x22: {  	[simem:s7], [sflag:s8] =	dma.local @!p0 [hbm:s6], $0xF7A  }
0x23: {  	s9 =	sor.u32 $0xD0000000, s2;
	s6 =	simm.s32 $0x108;
	_ =	swait.ge @!p0 [sflag:s8], $0x0  }
0x24: {  	s3 =	sadd.s32 $0x88, s3;
	s6 =	simm.s32 @!p1 $0x1082;
	[sflag:s4] =	ssyncset.s32 $0xFFFFF086  }
0x25: {  	[simem:s6], [sflag:s4] =	dma.local [hbm:s3], $0xF7A  }
0x26: {  	[smem:$0x3F99] =	sst s1;
	(tag) =	ssettag s2;
	_ =	strace s9  }
0x27: {  	s1 =	sld [smem:$0x3FA9]  }
0x28: {  	s2 =	sld [smem:$0x3FAA]  }
0x29: {  	s4 =	sld [smem:$0x3FAC]  }
0x2a: {  	p0 =	seq.s32 s5, $0x0;
	s5 =	sld [smem:$0x3FAD]  }
0x2b: {  	s6 =	sld [smem:$0x3FAE]  }
0x2c: {  	s7 =	sld [smem:$0x3FAF]  }
0x2d: {  	s3 =	simm.s32 $0x108;
	s8 =	sld [smem:$0x3FB0]  }
0x2e: {  	s3 =	simm.s32 @!p0 $0x1082;
	s9 =	sld [smem:$0x3FB1]  }
0x2f: {  	lr =	sadd.s32 s0, s3;
	s0 =	sld [smem:$0x3FA8]  }
0x30: {  	s3 =	sld [smem:$0x3FAB]  }
0x31: {  	[smem:$0x3FB4] =	sst s10  }
0x32: {  	s10 =	sld [smem:$0x3FB2];
	_ =	sdelay $0x3  }
0x33: {  	p0 =	seq.s32 s10, $0x1;
	s10 =	sld [smem:$0x3FB4];
	_ =	sdelay $0x3  }
0x34: {  	[smem:$0x3FB4] =	sst s10  }
0x35: {  	s10 =	sld [smem:$0x3FB3];
	_ =	sdelay $0x3  }
0x36: {  	p1 =	seq.s32 s10, $0x1;
	s10 =	sld [smem:$0x3FB4];
	_ =	sdelay $0x3  }
0x37: {  	[smem:$0x3FB4] =	sst s10  }
0x38: {  	s10 =	sld [smem:$0x3FB5]  }
0x39: {  	_ = 	snop;
	(pc) =	sbr.ind lr, $3  }
0x3a: {  	_ = 	snop  }
0x3b: {  	_ = 	snop  }
0x3c: {  	p2 =	seq.s32 s10, $0x1;
	s10 =	sld [smem:$0x3FB4]  }
0x3d: {  	_ =	shalt  }
0x3e: {  	_ =	shalt  }
0x3f: {  	_ =	shalt  }
0x40: {  	_ =	shalt  }
0x41: {  	_ =	shalt  }
0x42: {  	_ =	shalt  }
0x43: {  	_ =	shalt  }
0x44: {  	_ =	shalt  }
0x45: {  	_ =	shalt  }
0x46: {  	_ =	shalt  }
0x47: {  	_ =	shalt  }
0x48: {  	_ =	shalt  }
0x49: {  	_ =	shalt  }
0x4a: {  	_ =	shalt  }
0x4b: {  	_ =	shalt  }
0x4c: {  	_ =	shalt  }
0x4d: {  	_ =	shalt  }
0x4e: {  	_ =	shalt  }
0x4f: {  	_ =	shalt  }
0x50: {  	_ =	shalt  }
0x51: {  	_ =	shalt  }
0x52: {  	_ =	shalt  }
0x53: {  	_ =	shalt  }
0x54: {  	_ =	shalt  }
0x55: {  	_ =	shalt  }
0x56: {  	_ =	shalt  }
0x57: {  	_ =	shalt  }
0x58: {  	_ =	shalt  }
0x59: {  	_ =	shalt  }
0x5a: {  	_ =	shalt  }
0x5b: {  	_ =	shalt  }
0x5c: {  	_ =	shalt  }
0x5d: {  	_ =	shalt  }
0x5e: {  	_ =	shalt  }
0x5f: {  	_ =	shalt  }
0x60: {  	_ =	shalt  }
0x61: {  	_ =	shalt  }
0x62: {  	_ =	shalt  }
0x63: {  	_ =	shalt  }
0x64: {  	_ =	shalt  }
0x65: {  	_ =	shalt  }
0x66: {  	_ =	shalt  }
0x67: {  	_ =	shalt  }
0x68: {  	_ =	shalt  }
0x69: {  	_ =	shalt  }
0x6a: {  	_ =	shalt  }
0x6b: {  	_ =	shalt  }
0x6c: {  	_ =	shalt  }
0x6d: {  	_ =	shalt  }
0x6e: {  	_ =	shalt  }
0x6f: {  	_ =	shalt  }
0x70: {  	_ =	shalt  }
0x71: {  	_ =	shalt  }
0x72: {  	_ =	shalt  }
0x73: {  	_ =	shalt  }
0x74: {  	_ =	shalt  }
0x75: {  	_ =	shalt  }
0x76: {  	_ =	shalt  }
0x77: {  	_ =	shalt  }
0x78: {  	_ =	shalt  }
0x79: {  	_ =	shalt  }
0x7a: {  	_ =	shalt  }
0x7b: {  	_ =	shalt  }
0x7c: {  	_ =	shalt  }
0x7d: {  	_ =	shalt  }
0x7e: {  	_ =	shalt  }
0x7f: {  	_ =	shalt  }
0x80: {  	_ =	shalt  }
0x81: {  	_ =	shalt  }
0x82: {  	_ =	shalt  }
0x83: {  	_ =	shalt  }
0x84: {  	_ =	shalt  }
0x85: {  	_ =	shalt  }
0x86: {  	_ =	shalt  }
0x87: {  	_ =	shalt  }
.Lfunc_end0:
.L_simem_size_0:
called_computation.1_lowered:
.L_overlay_start_0:
0x88: {  	s2 =	sld [smem:$0x3FD9]  }
0x89: {  	s3 =	sld [smem:$0x3FFE];
	_ =	sdelay $0x1  }
0x8a: {  	s1 =	srdreg.scid  }
0x8b: {  	s0 =	sand.u32 $0x1, s1  }
0x8c: {  	s17 =	sshll.u32 s0, $0xA;
	s2 =	sadd.s32 s3, s2  }
0x8d: {  	s2 =	sadd.s32 s2, s17  }
0x8e: {  	[smem:$0x3FC0] =	sst s2  }
0x8f: {  	_ = 	snop  }
0x90: {  	s2 =	sld [smem:$0x3FD0];
	(tm) =	ssettm $0x1  }
0x91: {  	s18 =	sld [smem:$0x3FFB];
	_ =	sdelay $0x3  }
0x92: {  	_ =	strace s18  }
0x93: {  	s3 =	sld [smem:$0x3FFC];
	_ =	sdelay $0x3  }
0x94: {  	_ =	strace s3  }
0x95: {  	s3 =	sld [smem:$0x3FFD];
	_ =	sdelay $0x3  }
0x96: {  	_ =	strace s3  }
0x97: {  	_ =	strace $0x8FFFFFFF  }
0x98: {  	s19 =	sld [smem:$0x3FDB];
	_ =	sdelay $0x1  }
0x99: {  	s4 =	simm.s32 $_scs_section_size  }
0x9a: {  	s5 =	simm.s32 $_size__tile_overlayer_lowered;
	s6 =	simm.s32 $_tile_overlayer_lowered  }
0x9b: {  	s22 =	simm.s32 $0x1BFF;
	s21 =	sshll.u32 s6, $0x1;
	s3 =	sadd.s32 s4, s19  }
0x9c: {  	s7 =	simm.s32 $0x0;
	s20 =	sshll.u32 s5, $0x1;
	s5 =	sadd.s32 s21, s3  }
0x9d: {  	[timem:s7], [sflag:s22] =	dma.local [hbm:s5], s20  }
0x9e: {  	_ =	swait.ge [sflag:s22], s20  }
0x9f: {  	s4 =	ssub.s32 $0x0, s20;
	[sflag:s22] =	ssyncset.done $0x0  }
0xa0: {  	[sflag:s22] =	ssyncadd.s32 s4;
	_ =	sdelay $0x1  }
0xa1: {  	s23 =	simm.s32 $0x1B8B  }
0xa2: {  	_ =	swait.ge [sflag:s23], $0x1  }
0xa3: {  	[sflag:s23] =	ssyncset.done $0x0  }
0xa4: {  	s25 =	simm.s32 $0x1B8E;
	s24 =	sld [smem:$0x3FFE];
	[sflag:s23] =	ssyncadd.s32 $0xFFFFFFFF  }
0xa5: {  	s26 =	simm.s32 $execute0_lowered;
	[smem:$0x3FD2] =	sst s25  }
0xa6: {  	s5 =	sshll.u32 s26, $0x1;
	_ =	strace $0x80000049;
	[dreg:$0x1] =	wrdreg $0xFFFFFFFF  }
0xa7: {  	s28 =	simm.s32 $_size_execute0_lowered;
	s3 =	sadd.s32 s3, s5;
	[dreg:$0x0] =	wrdreg $0x0  }
0xa8: {  	s5 =	sshll.u32 s28, $0x1;
	[dreg:$0x2] =	wrdreg s3  }
0xa9: {  	[dreg:$0x3] =	wrdreg s5  }
0xaa: {  	[dreg:$0x4] =	wrdreg $0xC0  }
0xab: {  	_ =	task [dreg:s7], $0x5FFFF  }
0xac: {  	[dreg:$0x1] =	wrdreg $0xFFFFFFFF  }
0xad: {  	[dreg:$0x0] =	wrdreg $0x60  }
0xae: {  	[dreg:$0x2] =	wrdreg s24  }
0xaf: {  	[dreg:$0x3] =	wrdreg s2  }
0xb0: {  	[dreg:$0x4] =	wrdreg $0x6C400  }
0xb1: {  	[dreg:$0x5] =	wrdreg $0x9  }
0xb2: {  	_ =	task.clear_ibuf [dreg:s7], $0x6FFFF;
	_ =	strace $0x90000049  }
0xb3: {  	s29 =	simm.s32 $0x9;
	_ =	strace $0x8000004B  }
0xb4: {  	_ =	swait.ge [sflag:s29], $0x1  }
0xb5: {  	[sflag:s29] =	ssyncadd.s32 $0xFFFFFFFF  }
0xb6: {  	_ =	strace $0x9000004B  }
0xb7: {  	_ =	sfence  }
0xb8: {  	s30 =	sld [smem:$0x0];
	_ =	sdelay $0x2  }
0xb9: {  	s31 =	sshll.u32 s1, $0xD;
	s1 =	sshrl.u32 s1, $0x2  }
0xba: {  	s3 =	sand.u32 $0x4000, s31;
	s1 =	sadd.s32 s1, s30  }
0xbb: {  	s0 =	sor.u32 s3, s0;
	s1 =	sshll.u32 s1, $0x11  }
0xbc: {  	s0 =	sor.u32 s1, s0  }
0xbd: {  	s0 =	sadd.s32 $0x8F2B, s0  }
0xbe: {  	[sflag:s0] =	ssyncadd.remote.s32 $0x1  }
0xbf: {  	_ =	sfence.sel $0xFFFF  }
0xc0: {  	[dreg:$0x0] =	wrdreg $0xFFFFFFFF;
	(pc) =	sbr.abs _section_cstart, $3  }
0xc1: {  	[dreg:$0x1] =	wrdreg $0xFFFFFFFF  }
0xc2: {  	_ =	task.clear_ibuf [dreg:s7], $0x2FFFF;
	_ =	strace $0x9FFFFFFF  }
0xc3: {  	(tm) =	ssettm $0x7FFFFFFF  }
tec
execute0_lowered:
.L_overlay_start_1:
0x0: {  	(tag) =	ssettag $0x1  }
0x1: {  	s0 =	rddreg [dreg:$0x0]  }
0x2: {  	s2 =	rddreg [dreg:$0x2]  }
0x3: {  	s3 =	simm.s32 $0x0;
	s1 =	srdreg.scid;
	s9 =	stileid.u32  }
0x4: {  	s30 =	simm.s32 $0x3B60;
	s31 =	simm.s32 $0x9;
	[smem:$0x7FF] =	sst s3  }
0x5: {  	s5 =	sadd.s32 $0x372600, s0;
	s6 =	sadd.s32 $0x34400, s0;
	s1 =	sand.u32 $0x1, s1  }
0x6: {  	s7 =	sadd.s32 $0x3600, s0;
	s12 =	smul.u32 $0xC380, s9;
	s0 =	sadd.s32 $0x3D4200, s0  }
0x7: {  	_ =	strace $0x8000004A;
	s4 =	sshll.u32 s1, $0x4;
	s8 =	ssub.s32 $0x2, s1  }
0x8: {  	s1 =	smul.u32 $0xC3800, s1;
	s4 =	sor.u32 s9, s4;
	s22 =	sshrl.u32 s8, $0x1  }
0x9: {  	s10 =	sadd.s32 s12, s2;
	s14 =	sadd.s32 $0x30E0, s12;
	s15 =	sadd.s32 $0x61C0, s12  }
0xa: {  	s18 =	sadd.s32 $0x92A0, s12;
	s4 =	smul.u32 $0xC350, s4;
	s8 =	ssub.s32 s8, s22  }
0xb: {  	s11 =	sadd.s32 s14, s2;
	s9 =	sadd.s32 s15, s2;
	s28 =	sadd.s32 s18, s2  }
0xc: {  	s24 =	sadd.s32 s12, s1;
	s25 =	sadd.s32 s1, s14;
	s26 =	sadd.s32 s1, s15  }
0xd: {  	s1 =	sadd.s32 s1, s18;
	s12 =	simm.s32 $0x1;
	s16 =	sshrl.u32 s4, $0x3  }
0xe: {  	s14 =	simm.s32 $0x3;
	s15 =	simm.s32 $0x960;
	s17 =	sadd.s32 $0x32, s16  }
0xf: {  	s18 =	sshrl.u32 s25, $0x3;
	[dreg:$0x4] =	wrdreg s9;
	s13 =	sadd.s32 s6, s17  }
0x10: {  	s1 =	sshrl.u32 s1, $0x3;
	[dreg:$0x6] =	wrdreg s13;
	s13 =	sadd.s32 $0x320, s4  }
0x11: {  	[dreg:$0x5] =	wrdreg s28;
	s17 =	sadd.s32 s7, s17;
	s23 =	sshrl.u32 s13, $0x3  }
0x12: {  	s25 =	sadd.s32 $0x1838, s16;
	[dreg:$0x7] =	wrdreg s17;
	s19 =	sadd.s32 s6, s23  }
0x13: {  	s17 =	sadd.s32 s7, s23;
	s23 =	sadd.s32 s6, s16;
	[dreg:$0x8] =	wrdreg s19  }
0x14: {  	[dreg:$0x9] =	wrdreg s17;
	s17 =	sadd.s32 $0x4B0, s4;
	s4 =	sshrl.u32 s24, $0x3  }
0x15: {  	s19 =	sshrl.u32 s26, $0x3;
	[dreg:$0x10] =	wrdreg s23;
	s24 =	sadd.s32 s7, s16  }
0x16: {  	s26 =	sadd.s32 s6, s25;
	s16 =	simm.s32 $0x5;
	[dreg:$0x11] =	wrdreg s24  }
0x17: {  	s23 =	simm.s32 $0x7D0;
	s4 =	sadd.s32 s0, s4;
	[dreg:$0x12] =	wrdreg s26  }
0x18: {  	s29 =	sshrl.u32 s17, $0x3;
	s20 =	sadd.s32 s0, s19;
	[dreg:$0xa] =	wrdreg s4  }
0x19: {  	s19 =	simm.s32 $0x2;
	s4 =	sadd.s32 s0, s18;
	[dreg:$0xc] =	wrdreg s20  }
0x1a: {  	s24 =	simm.s32 $0x7;
	s0 =	sadd.s32 s0, s1;
	[dreg:$0xb] =	wrdreg s4  }
0x1b: {  	s26 =	simm.s32 $0x0;
	s21 =	sadd.s32 s6, s29;
	[dreg:$0xd] =	wrdreg s0  }
0x1c: {  	s22 =	sadd.s32 s7, s29;
	s29 =	smax.u32 s8, $0x1;
	[dreg:$0xe] =	wrdreg s21  }
0x1d: {  	s1 =	simm.s32 $0x4B0;
	s18 =	simm.s32 $0x640;
	[dreg:$0xf] =	wrdreg s22  }
0x1e: {  	s20 =	simm.s32 $0x4;
	s0 =	sadd.s32 s7, s25;
	[dreg:$0x14] =	wrdreg s29  }
0x1f: {  	s4 =	simm.s32 $0x190;
	s21 =	simm.s32 $0x2260;
	s22 =	simm.s32 $0x6  }
0x20: {  	s25 =	simm.s32 $0x8;
	[dreg:$0x13] =	wrdreg s0;
	s0 =	simm.s32 $0x320  }
.LBB2_1:
0x21: {  	s8 =	rddreg [dreg:$0x1]  }
0x22: {  	[tilespmem:s30], [sflag:$0x9] =	stream.linear.gather [hbm4b:s8+s3], $0x30E0, $0x38;
	[tilespmem:$0x12FC0] =	vst v63  }
0x23: {  	_ =	swait.ge [sflag:s31], $0x30E0  }
0x24: {  	[sflag:s31] =	ssyncset.done $0x0  }
0x25: {  	[sflag:s31] =	ssyncadd.s32 $0xFFFFCF20  }
0x26: {  	[spmem:s10] =	stream.linear.scatter [tilespmem:s30], [sflag:$0x9], $0x30E0, $0x38;
	[tilespmem:$0x12FC0] =	vst v63  }
0x27: {  	_ =	swait.ge [sflag:s31], $0x30E0  }
0x28: {  	[sflag:s31] =	ssyncset.done $0x0  }
0x29: {  	[sflag:s31] =	ssyncadd.s32 $0xFFFFCF20  }
0x2a: {  	[spmem:s11] =	stream.linear.scatter [tilespmem:s30], [sflag:$0x9], $0x30E0, $0x38;
	[tilespmem:$0x12FC0] =	vst v63  }
0x2b: {  	_ =	swait.ge [sflag:s31], $0x30E0  }
0x2c: {  	[sflag:s31] =	ssyncset.done $0x0  }
0x2d: {  	[sflag:s31] =	ssyncadd.s32 $0xFFFFCF20  }
0x2e: {  	[spmem:s9] =	stream.linear.scatter [tilespmem:s30], [sflag:$0x9], $0x30E0, $0x38;
	[tilespmem:$0x12FC0] =	vst v63  }
0x2f: {  	_ =	swait.ge [sflag:s31], $0x30E0  }
0x30: {  	[sflag:s31] =	ssyncset.done $0x0  }
0x31: {  	[sflag:s31] =	ssyncadd.s32 $0xFFFFCF20  }
0x32: {  	[spmem:s28] =	stream.linear.scatter [tilespmem:s30], [sflag:$0x9], $0x30E0, $0x38;
	[tilespmem:$0x12FC0] =	vst v63  }
0x33: {  	_ =	swait.ge [sflag:s31], $0x30E0  }
0x34: {  	[sflag:s31] =	ssyncset.done $0x0  }
0x35: {  	[sflag:s31] =	ssyncadd.s32 $0xFFFFCF20  }
0x36: {  	[bflag:$0x0] =	sbarrier.arrive $0xFFFF  }
0x37: {  	s9 =	rddreg [dreg:$0x10]  }
0x38: {  	[tilespmem:s3], [sflag:$0x1] =	stream.linear.gather [hbm4b:s9+s3], $0x190, $0x38;
	[tilespmem:$0x12FC0] =	vst v63  }
0x39: {  	s9 =	rddreg [dreg:$0x11]  }
0x3a: {  	[tilespmem:s0], [sflag:$0x3] =	stream.linear.gather [hbm4b:s9+s3], $0x190, $0x38;
	[tilespmem:$0x12FC0] =	vst v63  }
0x3b: {  	s9 =	rddreg [dreg:$0x6]  }
0x3c: {  	[tilespmem:s4], [sflag:$0x2] =	stream.linear.gather [hbm4b:s9+s3], $0x190, $0x38;
	[tilespmem:$0x12FC0] =	vst v63  }
0x3d: {  	s9 =	rddreg [dreg:$0x7]  }
0x3e: {  	[tilespmem:s1], [sflag:$0x4] =	stream.linear.gather [hbm4b:s9+s3], $0x190, $0x38;
	[tilespmem:$0x12FC0] =	vst v63  }
0x3f: {  	_ =	swait.ge [sflag:s12], $0x190  }
0x40: {  	[sflag:s12] =	ssyncset.done $0x0  }
0x41: {  	[sflag:s12] =	ssyncadd.s32 $0xFFFFFE70  }
0x42: {  	_ =	swait.ge [sflag:s14], $0x190  }
0x43: {  	[sflag:s14] =	ssyncset.done $0x0  }
0x44: {  	s28 =	simm.s32 $0x0;
	[sflag:s14] =	ssyncadd.s32 $0xFFFFFE70  }
0x45: {  	s29 =	simm.s32 $0x40;
	v0 =	vld [tilespmem:s28+$0x320]  }
.LBB2_2:
0x46: {  	p0 =	sne.s32 s29, $0x600;
	v1 =	vld [tilespmem:s28+$0x0];
	_ =	sdelay $0x2  }
.Ltmp0:
0x47: {  	(pc) =	sbr.rel @p0 .LBB2_2-.Ltmp0, $4  }
0x48: {  	v2 =	vshra.s32 v0, $0x1  }
0x49: {  	v0 =	vand.u32 $0x1, v0;
	v1 =	vshll.u32 v1, $0x1;
	[tilespmem:s28+$0x640] =	vst v2  }
0x4a: {  	s8 =	sshra.s32 s29, $0x2;
	v1 =	vor.u32 v1, v0  }
0x4b: {  	s29 =	sadd.s32 $0x40, s29;
	v0 =	vld [tilespmem:s8+$0x320];
	[tilespmem:s28+$0x0] =	vst v1;
	s28 =	smov.u32 s8  }
0x4c: {  	v1 =	vld [tilespmem:s28+$0x0];
	_ =	sdelay $0x4  }
0x4d: {  	v2 =	vshra.s32 v0, $0x1;
	v0 =	vand.u32 $0x1, v0;
	v1 =	vshll.u32 v1, $0x1  }
0x4e: {  	[tilespmem:s28+$0x640] =	vst v2;
	v0 =	vor.u32 v1, v0  }
0x4f: {  	s8 =	simm.s32 $0x0;
	[tilespmem:s28+$0x0] =	vst v0  }
0x50: {  	[tilespmem:s15], [sflag:$0x5] =	stream.indirect.gather [hbm4b:s5+s4], $0x10, s8, s4, $0xb8;
	[tilespmem:$0x12FC0] =	vst v63  }
0x51: {  	_ =	swait.ge [sflag:s16], $0x1900  }
0x52: {  	[sflag:s16] =	ssyncset.done $0x0  }
0x53: {  	[sflag:s16] =	ssyncadd.s32 $0xFFFFE700  }
0x54: {  	[spmem:s2] =	stream.indirect.scatter.add.f32 [tilespmem:s15], [sflag:$0x7], $0x10, s18, s4, $0xb8;
	[tilespmem:$0x12FC0] =	vst v63  }
0x55: {  	s9 =	rddreg [dreg:$0x8]  }
0x56: {  	[tilespmem:s8], [sflag:$0x1] =	stream.linear.gather [hbm4b:s9+s8], $0x190, $0x38;
	[tilespmem:$0x12FC0] =	vst v63  }
0x57: {  	s9 =	rddreg [dreg:$0x9]  }
0x58: {  	[tilespmem:s0], [sflag:$0x3] =	stream.linear.gather [hbm4b:s9+s8], $0x190, $0x38;
	[tilespmem:$0x12FC0] =	vst v63  }
0x59: {  	_ =	swait.ge [sflag:s19], $0x190  }
0x5a: {  	[sflag:s19] =	ssyncset.done $0x0  }
0x5b: {  	[sflag:s19] =	ssyncadd.s32 $0xFFFFFE70  }
0x5c: {  	_ =	swait.ge [sflag:s20], $0x190  }
0x5d: {  	[sflag:s20] =	ssyncset.done $0x0  }
0x5e: {  	s28 =	simm.s32 $0x0;
	[sflag:s20] =	ssyncadd.s32 $0xFFFFFE70  }
0x5f: {  	s29 =	simm.s32 $0x40;
	v0 =	vld [tilespmem:s28+$0x4B0]  }
.LBB2_4:
0x60: {  	p0 =	sne.s32 s29, $0x600;
	v1 =	vld [tilespmem:s28+$0x190];
	_ =	sdelay $0x2  }
.Ltmp1:
0x61: {  	(pc) =	sbr.rel @p0 .LBB2_4-.Ltmp1, $4  }
0x62: {  	v2 =	vshra.s32 v0, $0x1  }
0x63: {  	v0 =	vand.u32 $0x1, v0;
	v1 =	vshll.u32 v1, $0x1;
	[tilespmem:s28+$0x7D0] =	vst v2  }
0x64: {  	s8 =	sshra.s32 s29, $0x2;
	v1 =	vor.u32 v1, v0  }
0x65: {  	s29 =	sadd.s32 $0x40, s29;
	v0 =	vld [tilespmem:s8+$0x4B0];
	[tilespmem:s28+$0x190] =	vst v1;
	s28 =	smov.u32 s8  }
0x66: {  	v1 =	vld [tilespmem:s28+$0x190];
	_ =	sdelay $0x4  }
0x67: {  	v2 =	vshra.s32 v0, $0x1;
	v63 =	vand.u32 $0x1, v0;
	v1 =	vshll.u32 v1, $0x1  }
0x68: {  	[tilespmem:s28+$0x7D0] =	vst v2;
	v0 =	vor.u32 v1, v63  }
0x69: {  	[tilespmem:s28+$0x190] =	vst v0  }
0x6a: {  	[tilespmem:s21], [sflag:$0x6] =	stream.indirect.gather [hbm4b:s5+s4], $0x10, s4, s4, $0xb8;
	[tilespmem:$0x12FC0] =	vst v63  }
0x6b: {  	_ =	swait.ge [sflag:s22], $0x1900  }
0x6c: {  	[sflag:s22] =	ssyncset.done $0x0  }
0x6d: {  	[sflag:s22] =	ssyncadd.s32 $0xFFFFE700  }
0x6e: {  	[spmem:s2] =	stream.indirect.scatter.add.f32 [tilespmem:s21], [sflag:$0x8], $0x10, s23, s4, $0xb8;
	[tilespmem:$0x12FC0] =	vst v63  }
0x6f: {  	s8 =	rddreg [dreg:$0xe]  }
0x70: {  	[tilespmem:s4], [sflag:$0x2] =	stream.linear.gather [hbm4b:s8+s3], $0x190, $0x38;
	[tilespmem:$0x12FC0] =	vst v63  }
0x71: {  	s28 =	simm.s32 $0x1;
	s29 =	rddreg [dreg:$0xf]  }
0x72: {  	[tilespmem:s1], [sflag:$0x4] =	stream.linear.gather [hbm4b:s29+s3], $0x190, $0x38;
	[tilespmem:$0x12FC0] =	vst v63  }
.LBB2_6:
0x73: {  	_ =	swait.ge [sflag:s24], $0x1900  }
0x74: {  	[sflag:s24] =	ssyncset.done $0x0  }
0x75: {  	[sflag:s24] =	ssyncadd.s32 $0xFFFFE700  }
0x76: {  	_ =	swait.ge [sflag:s12], $0x190  }
0x77: {  	[sflag:s12] =	ssyncset.done $0x0  }
0x78: {  	[sflag:s12] =	ssyncadd.s32 $0xFFFFFE70  }
0x79: {  	_ =	swait.ge [sflag:s14], $0x190  }
0x7a: {  	[sflag:s14] =	ssyncset.done $0x0  }
0x7b: {  	s29 =	simm.s32 $0x0;
	[sflag:s14] =	ssyncadd.s32 $0xFFFFFE70  }
0x7c: {  	s8 =	simm.s32 $0x40;
	v0 =	vld [tilespmem:s29+$0x320]  }
.LBB2_7:
0x7d: {  	p0 =	sne.s32 s8, $0x600;
	v1 =	vld [tilespmem:s29+$0x0];
	_ =	sdelay $0x2  }
.Ltmp2:
0x7e: {  	(pc) =	sbr.rel @p0 .LBB2_7-.Ltmp2, $4  }
0x7f: {  	v2 =	vshra.s32 v0, $0x1  }
0x80: {  	v0 =	vand.u32 $0x1, v0;
	v1 =	vshll.u32 v1, $0x1;
	[tilespmem:s29+$0x640] =	vst v2  }
0x81: {  	s9 =	sshra.s32 s8, $0x2;
	v1 =	vor.u32 v1, v0  }
0x82: {  	s8 =	sadd.s32 $0x40, s8;
	v0 =	vld [tilespmem:s9+$0x320];
	[tilespmem:s29+$0x0] =	vst v1;
	s29 =	smov.u32 s9  }
0x83: {  	v1 =	vld [tilespmem:s29+$0x0];
	_ =	sdelay $0x4  }
0x84: {  	v2 =	vshra.s32 v0, $0x1;
	v0 =	vand.u32 $0x1, v0;
	v1 =	vshll.u32 v1, $0x1  }
0x85: {  	[tilespmem:s29+$0x640] =	vst v2;
	v0 =	vor.u32 v1, v0  }
0x86: {  	s8 =	simm.s32 $0x0;
	s9 =	smul.u32 $0x320, s28;
	[tilespmem:s29+$0x0] =	vst v0  }
0x87: {  	[tilespmem:s15], [sflag:$0x5] =	stream.indirect.gather [hbm4b:s5+s4], $0x10, s8, s4, $0xb8;
	[tilespmem:$0x12FC0] =	vst v63  }
0x88: {  	_ =	swait.ge [sflag:s16], $0x1900  }
0x89: {  	s9 =	sadd.s32 s9, s13;
	[sflag:s16] =	ssyncset.done $0x0  }
0x8a: {  	s9 =	sshrl.u32 s9, $0x3;
	[sflag:s16] =	ssyncadd.s32 $0xFFFFE700  }
0x8b: {  	[spmem:s2] =	stream.indirect.scatter.add.f32 [tilespmem:s15], [sflag:$0x7], $0x10, s18, s4, $0xb8;
	[tilespmem:$0x12FC0] =	vst v63  }
0x8c: {  	s29 =	sadd.s32 s6, s9  }
0x8d: {  	[tilespmem:s8], [sflag:$0x1] =	stream.linear.gather [hbm4b:s29+s8], $0x190, $0x38;
	[tilespmem:$0x12FC0] =	vst v63  }
0x8e: {  	s9 =	sadd.s32 s7, s9  }
0x8f: {  	[tilespmem:s0], [sflag:$0x3] =	stream.linear.gather [hbm4b:s9+s8], $0x190, $0x38;
	[tilespmem:$0x12FC0] =	vst v63  }
0x90: {  	_ =	swait.ge [sflag:s25], $0x1900  }
0x91: {  	[sflag:s25] =	ssyncset.done $0x0  }
0x92: {  	[sflag:s25] =	ssyncadd.s32 $0xFFFFE700  }
0x93: {  	_ =	swait.ge [sflag:s19], $0x190  }
0x94: {  	[sflag:s19] =	ssyncset.done $0x0  }
0x95: {  	[sflag:s19] =	ssyncadd.s32 $0xFFFFFE70  }
0x96: {  	_ =	swait.ge [sflag:s20], $0x190  }
0x97: {  	[sflag:s20] =	ssyncset.done $0x0  }
0x98: {  	s29 =	simm.s32 $0x0;
	[sflag:s20] =	ssyncadd.s32 $0xFFFFFE70  }
0x99: {  	s8 =	simm.s32 $0x40;
	v0 =	vld [tilespmem:s29+$0x4B0]  }
.LBB2_9:
0x9a: {  	p0 =	sne.s32 s8, $0x600;
	v1 =	vld [tilespmem:s29+$0x190];
	_ =	sdelay $0x2  }
.Ltmp3:
0x9b: {  	(pc) =	sbr.rel @p0 .LBB2_9-.Ltmp3, $4  }
0x9c: {  	v2 =	vshra.s32 v0, $0x1  }
0x9d: {  	v0 =	vand.u32 $0x1, v0;
	v1 =	vshll.u32 v1, $0x1;
	[tilespmem:s29+$0x7D0] =	vst v2  }
0x9e: {  	s9 =	sshra.s32 s8, $0x2;
	v1 =	vor.u32 v1, v0  }
0x9f: {  	s8 =	sadd.s32 $0x40, s8;
	v0 =	vld [tilespmem:s9+$0x4B0];
	[tilespmem:s29+$0x190] =	vst v1;
	s29 =	smov.u32 s9  }
0xa0: {  	v1 =	vld [tilespmem:s29+$0x190];
	_ =	sdelay $0x4  }
0xa1: {  	v2 =	vshra.s32 v0, $0x1;
	v63 =	vand.u32 $0x1, v0;
	v1 =	vshll.u32 v1, $0x1  }
0xa2: {  	s8 =	sshll.u32 s28, $0x1;
	[tilespmem:s29+$0x7D0] =	vst v2;
	v0 =	vor.u32 v1, v63  }
0xa3: {  	s8 =	smin.u32 s8, $0x79;
	[tilespmem:s29+$0x190] =	vst v0  }
0xa4: {  	[tilespmem:s21], [sflag:$0x6] =	stream.indirect.gather [hbm4b:s5+s4], $0x10, s4, s4, $0xb8;
	[tilespmem:$0x12FC0] =	vst v63  }
0xa5: {  	s8 =	smul.u32 $0x190, s8;
	_ =	swait.ge [sflag:s22], $0x1900  }
0xa6: {  	s28 =	sadd.s32 $0x1, s28;
	[sflag:s22] =	ssyncset.done $0x0  }
0xa7: {  	p0 =	sne.s32 s28, $0x3E;
	s8 =	sadd.s32 s8, s17;
	[sflag:s22] =	ssyncadd.s32 $0xFFFFE700  }
0xa8: {  	[spmem:s2] =	stream.indirect.scatter.add.f32 [tilespmem:s21], [sflag:$0x8], $0x10, s23, s4, $0xb8;
	[tilespmem:$0x12FC0] =	vst v63  }
.Ltmp4:
0xa9: {  	s8 =	sshrl.u32 s8, $0x3;
	(pc) =	sbr.rel @p0 .LBB2_6-.Ltmp4, $4  }
0xaa: {  	s9 =	sadd.s32 s6, s8  }
0xab: {  	[tilespmem:s4], [sflag:$0x2] =	stream.linear.gather [hbm4b:s9+s3], $0x190, $0x38;
	[tilespmem:$0x12FC0] =	vst v63  }
0xac: {  	s8 =	sadd.s32 s7, s8  }
0xad: {  	[tilespmem:s1], [sflag:$0x4] =	stream.linear.gather [hbm4b:s8+s3], $0x190, $0x38;
	[tilespmem:$0x12FC0] =	vst v63  }
0xae: {  	_ =	swait.ge [sflag:s24], $0x1900  }
0xaf: {  	[sflag:s24] =	ssyncset.done $0x0  }
0xb0: {  	[sflag:s24] =	ssyncadd.s32 $0xFFFFE700  }
0xb1: {  	_ =	swait.ge [sflag:s12], $0x190  }
0xb2: {  	[sflag:s12] =	ssyncset.done $0x0  }
0xb3: {  	[sflag:s12] =	ssyncadd.s32 $0xFFFFFE70  }
0xb4: {  	_ =	swait.ge [sflag:s14], $0x190  }
0xb5: {  	[sflag:s14] =	ssyncset.done $0x0  }
0xb6: {  	s28 =	simm.s32 $0x0;
	[sflag:s14] =	ssyncadd.s32 $0xFFFFFE70  }
0xb7: {  	s8 =	simm.s32 $0x40;
	v0 =	vld [tilespmem:s28+$0x320]  }
.LBB2_12:
0xb8: {  	p0 =	sne.s32 s8, $0x600;
	v1 =	vld [tilespmem:s28+$0x0];
	_ =	sdelay $0x2  }
.Ltmp5:
0xb9: {  	(pc) =	sbr.rel @p0 .LBB2_12-.Ltmp5, $4  }
0xba: {  	v2 =	vshra.s32 v0, $0x1  }
0xbb: {  	v0 =	vand.u32 $0x1, v0;
	v1 =	vshll.u32 v1, $0x1;
	[tilespmem:s28+$0x640] =	vst v2  }
0xbc: {  	s9 =	sshra.s32 s8, $0x2;
	v1 =	vor.u32 v1, v0  }
0xbd: {  	s8 =	sadd.s32 $0x40, s8;
	v0 =	vld [tilespmem:s9+$0x320];
	[tilespmem:s28+$0x0] =	vst v1;
	s28 =	smov.u32 s9  }
0xbe: {  	v1 =	vld [tilespmem:s28+$0x0];
	_ =	sdelay $0x4  }
0xbf: {  	v2 =	vshra.s32 v0, $0x1;
	v63 =	vand.u32 $0x1, v0;
	v1 =	vshll.u32 v1, $0x1  }
0xc0: {  	[tilespmem:s28+$0x640] =	vst v2;
	v0 =	vor.u32 v1, v63  }
0xc1: {  	[tilespmem:s28+$0x0] =	vst v0  }
0xc2: {  	[tilespmem:s15], [sflag:$0x5] =	stream.indirect.gather [hbm4b:s5+s4], $0x10, s3, s4, $0xb8;
	[tilespmem:$0x12FC0] =	vst v63  }
0xc3: {  	_ =	swait.ge [sflag:s16], $0x1900  }
0xc4: {  	[sflag:s16] =	ssyncset.done $0x0  }
0xc5: {  	[sflag:s16] =	ssyncadd.s32 $0xFFFFE700  }
0xc6: {  	[spmem:s2] =	stream.indirect.scatter.add.f32 [tilespmem:s15], [sflag:$0x7], $0x10, s18, s4, $0xb8;
	[tilespmem:$0x12FC0] =	vst v63  }
0xc7: {  	s8 =	rddreg [dreg:$0x12]  }
0xc8: {  	[tilespmem:s3], [sflag:$0x1] =	stream.linear.gather [hbm4b:s8+s3], $0x190, $0x38;
	[tilespmem:$0x12FC0] =	vst v63  }
0xc9: {  	s9 =	rddreg [dreg:$0x13]  }
0xca: {  	[tilespmem:s0], [sflag:$0x3] =	stream.linear.gather [hbm4b:s9+s3], $0x190, $0x38;
	[tilespmem:$0x12FC0] =	vst v63  }
0xcb: {  	_ =	swait.ge [sflag:s24], $0x1900  }
0xcc: {  	[sflag:s24] =	ssyncset.done $0x0  }
0xcd: {  	[sflag:s24] =	ssyncadd.s32 $0xFFFFE700  }
0xce: {  	_ =	swait.ge [sflag:s12], $0x190  }
0xcf: {  	[sflag:s12] =	ssyncset.done $0x0  }
0xd0: {  	[sflag:s12] =	ssyncadd.s32 $0xFFFFFE70  }
0xd1: {  	_ =	swait.ge [sflag:s14], $0x190  }
0xd2: {  	[sflag:s14] =	ssyncset.done $0x0  }
0xd3: {  	[sflag:s14] =	ssyncadd.s32 $0xFFFFFE70  }
0xd4: {  	_ =	swait.ge [sflag:s25], $0x1900  }
0xd5: {  	[sflag:s25] =	ssyncset.done $0x0  }
0xd6: {  	[sflag:s25] =	ssyncadd.s32 $0xFFFFE700  }
0xd7: {  	_ =	swait.ge [sflag:s19], $0x190  }
0xd8: {  	[sflag:s19] =	ssyncset.done $0x0  }
0xd9: {  	[sflag:s19] =	ssyncadd.s32 $0xFFFFFE70  }
0xda: {  	_ =	swait.ge [sflag:s20], $0x190  }
0xdb: {  	[sflag:s20] =	ssyncset.done $0x0  }
0xdc: {  	[sflag:s20] =	ssyncadd.s32 $0xFFFFFE70  }
0xdd: {  	[bflag:$0x0] =	sbarrier.arrive $0xFFFF  }
0xde: {  	[tilespmem:s30], [sflag:$0x9] =	stream.linear.gather [spmem:s10], $0x30E0, $0x38;
	[tilespmem:$0x12FC0] =	vst v63  }
0xdf: {  	_ =	swait.ge [sflag:s31], $0x30E0  }
0xe0: {  	[sflag:s31] =	ssyncset.done $0x0  }
0xe1: {  	s29 =	rddreg [dreg:$0xa];
	[sflag:s31] =	ssyncadd.s32 $0xFFFFCF20  }
0xe2: {  	[hbm4b:s29+s3] =	stream.linear.scatter [tilespmem:s30], [sflag:$0x9], $0x30E0, $0x38;
	[tilespmem:$0x12FC0] =	vst v63  }
0xe3: {  	_ =	swait.ge [sflag:s31], $0x30E0  }
0xe4: {  	[sflag:s31] =	ssyncset.done $0x0  }
0xe5: {  	[sflag:s31] =	ssyncadd.s32 $0xFFFFCF20  }
0xe6: {  	[tilespmem:s30], [sflag:$0x9] =	stream.linear.gather [spmem:s11], $0x30E0, $0x38;
	[tilespmem:$0x12FC0] =	vst v63  }
0xe7: {  	_ =	swait.ge [sflag:s31], $0x30E0  }
0xe8: {  	[sflag:s31] =	ssyncset.done $0x0  }
0xe9: {  	s9 =	rddreg [dreg:$0xb];
	[sflag:s31] =	ssyncadd.s32 $0xFFFFCF20  }
0xea: {  	[hbm4b:s9+s3] =	stream.linear.scatter [tilespmem:s30], [sflag:$0x9], $0x30E0, $0x38;
	[tilespmem:$0x12FC0] =	vst v63  }
0xeb: {  	_ =	swait.ge [sflag:s31], $0x30E0  }
0xec: {  	[sflag:s31] =	ssyncset.done $0x0  }
0xed: {  	s9 =	rddreg [dreg:$0x4];
	[sflag:s31] =	ssyncadd.s32 $0xFFFFCF20  }
0xee: {  	[tilespmem:s30], [sflag:$0x9] =	stream.linear.gather [spmem:s9], $0x30E0, $0x38;
	[tilespmem:$0x12FC0] =	vst v63  }
0xef: {  	_ =	swait.ge [sflag:s31], $0x30E0  }
0xf0: {  	[sflag:s31] =	ssyncset.done $0x0  }
0xf1: {  	s29 =	rddreg [dreg:$0xc];
	[sflag:s31] =	ssyncadd.s32 $0xFFFFCF20  }
0xf2: {  	[hbm4b:s29+s3] =	stream.linear.scatter [tilespmem:s30], [sflag:$0x9], $0x30E0, $0x38;
	[tilespmem:$0x12FC0] =	vst v63  }
0xf3: {  	_ =	swait.ge [sflag:s31], $0x30E0  }
0xf4: {  	[sflag:s31] =	ssyncset.done $0x0  }
0xf5: {  	s28 =	rddreg [dreg:$0x5];
	[sflag:s31] =	ssyncadd.s32 $0xFFFFCF20  }
0xf6: {  	[tilespmem:s30], [sflag:$0x9] =	stream.linear.gather [spmem:s28], $0x30E0, $0x38;
	[tilespmem:$0x12FC0] =	vst v63  }
0xf7: {  	_ =	swait.ge [sflag:s31], $0x30E0  }
0xf8: {  	[sflag:s31] =	ssyncset.done $0x0  }
0xf9: {  	s29 =	rddreg [dreg:$0xd];
	[sflag:s31] =	ssyncadd.s32 $0xFFFFCF20  }
0xfa: {  	[hbm4b:s29+s3] =	stream.linear.scatter [tilespmem:s30], [sflag:$0x9], $0x30E0, $0x38;
	[tilespmem:$0x12FC0] =	vst v63  }
0xfb: {  	_ =	swait.ge [sflag:s31], $0x30E0  }
0xfc: {  	s26 =	sadd.s32 $0x1, s26;
	s29 =	rddreg [dreg:$0x14]  }
0xfd: {  	p0 =	sne.s32 s26, s29  }
.Ltmp6:
0xfe: {  	_ = 	snop;
	(pc) =	sbr.rel @p0 .LBB2_1-.Ltmp6, $3  }
0xff: {  	_ =	sdelay $0x1  }
0x100: {  	[sflag:s31] =	ssyncset.done $0x0  }
0x101: {  	[sflag:s31] =	ssyncadd.s32 $0xFFFFCF20  }
0x102: {  	_ =	sfence.sel $0x180000  }
0x103: {  	[bflag:$0x0] =	sbarrier.arrive $0xFFFF  }
0x104: {  	_ =	strace $0x9000004A  }
0x105: {  	s0 =	stileid.u32;
	[bflag:$0x2] =	sbarrier.arrive $0xFFFF  }
0x106: {  	p0 =	sne.s32 s0, $0x0;
	s0 =	rddreg [dreg:$0x3]  }
0x107: {  	s0 =	sadd.s32 @!p0 $0x100000, s0  }
0x108: {  	[sflag:s0] =	ssyncadd.tile.s32 @!p0 $0x1;
	_ =	shalt  }
.Lfunc_end2:
_tile_overlayer_lowered:
.L_overlay_start_2:
0x109: {  	(tag) =	ssettag $0x2  }
0x10a: {  	s0 =	rddreg [dreg:$0x0];
	s2 =	stileid.u32  }
0x10b: {  	s1 =	rddreg [dreg:$0x1];
	p0 =	sne.s32 s2, $0x0  }
0x10c: {  	s3 =	rddreg [dreg:$0x2];
	[bflag:$0x3] =	sbarrier.arrive $0xFFFF;
	s2 =	simm.s32 @!p0 $0x1C09  }
0x10d: {  	[timem:s3], [sflag:s2] =	dma.local @!p0 [hbm:s0], s1  }
0x10e: {  	s0 =	simm.s32 @!p0 $0x9  }
0x10f: {  	_ =	swait.ge @!p0 [sflag:s0], s1  }
0x110: {  	s1 =	ssub.s32 @!p0 $0x0, s1;
	[sflag:s0] =	ssyncset.done @!p0 $0x0  }
0x111: {  	[sflag:s0] =	ssyncadd.s32 @!p0 s1  }
0x112: {  	[bflag:$0x3] =	sbarrier.arrive $0xFFFF  }
0x113: {  	_ =	shalt  }

</sc_bundles>
